<compile_context>
chip_gen: v7x
topology: tpu7x:2x2x1
jax: 0.10.2.dev20260603
libtpu: 0.0.44.dev20260713+nightly
codegen_flags: <defaults>
</compile_context>

<pallas_src>
import jax
import jax.numpy as jnp
from jax import lax
from jax.experimental import pallas as pl
from jax.experimental.pallas import tpu as pltpu
import jax.experimental.pallas.tpu_sc as plsc

H = 768
E = 8
I = 1536
EPS = 1e-06
T = 2048
CAP = 256
SLOT = CAP + 16
NC = 2
NS = 16
L = 16
RPW = T // (NC * NS)
DEAD = T


def _rmsnorm(x, w, eps):
    v = jnp.mean(jnp.square(x), axis=-1, keepdims=True)
    return x * lax.rsqrt(v + eps) * w


def _quant_act(x):
    s = 127.0 / jnp.clip(jnp.max(jnp.abs(x), axis=-1, keepdims=True), 1e-5, None)
    return jnp.clip(jnp.round(x * s), -128.0, 127.0) / s


def _quant_w(w):
    s = 1.0 / jnp.clip(jnp.mean(jnp.abs(w)), 1e-5, None)
    return jnp.clip(jnp.round(w * s), -1.0, 1.0) / s


def _bitlinear(x, w, nw):
    xq = _quant_act(_rmsnorm(x, nw, 1e-8))
    wq = _quant_w(w)
    return jnp.dot(xq.astype(jnp.bfloat16), wq.astype(jnp.bfloat16),
                   preferred_element_type=jnp.float32)


RB = 128


def _router_body(x_ref, nw_ref, gw_ref, mask_ref, rank_ref, carry):
    x = x_ref[...]
    xn = _rmsnorm(x, nw_ref[...], EPS)
    logits = jnp.dot(xn.astype(jnp.bfloat16), gw_ref[...].astype(jnp.bfloat16),
                     preferred_element_type=jnp.float32)
    mx = jnp.max(logits, axis=-1, keepdims=True)
    p = jnp.exp(logits - mx)
    probs = p / jnp.sum(p, axis=-1, keepdims=True)
    ie = lax.broadcasted_iota(jnp.int32, logits.shape, 1)
    i1 = jnp.min(jnp.where(logits == mx, ie, E), axis=-1, keepdims=True)
    one = ie == i1
    logits2 = jnp.where(one, -jnp.inf, logits)
    l2 = jnp.max(logits2, axis=-1, keepdims=True)
    i2 = jnp.min(jnp.where(logits2 == l2, ie, E), axis=-1, keepdims=True)
    two = ie == i2
    m1 = jnp.max(jnp.where(one, probs, 0.0), axis=-1, keepdims=True)
    m2 = jnp.max(jnp.where(two, probs, 0.0), axis=-1, keepdims=True)
    mask_ref[...] = jnp.where(one, m1, 0.0) + jnp.where(two, -m2, 0.0)

    @pl.when(pl.program_id(0) == 0)
    def _():
        carry[...] = jnp.zeros((1, E), jnp.float32)

    hit = jnp.where(one | two, 1.0, 0.0)
    ir = lax.broadcasted_iota(jnp.int32, (RB, RB), 0)
    ic = lax.broadcasted_iota(jnp.int32, (RB, RB), 1)
    tril = jnp.where(ir > ic, 1.0, 0.0).astype(jnp.bfloat16)
    within = jnp.dot(tril, hit.astype(jnp.bfloat16),
                     preferred_element_type=jnp.float32)
    rank_ref[...] = (within + carry[...]).astype(jnp.int32)
    carry[...] = carry[...] + jnp.sum(hit, axis=0, keepdims=True)


def _router(xf, gate_norm_w, gate_w):
    return pl.pallas_call(
        _router_body,
        grid=(T // RB,),
        in_specs=[
            pl.BlockSpec((RB, H), lambda t: (t, 0)),
            pl.BlockSpec((1, H), lambda t: (0, 0)),
            pl.BlockSpec((H, E), lambda t: (0, 0)),
        ],
        out_specs=[
            pl.BlockSpec((RB, E), lambda t: (t, 0)),
            pl.BlockSpec((RB, E), lambda t: (t, 0)),
        ],
        out_shape=[
            jax.ShapeDtypeStruct((T, E), jnp.float32),
            jax.ShapeDtypeStruct((T, E), jnp.int32),
        ],
        scratch_shapes=[pltpu.VMEM((1, E), jnp.float32)],
    )(xf, gate_norm_w.reshape(1, H), gate_w)


def _dispatch_body(mask_hbm, rank_hbm, xf_hbm, sel_out, wsel_out, gidx_out,
                   xd_out, mask_v, rank_v, sel_v, wsel_v, gidx_v, sp_sel,
                   idx_v, rows_v, sem):
    c = lax.axis_index("c")
    s = lax.axis_index("s")

    @pl.when(s < 4)
    def _():
        e = c * 4 + s
        for i in range(SLOT // L):
            sel_v[pl.ds(i * L, L)] = jnp.zeros((L,), jnp.int32)
            wsel_v[pl.ds(i * L, L)] = jnp.zeros((L,), jnp.float32)

        def initg(i, _):
            gidx_v[pl.ds(i * L, L)] = jnp.full((L,), DEAD, jnp.int32)
            return 0

        lax.fori_loop(0, 2 * T // L, initg, 0)

        pltpu.sync_copy(mask_hbm, mask_v)
        pltpu.sync_copy(rank_hbm, rank_v)

        def step(t, _):
            loc = t * L + lax.iota(jnp.int32, L)
            col = plsc.load_gather(mask_v, [loc * E + e])
            r = plsc.load_gather(rank_v, [loc * E + e])
            m = col != 0.0
            kbit = jnp.where(col < 0.0, 1, 0).astype(jnp.int32)
            keep = m & (r < CAP)
            slot = jnp.where(keep, r, CAP)
            plsc.store_scatter(sel_v, [slot], loc, mask=keep)
            plsc.store_scatter(wsel_v, [slot], jnp.abs(col), mask=keep)
            plsc.store_scatter(gidx_v, [2 * loc + kbit],
                               e * CAP + slot, mask=keep)
            return 0

        lax.fori_loop(0, T // L, step, 0)
        pltpu.sync_copy(sel_v, sel_out.at[e])
        pltpu.sync_copy(wsel_v, wsel_out.at[e])
        pltpu.sync_copy(gidx_v, gidx_out.at[e])
        pltpu.sync_copy(sel_v, sp_sel.at[pl.ds(s * SLOT, SLOT)])

    plsc.subcore_barrier()

    e_loc = s // 4
    c0 = (s % 4) * RPW
    pltpu.sync_copy(sp_sel.at[pl.ds(e_loc * SLOT + c0, RPW)], idx_v)
    rbase = (c * 4 + e_loc) * CAP + c0
    pltpu.async_copy(xf_hbm.at[idx_v], rows_v, sem).wait()
    pltpu.sync_copy(rows_v, xd_out.at[pl.ds(rbase, RPW)])


def _dispatch(mask, rank, xf):
    mesh = plsc.VectorSubcoreMesh(core_axis_name="c", subcore_axis_name="s",
                                  num_cores=NC, num_subcores=NS)
    return pl.kernel(
        _dispatch_body,
        out_type=[
            jax.ShapeDtypeStruct((E, SLOT), jnp.int32),
            jax.ShapeDtypeStruct((E, SLOT), jnp.float32),
            jax.ShapeDtypeStruct((E, 2 * T), jnp.int32),
            jax.ShapeDtypeStruct((T, H), jnp.float32),
        ],
        mesh=mesh,
        compiler_params=pltpu.CompilerParams(needs_layout_passes=False),
        scratch_types=[
            pltpu.VMEM((T * E,), jnp.float32),
            pltpu.VMEM((T * E,), jnp.int32),
            pltpu.VMEM((SLOT,), jnp.int32),
            pltpu.VMEM((SLOT,), jnp.float32),
            pltpu.VMEM((2 * T,), jnp.int32),
            pltpu.VMEM_SHARED((4 * SLOT,), jnp.int32),
            pltpu.VMEM((RPW,), jnp.int32),
            pltpu.VMEM((RPW, H), jnp.float32),
            pltpu.SemaphoreType.DMA,
        ],
    )(mask, rank, xf)


def _expert_body(xd_ref, gw_ref, gnw_ref, dw_ref, dnw_ref, wsel_ref, out_ref):
    x = xd_ref[...]
    y = _bitlinear(x, gw_ref[0], gnw_ref[0])
    gate = y[:, :I]
    up = y[:, I:]
    z = gate * jax.nn.sigmoid(gate) * up
    o = _bitlinear(z, dw_ref[0], dnw_ref[0])
    out_ref[...] = o * wsel_ref[0]


def _experts(xd, gw, gnw, dw, dnw, wsel):
    return pl.pallas_call(
        _expert_body,
        grid=(E,),
        in_specs=[
            pl.BlockSpec((CAP, H), lambda e: (e, 0)),
            pl.BlockSpec((1, H, 2 * I), lambda e: (e, 0, 0)),
            pl.BlockSpec((1, 1, H), lambda e: (e, 0, 0)),
            pl.BlockSpec((1, I, H), lambda e: (e, 0, 0)),
            pl.BlockSpec((1, 1, I), lambda e: (e, 0, 0)),
            pl.BlockSpec((1, CAP, 1), lambda e: (e, 0, 0)),
        ],
        out_specs=pl.BlockSpec((CAP, H), lambda e: (e, 0)),
        out_shape=jax.ShapeDtypeStruct((T, H), jnp.float32),
    )(xd, gw, gnw.reshape(E, 1, H), dw, dnw.reshape(E, 1, I), wsel)


def _gather_body(eo_hbm, gidxt_hbm, g_out, idx8_v, idx_v, rows_a, rows_b,
                 sem_a, sem_b):
    c = lax.axis_index("c")
    s = lax.axis_index("s")
    w = c * NS + s
    t0 = w * RPW

    pltpu.sync_copy(gidxt_hbm.at[pl.ds(2 * t0 * E, 2 * RPW * E)], idx8_v)

    for cc in range(2 * RPW // L):
        base = cc * L + lax.iota(jnp.int32, L)
        m = plsc.load_gather(idx8_v, [base * E])
        for j in range(1, E):
            m = jnp.minimum(m, plsc.load_gather(idx8_v, [base * E + j]))
        idx_v[pl.ds(cc * L, L)] = m

    cp_a = pltpu.async_copy(eo_hbm.at[idx_v.at[pl.ds(0, RPW)]], rows_a, sem_a)
    cp_b = pltpu.async_copy(eo_hbm.at[idx_v.at[pl.ds(RPW, RPW)]], rows_b, sem_b)
    cp_a.wait()
    pltpu.sync_copy(rows_a, g_out.at[pl.ds(2 * t0, RPW)])
    cp_b.wait()
    pltpu.sync_copy(rows_b, g_out.at[pl.ds(2 * t0 + RPW, RPW)])


def _gather(eo_ext, gidxt):
    mesh = plsc.VectorSubcoreMesh(core_axis_name="c", subcore_axis_name="s",
                                  num_cores=NC, num_subcores=NS)
    return pl.kernel(
        _gather_body,
        out_type=jax.ShapeDtypeStruct((2 * T, H), jnp.float32),
        mesh=mesh,
        compiler_params=pltpu.CompilerParams(needs_layout_passes=False),
        scratch_types=[
            pltpu.VMEM((2 * RPW * E,), jnp.int32),
            pltpu.VMEM((2 * RPW,), jnp.int32),
            pltpu.VMEM((RPW, H), jnp.float32),
            pltpu.VMEM((RPW, H), jnp.float32),
            pltpu.SemaphoreType.DMA,
            pltpu.SemaphoreType.DMA,
        ],
    )(eo_ext, gidxt)


def _shared_body(x_ref, gw_ref, gnw_ref, dw_ref, dnw_ref, sgw_ref, out_ref):
    x = x_ref[...]
    y = _bitlinear(x, gw_ref[...], gnw_ref[...])
    gate = y[:, :I]
    up = y[:, I:]
    z = gate * jax.nn.sigmoid(gate) * up
    o = _bitlinear(z, dw_ref[...], dnw_ref[...])
    score = jax.nn.sigmoid(jnp.sum(x * sgw_ref[...], axis=-1, keepdims=True))
    out_ref[...] = o * score


def _shared(xf, gw, gnw, dw, dnw, sgw):
    TB = 256
    return pl.pallas_call(
        _shared_body,
        grid=(T // TB,),
        in_specs=[
            pl.BlockSpec((TB, H), lambda t: (t, 0)),
            pl.BlockSpec((H, 2 * I), lambda t: (0, 0)),
            pl.BlockSpec((1, H), lambda t: (0, 0)),
            pl.BlockSpec((I, H), lambda t: (0, 0)),
            pl.BlockSpec((1, I), lambda t: (0, 0)),
            pl.BlockSpec((1, H), lambda t: (0, 0)),
        ],
        out_specs=pl.BlockSpec((TB, H), lambda t: (t, 0)),
        out_shape=jax.ShapeDtypeStruct((T, H), jnp.float32),
    )(xf, gw, gnw.reshape(1, H), dw, dnw.reshape(1, I), sgw.reshape(1, H))


def _final_body(sh_ref, g_ref, out_ref):
    out_ref[...] = sh_ref[...] + g_ref[:, 0, :] + g_ref[:, 1, :]


def _final_add(sh, g):
    TB = 256
    return pl.pallas_call(
        _final_body,
        grid=(T // TB,),
        in_specs=[
            pl.BlockSpec((TB, H), lambda t: (t, 0)),
            pl.BlockSpec((TB, 2, H), lambda t: (t, 0, 0)),
        ],
        out_specs=pl.BlockSpec((TB, H), lambda t: (t, 0)),
        out_shape=jax.ShapeDtypeStruct((T, H), jnp.float32),
    )(sh, g)


@jax.jit
def _impl(x, expert_gate_w, expert_gate_nw, expert_down_w, expert_down_nw,
          shared_gate_w, shared_gate_nw, shared_down_w, shared_down_nw,
          gate_norm_w, gate_w, shared_expert_gate_w):
    Bm, Sm, Hm = x.shape
    xf = x.reshape(T, Hm)
    mask, rank = _router(xf, gate_norm_w, gate_w)
    sel, wsel, gidx8, xd = _dispatch(mask.reshape(T * E),
                                     rank.reshape(T * E), xf)
    wsel3 = wsel[:, :CAP].reshape(E, CAP, 1)
    eo = _experts(xd, expert_gate_w, expert_gate_nw,
                  expert_down_w, expert_down_nw, wsel3)
    eo_ext = jnp.concatenate([eo, jnp.zeros((L, H), jnp.float32)], axis=0)
    gidxt = gidx8.T.reshape(2 * T * E)
    g = _gather(eo_ext, gidxt)
    sh = _shared(xf, shared_gate_w, shared_gate_nw,
                 shared_down_w, shared_down_nw, shared_expert_gate_w)
    final = _final_add(sh, g.reshape(T, 2, H))
    return final.reshape(Bm, Sm, Hm)


def kernel(x, expert_gate_w, expert_gate_nw, expert_down_w, expert_down_nw,
           shared_gate_w, shared_gate_nw, shared_down_w, shared_down_nw,
           gate_norm_w, gate_w, shared_expert_gate_w):
    return _impl(x, expert_gate_w, expert_gate_nw, expert_down_w,
                 expert_down_nw, shared_gate_w, shared_gate_nw,
                 shared_down_w, shared_down_nw, gate_norm_w, gate_w,
                 shared_expert_gate_w)

# --- scband reference (transcript-rebuilt; emitter-appended) ---
"""Pipeline reference for scband-hgrnbit-mo-e-59141699666415 (READ-ONLY COPY).

The authoritative reference and input builder live on the scoring server;
editing this copy changes nothing except your own understanding.
"""

import jax, jax.numpy as jnp
import numpy as np

H = 768
E = 8
TOPK = 2
I = 1536
EPS = 1e-06
B, S = 1, 2048


def rmsnorm(x, w, eps):
    v = jnp.mean(jnp.square(x), axis=-1, keepdims=True)
    return x * jax.lax.rsqrt(v + eps) * w


def act_quant(x):
    scale = 127.0 / jnp.clip(jnp.max(jnp.abs(x), axis=-1, keepdims=True), 1e-5, None)
    return jnp.clip(jnp.round(x * scale), -128, 127) / scale


def w_quant(w):
    scale = 1.0 / jnp.clip(jnp.mean(jnp.abs(w)), 1e-5, None)
    return jnp.clip(jnp.round(w * scale), -1, 1) / scale


def bitlinear(x, w, nw):
    xn = rmsnorm(x, nw, 1e-8)
    xq = xn + jax.lax.stop_gradient(act_quant(xn) - xn)
    wq = w + jax.lax.stop_gradient(w_quant(w) - w)
    return xq @ wq


def mlp(x, gw, gnw, dw, dnw):
    y = bitlinear(x, gw, gnw)
    gate, up = jnp.split(y, 2, axis=-1)
    return bitlinear(jax.nn.silu(gate) * up, dw, dnw)


def setup_inputs(seed: int = 0):
    key = jax.random.key(seed)
    ks = jax.random.split(key, 8)
    return {
        "x": jax.random.normal(ks[0], (B, S, H), jnp.float32),
        "expert_gate_w": jax.random.normal(ks[1], (E, H, 2 * I), jnp.float32) * 0.02,
        "expert_gate_nw": jnp.ones((E, H), jnp.float32),
        "expert_down_w": jax.random.normal(ks[2], (E, I, H), jnp.float32) * 0.02,
        "expert_down_nw": jnp.ones((E, I), jnp.float32),
        "shared_gate_w": jax.random.normal(ks[3], (H, 2 * I), jnp.float32) * 0.02,
        "shared_gate_nw": jnp.ones((H,), jnp.float32),
        "shared_down_w": jax.random.normal(ks[4], (I, H), jnp.float32) * 0.02,
        "shared_down_nw": jnp.ones((I,), jnp.float32),
        "gate_norm_w": jnp.ones((H,), jnp.float32),
        "gate_w": jax.random.normal(ks[5], (H, E), jnp.float32) * 0.02,
        "shared_expert_gate_w": jax.random.normal(ks[6], (H, 1), jnp.float32) * 0.02,
    }


def reference(x, expert_gate_w, expert_gate_nw, expert_down_w, expert_down_nw,
              shared_gate_w, shared_gate_nw, shared_down_w, shared_down_nw,
              gate_norm_w, gate_w, shared_expert_gate_w):
    Bm, Sm, Hm = x.shape
    T = Bm * Sm
    xf = x.reshape(T, Hm)

    # shared expert path
    shared_out = mlp(xf, shared_gate_w, shared_gate_nw, shared_down_w, shared_down_nw)
    shared_gate_score = jax.nn.sigmoid(xf @ shared_expert_gate_w)
    shared_out = shared_out * shared_gate_score

    # router
    xn = rmsnorm(xf, gate_norm_w, EPS)
    gate_logits = xn @ gate_w
    probs = jax.nn.softmax(gate_logits, axis=-1)
    topw, topi = jax.lax.top_k(probs, TOPK)
    capacity = min(int(I * 1.5), T // E)

    # dense routing mask: expert_mask[t, e] = weight if e in top-k of token t else 0
    expert_mask = jnp.zeros((T, E), jnp.float32).at[jnp.arange(T)[:, None], topi].set(topw)

    routed = jnp.zeros_like(xf)
    for e in range(E):
        m = expert_mask[:, e] > 0
        rank = jnp.cumsum(m.astype(jnp.int32)) - 1
        keep = m & (rank < capacity)  # first-come-first-served capacity truncation
        # gather up to `capacity` kept token indices (stable sort keeps original order)
        order = jnp.argsort(jnp.where(keep, 0, 1))
        sel = order[:capacity]
        w_sel = jnp.where(keep[sel], expert_mask[sel, e], 0.0)
        out_e = mlp(xf[sel], expert_gate_w[e], expert_gate_nw[e],
                    expert_down_w[e], expert_down_nw[e])
        routed = routed.at[sel].add(w_sel[:, None] * out_e)

    final = routed + shared_out
    return final.reshape(Bm, Sm, Hm)

if __name__ == "__main__":
    import jax
    _d = setup_inputs()
    print(jax.jit(kernel)(*tuple(_d.values())))

</pallas_src>

<mosaic_0001>
#map = affine_map<(d0, d1) -> (0, 0)>
#map1 = affine_map<(d0, d1) -> (0)>
module attributes {stable_mosaic.version = 14 : i64} {
  func.func @_gather_body(%arg0: i32, %arg1: i32, %arg2: memref<2064x768xf32, #tpu.memory_space<hbm>>, %arg3: memref<32768xi32, #tpu.memory_space<hbm>>, %arg4: memref<4096x768xf32, #tpu.memory_space<hbm>>, %arg5: memref<1024xi32, #tpu.memory_space<vmem>>, %arg6: memref<128xi32, #tpu.memory_space<vmem>>, %arg7: memref<64x768xf32, #tpu.memory_space<vmem>>, %arg8: memref<64x768xf32, #tpu.memory_space<vmem>>, %arg9: memref<!tpu.dma_semaphore, #tpu.memory_space<semaphore_mem>>, %arg10: memref<!tpu.dma_semaphore, #tpu.memory_space<semaphore_mem>>) attributes {dimension_semantics = [#tpu.dimension_semantics<core_parallel>, #tpu.dimension_semantics<subcore_parallel>], iteration_bounds = array<i64: 2, 16>, scalar_prefetch = 0 : i64, scratch_operands = 6 : i64, tpu.core_type = #tpu.core_type<sc_vector_subcore>, window_params = [{transform_indices = #map}, {transform_indices = #map1}, {transform_indices = #map}]} {
    %mul3A = arith.constant 16 : i32
    %mul3A_0 = arith.muli %arg0, %mul3A : i32
    %add3A = arith.addi %mul3A_0, %arg1 : i32
    %mul3A_1 = arith.constant 64 : i32
    %mul3A_2 = arith.muli %add3A, %mul3A_1 : i32
    %mul3A_3 = arith.constant 2 : i32
    %mul3A_4 = arith.muli %mul3A_3, %mul3A_2 : i32
    %mul3A_5 = arith.constant 8 : i32
    %mul3A_6 = arith.muli %mul3A_4, %mul3A_5 : i32
    "tpu.region"() ({
      %run_scoped3A = tpu.sem_alloc : memref<!tpu.dma_semaphore, #tpu.memory_space<semaphore_mem>>
      %dma_start3A_555 = tpu.memref_slice %arg3[%mul3A_6] : memref<32768xi32, #tpu.memory_space<hbm>> -> memref<1024xi32, #tpu.memory_space<hbm>>
      %dma_start3A_556 = tpu.memref_slice %arg3[%mul3A_6] : memref<32768xi32, #tpu.memory_space<hbm>> -> memref<1024xi32, #tpu.memory_space<hbm>>
      tpu.enqueue_dma source(%dma_start3A_556 : memref<1024xi32, #tpu.memory_space<hbm>>) target(%arg5 : memref<1024xi32, #tpu.memory_space<vmem>>) target_semaphore(%run_scoped3A : memref<!tpu.dma_semaphore, #tpu.memory_space<semaphore_mem>>)
      %dma_wait3A_557 = tpu.memref_slice %arg3[%mul3A_6] : memref<32768xi32, #tpu.memory_space<hbm>> -> memref<1024xi32, #tpu.memory_space<hbm>>
      %dma_wait3A_558 = tpu.memref_slice %arg3[%mul3A_6] : memref<32768xi32, #tpu.memory_space<hbm>> -> memref<1024xi32, #tpu.memory_space<hbm>>
      tpu.wait_dma2 semaphore(%run_scoped3A : memref<!tpu.dma_semaphore, #tpu.memory_space<semaphore_mem>>) src(%dma_wait3A_558 : memref<1024xi32, #tpu.memory_space<hbm>>) dst(%arg5 : memref<1024xi32, #tpu.memory_space<vmem>>)
      tpu.yield
    }) : () -> ()
    %iota3A = tpu.iota {dimensions = array<i32: 0>} : vector<16xi32>
    %add3A_7 = arith.constant 0 : i32
    %add3A_8 = vector.broadcast %add3A_7 : i32 to vector<16xi32>
    %add3A_9 = arith.addi %add3A_8, %iota3A : vector<16xi32>
    %mul3A_10 = arith.constant 8 : i32
    %mul3A_11 = vector.broadcast %mul3A_10 : i32 to vector<16xi32>
    %mul3A_12 = arith.muli %add3A_9, %mul3A_11 : vector<16xi32>
    %gather3A = tpu.vector_load_idx %arg5[%mul3A_12] : memref<1024xi32, #tpu.memory_space<vmem>>[vector<16xi32>], vector<16xi32>,
    %mul3A_13 = arith.constant 8 : i32
    %mul3A_14 = vector.broadcast %mul3A_13 : i32 to vector<16xi32>
    %mul3A_15 = arith.muli %add3A_9, %mul3A_14 : vector<16xi32>
    %add3A_16 = arith.constant 1 : i32
    %add3A_17 = vector.broadcast %add3A_16 : i32 to vector<16xi32>
    %add3A_18 = arith.addi %mul3A_15, %add3A_17 : vector<16xi32>
    %gather3A_19 = tpu.vector_load_idx %arg5[%add3A_18] : memref<1024xi32, #tpu.memory_space<vmem>>[vector<16xi32>], vector<16xi32>,
    %min3A = arith.minsi %gather3A, %gather3A_19 : vector<16xi32>
    %mul3A_20 = arith.constant 8 : i32
    %mul3A_21 = vector.broadcast %mul3A_20 : i32 to vector<16xi32>
    %mul3A_22 = arith.muli %add3A_9, %mul3A_21 : vector<16xi32>
    %add3A_23 = arith.constant 2 : i32
    %add3A_24 = vector.broadcast %add3A_23 : i32 to vector<16xi32>
    %add3A_25 = arith.addi %mul3A_22, %add3A_24 : vector<16xi32>
    %gather3A_26 = tpu.vector_load_idx %arg5[%add3A_25] : memref<1024xi32, #tpu.memory_space<vmem>>[vector<16xi32>], vector<16xi32>,
    %min3A_27 = arith.minsi %min3A, %gather3A_26 : vector<16xi32>
    %mul3A_28 = arith.constant 8 : i32
    %mul3A_29 = vector.broadcast %mul3A_28 : i32 to vector<16xi32>
    %mul3A_30 = arith.muli %add3A_9, %mul3A_29 : vector<16xi32>
    %add3A_31 = arith.constant 3 : i32
    %add3A_32 = vector.broadcast %add3A_31 : i32 to vector<16xi32>
    %add3A_33 = arith.addi %mul3A_30, %add3A_32 : vector<16xi32>
    %gather3A_34 = tpu.vector_load_idx %arg5[%add3A_33] : memref<1024xi32, #tpu.memory_space<vmem>>[vector<16xi32>], vector<16xi32>,
    %min3A_35 = arith.minsi %min3A_27, %gather3A_34 : vector<16xi32>
    %mul3A_36 = arith.constant 8 : i32
    %mul3A_37 = vector.broadcast %mul3A_36 : i32 to vector<16xi32>
    %mul3A_38 = arith.muli %add3A_9, %mul3A_37 : vector<16xi32>
    %add3A_39 = arith.constant 4 : i32
    %add3A_40 = vector.broadcast %add3A_39 : i32 to vector<16xi32>
    %add3A_41 = arith.addi %mul3A_38, %add3A_40 : vector<16xi32>
    %gather3A_42 = tpu.vector_load_idx %arg5[%add3A_41] : memref<1024xi32, #tpu.memory_space<vmem>>[vector<16xi32>], vector<16xi32>,
    %min3A_43 = arith.minsi %min3A_35, %gather3A_42 : vector<16xi32>
    %mul3A_44 = arith.constant 8 : i32
    %mul3A_45 = vector.broadcast %mul3A_44 : i32 to vector<16xi32>
    %mul3A_46 = arith.muli %add3A_9, %mul3A_45 : vector<16xi32>
    %add3A_47 = arith.constant 5 : i32
    %add3A_48 = vector.broadcast %add3A_47 : i32 to vector<16xi32>
    %add3A_49 = arith.addi %mul3A_46, %add3A_48 : vector<16xi32>
    %gather3A_50 = tpu.vector_load_idx %arg5[%add3A_49] : memref<1024xi32, #tpu.memory_space<vmem>>[vector<16xi32>], vector<16xi32>,
    %min3A_51 = arith.minsi %min3A_43, %gather3A_50 : vector<16xi32>
    %mul3A_52 = arith.constant 8 : i32
    %mul3A_53 = vector.broadcast %mul3A_52 : i32 to vector<16xi32>
    %mul3A_54 = arith.muli %add3A_9, %mul3A_53 : vector<16xi32>
    %add3A_55 = arith.constant 6 : i32
    %add3A_56 = vector.broadcast %add3A_55 : i32 to vector<16xi32>
    %add3A_57 = arith.addi %mul3A_54, %add3A_56 : vector<16xi32>
    %gather3A_58 = tpu.vector_load_idx %arg5[%add3A_57] : memref<1024xi32, #tpu.memory_space<vmem>>[vector<16xi32>], vector<16xi32>,
    %min3A_59 = arith.minsi %min3A_51, %gather3A_58 : vector<16xi32>
    %mul3A_60 = arith.constant 8 : i32
    %mul3A_61 = vector.broadcast %mul3A_60 : i32 to vector<16xi32>
    %mul3A_62 = arith.muli %add3A_9, %mul3A_61 : vector<16xi32>
    %add3A_63 = arith.constant 7 : i32
    %add3A_64 = vector.broadcast %add3A_63 : i32 to vector<16xi32>
    %add3A_65 = arith.addi %mul3A_62, %add3A_64 : vector<16xi32>
    %gather3A_66 = tpu.vector_load_idx %arg5[%add3A_65] : memref<1024xi32, #tpu.memory_space<vmem>>[vector<16xi32>], vector<16xi32>,
    %min3A_67 = arith.minsi %min3A_59, %gather3A_66 : vector<16xi32>
    %swap3A = arith.constant 0 : index
    %swap3A_68 = tpu.vector_load %arg6[%swap3A] {strides = array<i32>} : memref<128xi32, #tpu.memory_space<vmem>>, vector<16xi32>,
    tpu.vector_store %arg6[%swap3A], %min3A_67 {strides = array<i32>} : memref<128xi32, #tpu.memory_space<vmem>>, vector<16xi32>,
    %iota3A_69 = tpu.iota {dimensions = array<i32: 0>} : vector<16xi32>
    %add3A_70 = arith.constant 16 : i32
    %add3A_71 = vector.broadcast %add3A_70 : i32 to vector<16xi32>
    %add3A_72 = arith.addi %add3A_71, %iota3A_69 : vector<16xi32>
    %mul3A_73 = arith.constant 8 : i32
    %mul3A_74 = vector.broadcast %mul3A_73 : i32 to vector<16xi32>
    %mul3A_75 = arith.muli %add3A_72, %mul3A_74 : vector<16xi32>
    %gather3A_76 = tpu.vector_load_idx %arg5[%mul3A_75] : memref<1024xi32, #tpu.memory_space<vmem>>[vector<16xi32>], vector<16xi32>,
    %mul3A_77 = arith.constant 8 : i32
    %mul3A_78 = vector.broadcast %mul3A_77 : i32 to vector<16xi32>
    %mul3A_79 = arith.muli %add3A_72, %mul3A_78 : vector<16xi32>
    %add3A_80 = arith.constant 1 : i32
    %add3A_81 = vector.broadcast %add3A_80 : i32 to vector<16xi32>
    %add3A_82 = arith.addi %mul3A_79, %add3A_81 : vector<16xi32>
    %gather3A_83 = tpu.vector_load_idx %arg5[%add3A_82] : memref<1024xi32, #tpu.memory_space<vmem>>[vector<16xi32>], vector<16xi32>,
    %min3A_84 = arith.minsi %gather3A_76, %gather3A_83 : vector<16xi32>
    %mul3A_85 = arith.constant 8 : i32
    %mul3A_86 = vector.broadcast %mul3A_85 : i32 to vector<16xi32>
    %mul3A_87 = arith.muli %add3A_72, %mul3A_86 : vector<16xi32>
    %add3A_88 = arith.constant 2 : i32
    %add3A_89 = vector.broadcast %add3A_88 : i32 to vector<16xi32>
    %add3A_90 = arith.addi %mul3A_87, %add3A_89 : vector<16xi32>
    %gather3A_91 = tpu.vector_load_idx %arg5[%add3A_90] : memref<1024xi32, #tpu.memory_space<vmem>>[vector<16xi32>], vector<16xi32>,
    %min3A_92 = arith.minsi %min3A_84, %gather3A_91 : vector<16xi32>
    %mul3A_93 = arith.constant 8 : i32
    %mul3A_94 = vector.broadcast %mul3A_93 : i32 to vector<16xi32>
    %mul3A_95 = arith.muli %add3A_72, %mul3A_94 : vector<16xi32>
    %add3A_96 = arith.constant 3 : i32
    %add3A_97 = vector.broadcast %add3A_96 : i32 to vector<16xi32>
    %add3A_98 = arith.addi %mul3A_95, %add3A_97 : vector<16xi32>
    %gather3A_99 = tpu.vector_load_idx %arg5[%add3A_98] : memref<1024xi32, #tpu.memory_space<vmem>>[vector<16xi32>], vector<16xi32>,
    %min3A_100 = arith.minsi %min3A_92, %gather3A_99 : vector<16xi32>
    %mul3A_101 = arith.constant 8 : i32
    %mul3A_102 = vector.broadcast %mul3A_101 : i32 to vector<16xi32>
    %mul3A_103 = arith.muli %add3A_72, %mul3A_102 : vector<16xi32>
    %add3A_104 = arith.constant 4 : i32
    %add3A_105 = vector.broadcast %add3A_104 : i32 to vector<16xi32>
    %add3A_106 = arith.addi %mul3A_103, %add3A_105 : vector<16xi32>
    %gather3A_107 = tpu.vector_load_idx %arg5[%add3A_106] : memref<1024xi32, #tpu.memory_space<vmem>>[vector<16xi32>], vector<16xi32>,
    %min3A_108 = arith.minsi %min3A_100, %gather3A_107 : vector<16xi32>
    %mul3A_109 = arith.constant 8 : i32
    %mul3A_110 = vector.broadcast %mul3A_109 : i32 to vector<16xi32>
    %mul3A_111 = arith.muli %add3A_72, %mul3A_110 : vector<16xi32>
    %add3A_112 = arith.constant 5 : i32
    %add3A_113 = vector.broadcast %add3A_112 : i32 to vector<16xi32>
    %add3A_114 = arith.addi %mul3A_111, %add3A_113 : vector<16xi32>
    %gather3A_115 = tpu.vector_load_idx %arg5[%add3A_114] : memref<1024xi32, #tpu.memory_space<vmem>>[vector<16xi32>], vector<16xi32>,
    %min3A_116 = arith.minsi %min3A_108, %gather3A_115 : vector<16xi32>
    %mul3A_117 = arith.constant 8 : i32
    %mul3A_118 = vector.broadcast %mul3A_117 : i32 to vector<16xi32>
    %mul3A_119 = arith.muli %add3A_72, %mul3A_118 : vector<16xi32>
    %add3A_120 = arith.constant 6 : i32
    %add3A_121 = vector.broadcast %add3A_120 : i32 to vector<16xi32>
    %add3A_122 = arith.addi %mul3A_119, %add3A_121 : vector<16xi32>
    %gather3A_123 = tpu.vector_load_idx %arg5[%add3A_122] : memref<1024xi32, #tpu.memory_space<vmem>>[vector<16xi32>], vector<16xi32>,
    %min3A_124 = arith.minsi %min3A_116, %gather3A_123 : vector<16xi32>
    %mul3A_125 = arith.constant 8 : i32
    %mul3A_126 = vector.broadcast %mul3A_125 : i32 to vector<16xi32>
    %mul3A_127 = arith.muli %add3A_72, %mul3A_126 : vector<16xi32>
    %add3A_128 = arith.constant 7 : i32
    %add3A_129 = vector.broadcast %add3A_128 : i32 to vector<16xi32>
    %add3A_130 = arith.addi %mul3A_127, %add3A_129 : vector<16xi32>
    %gather3A_131 = tpu.vector_load_idx %arg5[%add3A_130] : memref<1024xi32, #tpu.memory_space<vmem>>[vector<16xi32>], vector<16xi32>,
    %min3A_132 = arith.minsi %min3A_124, %gather3A_131 : vector<16xi32>
    %swap3A_133 = arith.constant 16 : index
    %swap3A_134 = tpu.vector_load %arg6[%swap3A_133] {strides = array<i32>} : memref<128xi32, #tpu.memory_space<vmem>>, vector<16xi32>,
    tpu.vector_store %arg6[%swap3A_133], %min3A_132 {strides = array<i32>} : memref<128xi32, #tpu.memory_space<vmem>>, vector<16xi32>,
    %iota3A_135 = tpu.iota {dimensions = array<i32: 0>} : vector<16xi32>
    %add3A_136 = arith.constant 32 : i32
    %add3A_137 = vector.broadcast %add3A_136 : i32 to vector<16xi32>
    %add3A_138 = arith.addi %add3A_137, %iota3A_135 : vector<16xi32>
    %mul3A_139 = arith.constant 8 : i32
    %mul3A_140 = vector.broadcast %mul3A_139 : i32 to vector<16xi32>
    %mul3A_141 = arith.muli %add3A_138, %mul3A_140 : vector<16xi32>
    %gather3A_142 = tpu.vector_load_idx %arg5[%mul3A_141] : memref<1024xi32, #tpu.memory_space<vmem>>[vector<16xi32>], vector<16xi32>,
    %mul3A_143 = arith.constant 8 : i32
    %mul3A_144 = vector.broadcast %mul3A_143 : i32 to vector<16xi32>
    %mul3A_145 = arith.muli %add3A_138, %mul3A_144 : vector<16xi32>
    %add3A_146 = arith.constant 1 : i32
    %add3A_147 = vector.broadcast %add3A_146 : i32 to vector<16xi32>
    %add3A_148 = arith.addi %mul3A_145, %add3A_147 : vector<16xi32>
    %gather3A_149 = tpu.vector_load_idx %arg5[%add3A_148] : memref<1024xi32, #tpu.memory_space<vmem>>[vector<16xi32>], vector<16xi32>,
    %min3A_150 = arith.minsi %gather3A_142, %gather3A_149 : vector<16xi32>
    %mul3A_151 = arith.constant 8 : i32
    %mul3A_152 = vector.broadcast %mul3A_151 : i32 to vector<16xi32>
    %mul3A_153 = arith.muli %add3A_138, %mul3A_152 : vector<16xi32>
    %add3A_154 = arith.constant 2 : i32
    %add3A_155 = vector.broadcast %add3A_154 : i32 to vector<16xi32>
    %add3A_156 = arith.addi %mul3A_153, %add3A_155 : vector<16xi32>
    %gather3A_157 = tpu.vector_load_idx %arg5[%add3A_156] : memref<1024xi32, #tpu.memory_space<vmem>>[vector<16xi32>], vector<16xi32>,
    %min3A_158 = arith.minsi %min3A_150, %gather3A_157 : vector<16xi32>
    %mul3A_159 = arith.constant 8 : i32
    %mul3A_160 = vector.broadcast %mul3A_159 : i32 to vector<16xi32>
    %mul3A_161 = arith.muli %add3A_138, %mul3A_160 : vector<16xi32>
    %add3A_162 = arith.constant 3 : i32
    %add3A_163 = vector.broadcast %add3A_162 : i32 to vector<16xi32>
    %add3A_164 = arith.addi %mul3A_161, %add3A_163 : vector<16xi32>
    %gather3A_165 = tpu.vector_load_idx %arg5[%add3A_164] : memref<1024xi32, #tpu.memory_space<vmem>>[vector<16xi32>], vector<16xi32>,
    %min3A_166 = arith.minsi %min3A_158, %gather3A_165 : vector<16xi32>
    %mul3A_167 = arith.constant 8 : i32
    %mul3A_168 = vector.broadcast %mul3A_167 : i32 to vector<16xi32>
    %mul3A_169 = arith.muli %add3A_138, %mul3A_168 : vector<16xi32>
    %add3A_170 = arith.constant 4 : i32
    %add3A_171 = vector.broadcast %add3A_170 : i32 to vector<16xi32>
    %add3A_172 = arith.addi %mul3A_169, %add3A_171 : vector<16xi32>
    %gather3A_173 = tpu.vector_load_idx %arg5[%add3A_172] : memref<1024xi32, #tpu.memory_space<vmem>>[vector<16xi32>], vector<16xi32>,
    %min3A_174 = arith.minsi %min3A_166, %gather3A_173 : vector<16xi32>
    %mul3A_175 = arith.constant 8 : i32
    %mul3A_176 = vector.broadcast %mul3A_175 : i32 to vector<16xi32>
    %mul3A_177 = arith.muli %add3A_138, %mul3A_176 : vector<16xi32>
    %add3A_178 = arith.constant 5 : i32
    %add3A_179 = vector.broadcast %add3A_178 : i32 to vector<16xi32>
    %add3A_180 = arith.addi %mul3A_177, %add3A_179 : vector<16xi32>
    %gather3A_181 = tpu.vector_load_idx %arg5[%add3A_180] : memref<1024xi32, #tpu.memory_space<vmem>>[vector<16xi32>], vector<16xi32>,
    %min3A_182 = arith.minsi %min3A_174, %gather3A_181 : vector<16xi32>
    %mul3A_183 = arith.constant 8 : i32
    %mul3A_184 = vector.broadcast %mul3A_183 : i32 to vector<16xi32>
    %mul3A_185 = arith.muli %add3A_138, %mul3A_184 : vector<16xi32>
    %add3A_186 = arith.constant 6 : i32
    %add3A_187 = vector.broadcast %add3A_186 : i32 to vector<16xi32>
    %add3A_188 = arith.addi %mul3A_185, %add3A_187 : vector<16xi32>
    %gather3A_189 = tpu.vector_load_idx %arg5[%add3A_188] : memref<1024xi32, #tpu.memory_space<vmem>>[vector<16xi32>], vector<16xi32>,
    %min3A_190 = arith.minsi %min3A_182, %gather3A_189 : vector<16xi32>
    %mul3A_191 = arith.constant 8 : i32
    %mul3A_192 = vector.broadcast %mul3A_191 : i32 to vector<16xi32>
    %mul3A_193 = arith.muli %add3A_138, %mul3A_192 : vector<16xi32>
    %add3A_194 = arith.constant 7 : i32
    %add3A_195 = vector.broadcast %add3A_194 : i32 to vector<16xi32>
    %add3A_196 = arith.addi %mul3A_193, %add3A_195 : vector<16xi32>
    %gather3A_197 = tpu.vector_load_idx %arg5[%add3A_196] : memref<1024xi32, #tpu.memory_space<vmem>>[vector<16xi32>], vector<16xi32>,
    %min3A_198 = arith.minsi %min3A_190, %gather3A_197 : vector<16xi32>
    %swap3A_199 = arith.constant 32 : index
    %swap3A_200 = tpu.vector_load %arg6[%swap3A_199] {strides = array<i32>} : memref<128xi32, #tpu.memory_space<vmem>>, vector<16xi32>,
    tpu.vector_store %arg6[%swap3A_199], %min3A_198 {strides = array<i32>} : memref<128xi32, #tpu.memory_space<vmem>>, vector<16xi32>,
    %iota3A_201 = tpu.iota {dimensions = array<i32: 0>} : vector<16xi32>
    %add3A_202 = arith.constant 48 : i32
    %add3A_203 = vector.broadcast %add3A_202 : i32 to vector<16xi32>
    %add3A_204 = arith.addi %add3A_203, %iota3A_201 : vector<16xi32>
    %mul3A_205 = arith.constant 8 : i32
    %mul3A_206 = vector.broadcast %mul3A_205 : i32 to vector<16xi32>
    %mul3A_207 = arith.muli %add3A_204, %mul3A_206 : vector<16xi32>
    %gather3A_208 = tpu.vector_load_idx %arg5[%mul3A_207] : memref<1024xi32, #tpu.memory_space<vmem>>[vector<16xi32>], vector<16xi32>,
    %mul3A_209 = arith.constant 8 : i32
    %mul3A_210 = vector.broadcast %mul3A_209 : i32 to vector<16xi32>
    %mul3A_211 = arith.muli %add3A_204, %mul3A_210 : vector<16xi32>
    %add3A_212 = arith.constant 1 : i32
    %add3A_213 = vector.broadcast %add3A_212 : i32 to vector<16xi32>
    %add3A_214 = arith.addi %mul3A_211, %add3A_213 : vector<16xi32>
    %gather3A_215 = tpu.vector_load_idx %arg5[%add3A_214] : memref<1024xi32, #tpu.memory_space<vmem>>[vector<16xi32>], vector<16xi32>,
    %min3A_216 = arith.minsi %gather3A_208, %gather3A_215 : vector<16xi32>
    %mul3A_217 = arith.constant 8 : i32
    %mul3A_218 = vector.broadcast %mul3A_217 : i32 to vector<16xi32>
    %mul3A_219 = arith.muli %add3A_204, %mul3A_218 : vector<16xi32>
    %add3A_220 = arith.constant 2 : i32
    %add3A_221 = vector.broadcast %add3A_220 : i32 to vector<16xi32>
    %add3A_222 = arith.addi %mul3A_219, %add3A_221 : vector<16xi32>
    %gather3A_223 = tpu.vector_load_idx %arg5[%add3A_222] : memref<1024xi32, #tpu.memory_space<vmem>>[vector<16xi32>], vector<16xi32>,
    %min3A_224 = arith.minsi %min3A_216, %gather3A_223 : vector<16xi32>
    %mul3A_225 = arith.constant 8 : i32
    %mul3A_226 = vector.broadcast %mul3A_225 : i32 to vector<16xi32>
    %mul3A_227 = arith.muli %add3A_204, %mul3A_226 : vector<16xi32>
    %add3A_228 = arith.constant 3 : i32
    %add3A_229 = vector.broadcast %add3A_228 : i32 to vector<16xi32>
    %add3A_230 = arith.addi %mul3A_227, %add3A_229 : vector<16xi32>
    %gather3A_231 = tpu.vector_load_idx %arg5[%add3A_230] : memref<1024xi32, #tpu.memory_space<vmem>>[vector<16xi32>], vector<16xi32>,
    %min3A_232 = arith.minsi %min3A_224, %gather3A_231 : vector<16xi32>
    %mul3A_233 = arith.constant 8 : i32
    %mul3A_234 = vector.broadcast %mul3A_233 : i32 to vector<16xi32>
    %mul3A_235 = arith.muli %add3A_204, %mul3A_234 : vector<16xi32>
    %add3A_236 = arith.constant 4 : i32
    %add3A_237 = vector.broadcast %add3A_236 : i32 to vector<16xi32>
    %add3A_238 = arith.addi %mul3A_235, %add3A_237 : vector<16xi32>
    %gather3A_239 = tpu.vector_load_idx %arg5[%add3A_238] : memref<1024xi32, #tpu.memory_space<vmem>>[vector<16xi32>], vector<16xi32>,
    %min3A_240 = arith.minsi %min3A_232, %gather3A_239 : vector<16xi32>
    %mul3A_241 = arith.constant 8 : i32
    %mul3A_242 = vector.broadcast %mul3A_241 : i32 to vector<16xi32>
    %mul3A_243 = arith.muli %add3A_204, %mul3A_242 : vector<16xi32>
    %add3A_244 = arith.constant 5 : i32
    %add3A_245 = vector.broadcast %add3A_244 : i32 to vector<16xi32>
    %add3A_246 = arith.addi %mul3A_243, %add3A_245 : vector<16xi32>
    %gather3A_247 = tpu.vector_load_idx %arg5[%add3A_246] : memref<1024xi32, #tpu.memory_space<vmem>>[vector<16xi32>], vector<16xi32>,
    %min3A_248 = arith.minsi %min3A_240, %gather3A_247 : vector<16xi32>
    %mul3A_249 = arith.constant 8 : i32
    %mul3A_250 = vector.broadcast %mul3A_249 : i32 to vector<16xi32>
    %mul3A_251 = arith.muli %add3A_204, %mul3A_250 : vector<16xi32>
    %add3A_252 = arith.constant 6 : i32
    %add3A_253 = vector.broadcast %add3A_252 : i32 to vector<16xi32>
    %add3A_254 = arith.addi %mul3A_251, %add3A_253 : vector<16xi32>
    %gather3A_255 = tpu.vector_load_idx %arg5[%add3A_254] : memref<1024xi32, #tpu.memory_space<vmem>>[vector<16xi32>], vector<16xi32>,
    %min3A_256 = arith.minsi %min3A_248, %gather3A_255 : vector<16xi32>
    %mul3A_257 = arith.constant 8 : i32
    %mul3A_258 = vector.broadcast %mul3A_257 : i32 to vector<16xi32>
    %mul3A_259 = arith.muli %add3A_204, %mul3A_258 : vector<16xi32>
    %add3A_260 = arith.constant 7 : i32
    %add3A_261 = vector.broadcast %add3A_260 : i32 to vector<16xi32>
    %add3A_262 = arith.addi %mul3A_259, %add3A_261 : vector<16xi32>
    %gather3A_263 = tpu.vector_load_idx %arg5[%add3A_262] : memref<1024xi32, #tpu.memory_space<vmem>>[vector<16xi32>], vector<16xi32>,
    %min3A_264 = arith.minsi %min3A_256, %gather3A_263 : vector<16xi32>
    %swap3A_265 = arith.constant 48 : index
    %swap3A_266 = tpu.vector_load %arg6[%swap3A_265] {strides = array<i32>} : memref<128xi32, #tpu.memory_space<vmem>>, vector<16xi32>,
    tpu.vector_store %arg6[%swap3A_265], %min3A_264 {strides = array<i32>} : memref<128xi32, #tpu.memory_space<vmem>>, vector<16xi32>,
    %iota3A_267 = tpu.iota {dimensions = array<i32: 0>} : vector<16xi32>
    %add3A_268 = arith.constant 64 : i32
    %add3A_269 = vector.broadcast %add3A_268 : i32 to vector<16xi32>
    %add3A_270 = arith.addi %add3A_269, %iota3A_267 : vector<16xi32>
    %mul3A_271 = arith.constant 8 : i32
    %mul3A_272 = vector.broadcast %mul3A_271 : i32 to vector<16xi32>
    %mul3A_273 = arith.muli %add3A_270, %mul3A_272 : vector<16xi32>
    %gather3A_274 = tpu.vector_load_idx %arg5[%mul3A_273] : memref<1024xi32, #tpu.memory_space<vmem>>[vector<16xi32>], vector<16xi32>,
    %mul3A_275 = arith.constant 8 : i32
    %mul3A_276 = vector.broadcast %mul3A_275 : i32 to vector<16xi32>
    %mul3A_277 = arith.muli %add3A_270, %mul3A_276 : vector<16xi32>
    %add3A_278 = arith.constant 1 : i32
    %add3A_279 = vector.broadcast %add3A_278 : i32 to vector<16xi32>
    %add3A_280 = arith.addi %mul3A_277, %add3A_279 : vector<16xi32>
    %gather3A_281 = tpu.vector_load_idx %arg5[%add3A_280] : memref<1024xi32, #tpu.memory_space<vmem>>[vector<16xi32>], vector<16xi32>,
    %min3A_282 = arith.minsi %gather3A_274, %gather3A_281 : vector<16xi32>
    %mul3A_283 = arith.constant 8 : i32
    %mul3A_284 = vector.broadcast %mul3A_283 : i32 to vector<16xi32>
    %mul3A_285 = arith.muli %add3A_270, %mul3A_284 : vector<16xi32>
    %add3A_286 = arith.constant 2 : i32
    %add3A_287 = vector.broadcast %add3A_286 : i32 to vector<16xi32>
    %add3A_288 = arith.addi %mul3A_285, %add3A_287 : vector<16xi32>
    %gather3A_289 = tpu.vector_load_idx %arg5[%add3A_288] : memref<1024xi32, #tpu.memory_space<vmem>>[vector<16xi32>], vector<16xi32>,
    %min3A_290 = arith.minsi %min3A_282, %gather3A_289 : vector<16xi32>
    %mul3A_291 = arith.constant 8 : i32
    %mul3A_292 = vector.broadcast %mul3A_291 : i32 to vector<16xi32>
    %mul3A_293 = arith.muli %add3A_270, %mul3A_292 : vector<16xi32>
    %add3A_294 = arith.constant 3 : i32
    %add3A_295 = vector.broadcast %add3A_294 : i32 to vector<16xi32>
    %add3A_296 = arith.addi %mul3A_293, %add3A_295 : vector<16xi32>
    %gather3A_297 = tpu.vector_load_idx %arg5[%add3A_296] : memref<1024xi32, #tpu.memory_space<vmem>>[vector<16xi32>], vector<16xi32>,
    %min3A_298 = arith.minsi %min3A_290, %gather3A_297 : vector<16xi32>
    %mul3A_299 = arith.constant 8 : i32
    %mul3A_300 = vector.broadcast %mul3A_299 : i32 to vector<16xi32>
    %mul3A_301 = arith.muli %add3A_270, %mul3A_300 : vector<16xi32>
    %add3A_302 = arith.constant 4 : i32
    %add3A_303 = vector.broadcast %add3A_302 : i32 to vector<16xi32>
    %add3A_304 = arith.addi %mul3A_301, %add3A_303 : vector<16xi32>
    %gather3A_305 = tpu.vector_load_idx %arg5[%add3A_304] : memref<1024xi32, #tpu.memory_space<vmem>>[vector<16xi32>], vector<16xi32>,
    %min3A_306 = arith.minsi %min3A_298, %gather3A_305 : vector<16xi32>
    %mul3A_307 = arith.constant 8 : i32
    %mul3A_308 = vector.broadcast %mul3A_307 : i32 to vector<16xi32>
    %mul3A_309 = arith.muli %add3A_270, %mul3A_308 : vector<16xi32>
    %add3A_310 = arith.constant 5 : i32
    %add3A_311 = vector.broadcast %add3A_310 : i32 to vector<16xi32>
    %add3A_312 = arith.addi %mul3A_309, %add3A_311 : vector<16xi32>
    %gather3A_313 = tpu.vector_load_idx %arg5[%add3A_312] : memref<1024xi32, #tpu.memory_space<vmem>>[vector<16xi32>], vector<16xi32>,
    %min3A_314 = arith.minsi %min3A_306, %gather3A_313 : vector<16xi32>
    %mul3A_315 = arith.constant 8 : i32
    %mul3A_316 = vector.broadcast %mul3A_315 : i32 to vector<16xi32>
    %mul3A_317 = arith.muli %add3A_270, %mul3A_316 : vector<16xi32>
    %add3A_318 = arith.constant 6 : i32
    %add3A_319 = vector.broadcast %add3A_318 : i32 to vector<16xi32>
    %add3A_320 = arith.addi %mul3A_317, %add3A_319 : vector<16xi32>
    %gather3A_321 = tpu.vector_load_idx %arg5[%add3A_320] : memref<1024xi32, #tpu.memory_space<vmem>>[vector<16xi32>], vector<16xi32>,
    %min3A_322 = arith.minsi %min3A_314, %gather3A_321 : vector<16xi32>
    %mul3A_323 = arith.constant 8 : i32
    %mul3A_324 = vector.broadcast %mul3A_323 : i32 to vector<16xi32>
    %mul3A_325 = arith.muli %add3A_270, %mul3A_324 : vector<16xi32>
    %add3A_326 = arith.constant 7 : i32
    %add3A_327 = vector.broadcast %add3A_326 : i32 to vector<16xi32>
    %add3A_328 = arith.addi %mul3A_325, %add3A_327 : vector<16xi32>
    %gather3A_329 = tpu.vector_load_idx %arg5[%add3A_328] : memref<1024xi32, #tpu.memory_space<vmem>>[vector<16xi32>], vector<16xi32>,
    %min3A_330 = arith.minsi %min3A_322, %gather3A_329 : vector<16xi32>
    %swap3A_331 = arith.constant 64 : index
    %swap3A_332 = tpu.vector_load %arg6[%swap3A_331] {strides = array<i32>} : memref<128xi32, #tpu.memory_space<vmem>>, vector<16xi32>,
    tpu.vector_store %arg6[%swap3A_331], %min3A_330 {strides = array<i32>} : memref<128xi32, #tpu.memory_space<vmem>>, vector<16xi32>,
    %iota3A_333 = tpu.iota {dimensions = array<i32: 0>} : vector<16xi32>
    %add3A_334 = arith.constant 80 : i32
    %add3A_335 = vector.broadcast %add3A_334 : i32 to vector<16xi32>
    %add3A_336 = arith.addi %add3A_335, %iota3A_333 : vector<16xi32>
    %mul3A_337 = arith.constant 8 : i32
    %mul3A_338 = vector.broadcast %mul3A_337 : i32 to vector<16xi32>
    %mul3A_339 = arith.muli %add3A_336, %mul3A_338 : vector<16xi32>
    %gather3A_340 = tpu.vector_load_idx %arg5[%mul3A_339] : memref<1024xi32, #tpu.memory_space<vmem>>[vector<16xi32>], vector<16xi32>,
    %mul3A_341 = arith.constant 8 : i32
    %mul3A_342 = vector.broadcast %mul3A_341 : i32 to vector<16xi32>
    %mul3A_343 = arith.muli %add3A_336, %mul3A_342 : vector<16xi32>
    %add3A_344 = arith.constant 1 : i32
    %add3A_345 = vector.broadcast %add3A_344 : i32 to vector<16xi32>
    %add3A_346 = arith.addi %mul3A_343, %add3A_345 : vector<16xi32>
    %gather3A_347 = tpu.vector_load_idx %arg5[%add3A_346] : memref<1024xi32, #tpu.memory_space<vmem>>[vector<16xi32>], vector<16xi32>,
    %min3A_348 = arith.minsi %gather3A_340, %gather3A_347 : vector<16xi32>
    %mul3A_349 = arith.constant 8 : i32
    %mul3A_350 = vector.broadcast %mul3A_349 : i32 to vector<16xi32>
    %mul3A_351 = arith.muli %add3A_336, %mul3A_350 : vector<16xi32>
    %add3A_352 = arith.constant 2 : i32
    %add3A_353 = vector.broadcast %add3A_352 : i32 to vector<16xi32>
    %add3A_354 = arith.addi %mul3A_351, %add3A_353 : vector<16xi32>
    %gather3A_355 = tpu.vector_load_idx %arg5[%add3A_354] : memref<1024xi32, #tpu.memory_space<vmem>>[vector<16xi32>], vector<16xi32>,
    %min3A_356 = arith.minsi %min3A_348, %gather3A_355 : vector<16xi32>
    %mul3A_357 = arith.constant 8 : i32
    %mul3A_358 = vector.broadcast %mul3A_357 : i32 to vector<16xi32>
    %mul3A_359 = arith.muli %add3A_336, %mul3A_358 : vector<16xi32>
    %add3A_360 = arith.constant 3 : i32
    %add3A_361 = vector.broadcast %add3A_360 : i32 to vector<16xi32>
    %add3A_362 = arith.addi %mul3A_359, %add3A_361 : vector<16xi32>
    %gather3A_363 = tpu.vector_load_idx %arg5[%add3A_362] : memref<1024xi32, #tpu.memory_space<vmem>>[vector<16xi32>], vector<16xi32>,
    %min3A_364 = arith.minsi %min3A_356, %gather3A_363 : vector<16xi32>
    %mul3A_365 = arith.constant 8 : i32
    %mul3A_366 = vector.broadcast %mul3A_365 : i32 to vector<16xi32>
    %mul3A_367 = arith.muli %add3A_336, %mul3A_366 : vector<16xi32>
    %add3A_368 = arith.constant 4 : i32
    %add3A_369 = vector.broadcast %add3A_368 : i32 to vector<16xi32>
    %add3A_370 = arith.addi %mul3A_367, %add3A_369 : vector<16xi32>
    %gather3A_371 = tpu.vector_load_idx %arg5[%add3A_370] : memref<1024xi32, #tpu.memory_space<vmem>>[vector<16xi32>], vector<16xi32>,
    %min3A_372 = arith.minsi %min3A_364, %gather3A_371 : vector<16xi32>
    %mul3A_373 = arith.constant 8 : i32
    %mul3A_374 = vector.broadcast %mul3A_373 : i32 to vector<16xi32>
    %mul3A_375 = arith.muli %add3A_336, %mul3A_374 : vector<16xi32>
    %add3A_376 = arith.constant 5 : i32
    %add3A_377 = vector.broadcast %add3A_376 : i32 to vector<16xi32>
    %add3A_378 = arith.addi %mul3A_375, %add3A_377 : vector<16xi32>
    %gather3A_379 = tpu.vector_load_idx %arg5[%add3A_378] : memref<1024xi32, #tpu.memory_space<vmem>>[vector<16xi32>], vector<16xi32>,
    %min3A_380 = arith.minsi %min3A_372, %gather3A_379 : vector<16xi32>
    %mul3A_381 = arith.constant 8 : i32
    %mul3A_382 = vector.broadcast %mul3A_381 : i32 to vector<16xi32>
    %mul3A_383 = arith.muli %add3A_336, %mul3A_382 : vector<16xi32>
    %add3A_384 = arith.constant 6 : i32
    %add3A_385 = vector.broadcast %add3A_384 : i32 to vector<16xi32>
    %add3A_386 = arith.addi %mul3A_383, %add3A_385 : vector<16xi32>
    %gather3A_387 = tpu.vector_load_idx %arg5[%add3A_386] : memref<1024xi32, #tpu.memory_space<vmem>>[vector<16xi32>], vector<16xi32>,
    %min3A_388 = arith.minsi %min3A_380, %gather3A_387 : vector<16xi32>
    %mul3A_389 = arith.constant 8 : i32
    %mul3A_390 = vector.broadcast %mul3A_389 : i32 to vector<16xi32>
    %mul3A_391 = arith.muli %add3A_336, %mul3A_390 : vector<16xi32>
    %add3A_392 = arith.constant 7 : i32
    %add3A_393 = vector.broadcast %add3A_392 : i32 to vector<16xi32>
    %add3A_394 = arith.addi %mul3A_391, %add3A_393 : vector<16xi32>
    %gather3A_395 = tpu.vector_load_idx %arg5[%add3A_394] : memref<1024xi32, #tpu.memory_space<vmem>>[vector<16xi32>], vector<16xi32>,
    %min3A_396 = arith.minsi %min3A_388, %gather3A_395 : vector<16xi32>
    %swap3A_397 = arith.constant 80 : index
    %swap3A_398 = tpu.vector_load %arg6[%swap3A_397] {strides = array<i32>} : memref<128xi32, #tpu.memory_space<vmem>>, vector<16xi32>,
    tpu.vector_store %arg6[%swap3A_397], %min3A_396 {strides = array<i32>} : memref<128xi32, #tpu.memory_space<vmem>>, vector<16xi32>,
    %iota3A_399 = tpu.iota {dimensions = array<i32: 0>} : vector<16xi32>
    %add3A_400 = arith.constant 96 : i32
    %add3A_401 = vector.broadcast %add3A_400 : i32 to vector<16xi32>
    %add3A_402 = arith.addi %add3A_401, %iota3A_399 : vector<16xi32>
    %mul3A_403 = arith.constant 8 : i32
    %mul3A_404 = vector.broadcast %mul3A_403 : i32 to vector<16xi32>
    %mul3A_405 = arith.muli %add3A_402, %mul3A_404 : vector<16xi32>
    %gather3A_406 = tpu.vector_load_idx %arg5[%mul3A_405] : memref<1024xi32, #tpu.memory_space<vmem>>[vector<16xi32>], vector<16xi32>,
    %mul3A_407 = arith.constant 8 : i32
    %mul3A_408 = vector.broadcast %mul3A_407 : i32 to vector<16xi32>
    %mul3A_409 = arith.muli %add3A_402, %mul3A_408 : vector<16xi32>
    %add3A_410 = arith.constant 1 : i32
    %add3A_411 = vector.broadcast %add3A_410 : i32 to vector<16xi32>
    %add3A_412 = arith.addi %mul3A_409, %add3A_411 : vector<16xi32>
    %gather3A_413 = tpu.vector_load_idx %arg5[%add3A_412] : memref<1024xi32, #tpu.memory_space<vmem>>[vector<16xi32>], vector<16xi32>,
    %min3A_414 = arith.minsi %gather3A_406, %gather3A_413 : vector<16xi32>
    %mul3A_415 = arith.constant 8 : i32
    %mul3A_416 = vector.broadcast %mul3A_415 : i32 to vector<16xi32>
    %mul3A_417 = arith.muli %add3A_402, %mul3A_416 : vector<16xi32>
    %add3A_418 = arith.constant 2 : i32
    %add3A_419 = vector.broadcast %add3A_418 : i32 to vector<16xi32>
    %add3A_420 = arith.addi %mul3A_417, %add3A_419 : vector<16xi32>
    %gather3A_421 = tpu.vector_load_idx %arg5[%add3A_420] : memref<1024xi32, #tpu.memory_space<vmem>>[vector<16xi32>], vector<16xi32>,
    %min3A_422 = arith.minsi %min3A_414, %gather3A_421 : vector<16xi32>
    %mul3A_423 = arith.constant 8 : i32
    %mul3A_424 = vector.broadcast %mul3A_423 : i32 to vector<16xi32>
    %mul3A_425 = arith.muli %add3A_402, %mul3A_424 : vector<16xi32>
    %add3A_426 = arith.constant 3 : i32
    %add3A_427 = vector.broadcast %add3A_426 : i32 to vector<16xi32>
    %add3A_428 = arith.addi %mul3A_425, %add3A_427 : vector<16xi32>
    %gather3A_429 = tpu.vector_load_idx %arg5[%add3A_428] : memref<1024xi32, #tpu.memory_space<vmem>>[vector<16xi32>], vector<16xi32>,
    %min3A_430 = arith.minsi %min3A_422, %gather3A_429 : vector<16xi32>
    %mul3A_431 = arith.constant 8 : i32
    %mul3A_432 = vector.broadcast %mul3A_431 : i32 to vector<16xi32>
    %mul3A_433 = arith.muli %add3A_402, %mul3A_432 : vector<16xi32>
    %add3A_434 = arith.constant 4 : i32
    %add3A_435 = vector.broadcast %add3A_434 : i32 to vector<16xi32>
    %add3A_436 = arith.addi %mul3A_433, %add3A_435 : vector<16xi32>
    %gather3A_437 = tpu.vector_load_idx %arg5[%add3A_436] : memref<1024xi32, #tpu.memory_space<vmem>>[vector<16xi32>], vector<16xi32>,
    %min3A_438 = arith.minsi %min3A_430, %gather3A_437 : vector<16xi32>
    %mul3A_439 = arith.constant 8 : i32
    %mul3A_440 = vector.broadcast %mul3A_439 : i32 to vector<16xi32>
    %mul3A_441 = arith.muli %add3A_402, %mul3A_440 : vector<16xi32>
    %add3A_442 = arith.constant 5 : i32
    %add3A_443 = vector.broadcast %add3A_442 : i32 to vector<16xi32>
    %add3A_444 = arith.addi %mul3A_441, %add3A_443 : vector<16xi32>
    %gather3A_445 = tpu.vector_load_idx %arg5[%add3A_444] : memref<1024xi32, #tpu.memory_space<vmem>>[vector<16xi32>], vector<16xi32>,
    %min3A_446 = arith.minsi %min3A_438, %gather3A_445 : vector<16xi32>
    %mul3A_447 = arith.constant 8 : i32
    %mul3A_448 = vector.broadcast %mul3A_447 : i32 to vector<16xi32>
    %mul3A_449 = arith.muli %add3A_402, %mul3A_448 : vector<16xi32>
    %add3A_450 = arith.constant 6 : i32
    %add3A_451 = vector.broadcast %add3A_450 : i32 to vector<16xi32>
    %add3A_452 = arith.addi %mul3A_449, %add3A_451 : vector<16xi32>
    %gather3A_453 = tpu.vector_load_idx %arg5[%add3A_452] : memref<1024xi32, #tpu.memory_space<vmem>>[vector<16xi32>], vector<16xi32>,
    %min3A_454 = arith.minsi %min3A_446, %gather3A_453 : vector<16xi32>
    %mul3A_455 = arith.constant 8 : i32
    %mul3A_456 = vector.broadcast %mul3A_455 : i32 to vector<16xi32>
    %mul3A_457 = arith.muli %add3A_402, %mul3A_456 : vector<16xi32>
    %add3A_458 = arith.constant 7 : i32
    %add3A_459 = vector.broadcast %add3A_458 : i32 to vector<16xi32>
    %add3A_460 = arith.addi %mul3A_457, %add3A_459 : vector<16xi32>
    %gather3A_461 = tpu.vector_load_idx %arg5[%add3A_460] : memref<1024xi32, #tpu.memory_space<vmem>>[vector<16xi32>], vector<16xi32>,
    %min3A_462 = arith.minsi %min3A_454, %gather3A_461 : vector<16xi32>
    %swap3A_463 = arith.constant 96 : index
    %swap3A_464 = tpu.vector_load %arg6[%swap3A_463] {strides = array<i32>} : memref<128xi32, #tpu.memory_space<vmem>>, vector<16xi32>,
    tpu.vector_store %arg6[%swap3A_463], %min3A_462 {strides = array<i32>} : memref<128xi32, #tpu.memory_space<vmem>>, vector<16xi32>,
    %iota3A_465 = tpu.iota {dimensions = array<i32: 0>} : vector<16xi32>
    %add3A_466 = arith.constant 112 : i32
    %add3A_467 = vector.broadcast %add3A_466 : i32 to vector<16xi32>
    %add3A_468 = arith.addi %add3A_467, %iota3A_465 : vector<16xi32>
    %mul3A_469 = arith.constant 8 : i32
    %mul3A_470 = vector.broadcast %mul3A_469 : i32 to vector<16xi32>
    %mul3A_471 = arith.muli %add3A_468, %mul3A_470 : vector<16xi32>
    %gather3A_472 = tpu.vector_load_idx %arg5[%mul3A_471] : memref<1024xi32, #tpu.memory_space<vmem>>[vector<16xi32>], vector<16xi32>,
    %mul3A_473 = arith.constant 8 : i32
    %mul3A_474 = vector.broadcast %mul3A_473 : i32 to vector<16xi32>
    %mul3A_475 = arith.muli %add3A_468, %mul3A_474 : vector<16xi32>
    %add3A_476 = arith.constant 1 : i32
    %add3A_477 = vector.broadcast %add3A_476 : i32 to vector<16xi32>
    %add3A_478 = arith.addi %mul3A_475, %add3A_477 : vector<16xi32>
    %gather3A_479 = tpu.vector_load_idx %arg5[%add3A_478] : memref<1024xi32, #tpu.memory_space<vmem>>[vector<16xi32>], vector<16xi32>,
    %min3A_480 = arith.minsi %gather3A_472, %gather3A_479 : vector<16xi32>
    %mul3A_481 = arith.constant 8 : i32
    %mul3A_482 = vector.broadcast %mul3A_481 : i32 to vector<16xi32>
    %mul3A_483 = arith.muli %add3A_468, %mul3A_482 : vector<16xi32>
    %add3A_484 = arith.constant 2 : i32
    %add3A_485 = vector.broadcast %add3A_484 : i32 to vector<16xi32>
    %add3A_486 = arith.addi %mul3A_483, %add3A_485 : vector<16xi32>
    %gather3A_487 = tpu.vector_load_idx %arg5[%add3A_486] : memref<1024xi32, #tpu.memory_space<vmem>>[vector<16xi32>], vector<16xi32>,
    %min3A_488 = arith.minsi %min3A_480, %gather3A_487 : vector<16xi32>
    %mul3A_489 = arith.constant 8 : i32
    %mul3A_490 = vector.broadcast %mul3A_489 : i32 to vector<16xi32>
    %mul3A_491 = arith.muli %add3A_468, %mul3A_490 : vector<16xi32>
    %add3A_492 = arith.constant 3 : i32
    %add3A_493 = vector.broadcast %add3A_492 : i32 to vector<16xi32>
    %add3A_494 = arith.addi %mul3A_491, %add3A_493 : vector<16xi32>
    %gather3A_495 = tpu.vector_load_idx %arg5[%add3A_494] : memref<1024xi32, #tpu.memory_space<vmem>>[vector<16xi32>], vector<16xi32>,
    %min3A_496 = arith.minsi %min3A_488, %gather3A_495 : vector<16xi32>
    %mul3A_497 = arith.constant 8 : i32
    %mul3A_498 = vector.broadcast %mul3A_497 : i32 to vector<16xi32>
    %mul3A_499 = arith.muli %add3A_468, %mul3A_498 : vector<16xi32>
    %add3A_500 = arith.constant 4 : i32
    %add3A_501 = vector.broadcast %add3A_500 : i32 to vector<16xi32>
    %add3A_502 = arith.addi %mul3A_499, %add3A_501 : vector<16xi32>
    %gather3A_503 = tpu.vector_load_idx %arg5[%add3A_502] : memref<1024xi32, #tpu.memory_space<vmem>>[vector<16xi32>], vector<16xi32>,
    %min3A_504 = arith.minsi %min3A_496, %gather3A_503 : vector<16xi32>
    %mul3A_505 = arith.constant 8 : i32
    %mul3A_506 = vector.broadcast %mul3A_505 : i32 to vector<16xi32>
    %mul3A_507 = arith.muli %add3A_468, %mul3A_506 : vector<16xi32>
    %add3A_508 = arith.constant 5 : i32
    %add3A_509 = vector.broadcast %add3A_508 : i32 to vector<16xi32>
    %add3A_510 = arith.addi %mul3A_507, %add3A_509 : vector<16xi32>
    %gather3A_511 = tpu.vector_load_idx %arg5[%add3A_510] : memref<1024xi32, #tpu.memory_space<vmem>>[vector<16xi32>], vector<16xi32>,
    %min3A_512 = arith.minsi %min3A_504, %gather3A_511 : vector<16xi32>
    %mul3A_513 = arith.constant 8 : i32
    %mul3A_514 = vector.broadcast %mul3A_513 : i32 to vector<16xi32>
    %mul3A_515 = arith.muli %add3A_468, %mul3A_514 : vector<16xi32>
    %add3A_516 = arith.constant 6 : i32
    %add3A_517 = vector.broadcast %add3A_516 : i32 to vector<16xi32>
    %add3A_518 = arith.addi %mul3A_515, %add3A_517 : vector<16xi32>
    %gather3A_519 = tpu.vector_load_idx %arg5[%add3A_518] : memref<1024xi32, #tpu.memory_space<vmem>>[vector<16xi32>], vector<16xi32>,
    %min3A_520 = arith.minsi %min3A_512, %gather3A_519 : vector<16xi32>
    %mul3A_521 = arith.constant 8 : i32
    %mul3A_522 = vector.broadcast %mul3A_521 : i32 to vector<16xi32>
    %mul3A_523 = arith.muli %add3A_468, %mul3A_522 : vector<16xi32>
    %add3A_524 = arith.constant 7 : i32
    %add3A_525 = vector.broadcast %add3A_524 : i32 to vector<16xi32>
    %add3A_526 = arith.addi %mul3A_523, %add3A_525 : vector<16xi32>
    %gather3A_527 = tpu.vector_load_idx %arg5[%add3A_526] : memref<1024xi32, #tpu.memory_space<vmem>>[vector<16xi32>], vector<16xi32>,
    %min3A_528 = arith.minsi %min3A_520, %gather3A_527 : vector<16xi32>
    %swap3A_529 = arith.constant 112 : index
    %swap3A_530 = tpu.vector_load %arg6[%swap3A_529] {strides = array<i32>} : memref<128xi32, #tpu.memory_space<vmem>>, vector<16xi32>,
    tpu.vector_store %arg6[%swap3A_529], %min3A_528 {strides = array<i32>} : memref<128xi32, #tpu.memory_space<vmem>>, vector<16xi32>,
    %dma_start3A = arith.constant 0 : i32
    %dma_start3A_531 = tpu.memref_slice %arg6[%dma_start3A] : memref<128xi32, #tpu.memory_space<vmem>> -> memref<64xi32, #tpu.memory_space<vmem>>
    %dma_start3A_532 = arith.constant 0 : i32
    %dma_start3A_533 = arith.constant 0 : i32
    %dma_start3A_534 = tpu.memref_slice %arg2[%dma_start3A_532, %dma_start3A_533] : memref<2064x768xf32, #tpu.memory_space<hbm>> -> memref<2064x768xf32, #tpu.memory_space<hbm>>
    tpu.enqueue_indirect_dma source(%dma_start3A_534 : memref<2064x768xf32, #tpu.memory_space<hbm>>) target(%arg7 : memref<64x768xf32, #tpu.memory_space<vmem>>) offsets(%dma_start3A_531 : memref<64xi32, #tpu.memory_space<vmem>>) semaphore(%arg9 : memref<!tpu.dma_semaphore, #tpu.memory_space<semaphore_mem>>)
    %dma_start3A_535 = arith.constant 64 : i32
    %dma_start3A_536 = tpu.memref_slice %arg6[%dma_start3A_535] : memref<128xi32, #tpu.memory_space<vmem>> -> memref<64xi32, #tpu.memory_space<vmem>>
    %dma_start3A_537 = arith.constant 0 : i32
    %dma_start3A_538 = arith.constant 0 : i32
    %dma_start3A_539 = tpu.memref_slice %arg2[%dma_start3A_537, %dma_start3A_538] : memref<2064x768xf32, #tpu.memory_space<hbm>> -> memref<2064x768xf32, #tpu.memory_space<hbm>>
    tpu.enqueue_indirect_dma source(%dma_start3A_539 : memref<2064x768xf32, #tpu.memory_space<hbm>>) target(%arg8 : memref<64x768xf32, #tpu.memory_space<vmem>>) offsets(%dma_start3A_536 : memref<64xi32, #tpu.memory_space<vmem>>) semaphore(%arg10 : memref<!tpu.dma_semaphore, #tpu.memory_space<semaphore_mem>>)
    %dma_wait3A = arith.constant 0 : i32
    %dma_wait3A_540 = tpu.memref_slice %arg6[%dma_wait3A] : memref<128xi32, #tpu.memory_space<vmem>> -> memref<64xi32, #tpu.memory_space<vmem>>
    %dma_wait3A_541 = arith.constant 0 : i32
    %dma_wait3A_542 = arith.constant 0 : i32
    %dma_wait3A_543 = tpu.memref_slice %arg2[%dma_wait3A_541, %dma_wait3A_542] : memref<2064x768xf32, #tpu.memory_space<hbm>> -> memref<2064x768xf32, #tpu.memory_space<hbm>>
    tpu.wait_indirect_dma semaphore(%arg9 : memref<!tpu.dma_semaphore, #tpu.memory_space<semaphore_mem>>) src(%dma_wait3A_543 : memref<2064x768xf32, #tpu.memory_space<hbm>>) dst(%arg7 : memref<64x768xf32, #tpu.memory_space<vmem>>)
    %mul3A_544 = arith.constant 2 : i32
    %mul3A_545 = arith.muli %mul3A_544, %mul3A_2 : i32
    "tpu.region"() ({
      %run_scoped3A = tpu.sem_alloc : memref<!tpu.dma_semaphore, #tpu.memory_space<semaphore_mem>>
      %dma_start3A_555 = arith.constant 0 : i32
      %dma_start3A_556 = tpu.memref_slice %arg4[%mul3A_545, %dma_start3A_555] : memref<4096x768xf32, #tpu.memory_space<hbm>> -> memref<64x768xf32, #tpu.memory_space<hbm>>
      %dma_start3A_557 = arith.constant 0 : i32
      %dma_start3A_558 = tpu.memref_slice %arg4[%mul3A_545, %dma_start3A_557] : memref<4096x768xf32, #tpu.memory_space<hbm>> -> memref<64x768xf32, #tpu.memory_space<hbm>>
      tpu.enqueue_dma source(%arg7 : memref<64x768xf32, #tpu.memory_space<vmem>>) target(%dma_start3A_558 : memref<64x768xf32, #tpu.memory_space<hbm>>) target_semaphore(%run_scoped3A : memref<!tpu.dma_semaphore, #tpu.memory_space<semaphore_mem>>)
      %dma_wait3A_559 = arith.constant 0 : i32
      %dma_wait3A_560 = tpu.memref_slice %arg4[%mul3A_545, %dma_wait3A_559] : memref<4096x768xf32, #tpu.memory_space<hbm>> -> memref<64x768xf32, #tpu.memory_space<hbm>>
      %dma_wait3A_561 = arith.constant 0 : i32
      %dma_wait3A_562 = tpu.memref_slice %arg4[%mul3A_545, %dma_wait3A_561] : memref<4096x768xf32, #tpu.memory_space<hbm>> -> memref<64x768xf32, #tpu.memory_space<hbm>>
      tpu.wait_dma2 semaphore(%run_scoped3A : memref<!tpu.dma_semaphore, #tpu.memory_space<semaphore_mem>>) src(%arg7 : memref<64x768xf32, #tpu.memory_space<vmem>>) dst(%dma_wait3A_562 : memref<64x768xf32, #tpu.memory_space<hbm>>)
      tpu.yield
    }) : () -> ()
    %dma_wait3A_546 = arith.constant 64 : i32
    %dma_wait3A_547 = tpu.memref_slice %arg6[%dma_wait3A_546] : memref<128xi32, #tpu.memory_space<vmem>> -> memref<64xi32, #tpu.memory_space<vmem>>
    %dma_wait3A_548 = arith.constant 0 : i32
    %dma_wait3A_549 = arith.constant 0 : i32
    %dma_wait3A_550 = tpu.memref_slice %arg2[%dma_wait3A_548, %dma_wait3A_549] : memref<2064x768xf32, #tpu.memory_space<hbm>> -> memref<2064x768xf32, #tpu.memory_space<hbm>>
    tpu.wait_indirect_dma semaphore(%arg10 : memref<!tpu.dma_semaphore, #tpu.memory_space<semaphore_mem>>) src(%dma_wait3A_550 : memref<2064x768xf32, #tpu.memory_space<hbm>>) dst(%arg8 : memref<64x768xf32, #tpu.memory_space<vmem>>)
    %mul3A_551 = arith.constant 2 : i32
    %mul3A_552 = arith.muli %mul3A_551, %mul3A_2 : i32
    %add3A_553 = arith.constant 64 : i32
    %add3A_554 = arith.addi %mul3A_552, %add3A_553 : i32
    "tpu.region"() ({
      %run_scoped3A = tpu.sem_alloc : memref<!tpu.dma_semaphore, #tpu.memory_space<semaphore_mem>>
      %dma_start3A_555 = arith.constant 0 : i32
      %dma_start3A_556 = tpu.memref_slice %arg4[%add3A_554, %dma_start3A_555] : memref<4096x768xf32, #tpu.memory_space<hbm>> -> memref<64x768xf32, #tpu.memory_space<hbm>>
      %dma_start3A_557 = arith.constant 0 : i32
      %dma_start3A_558 = tpu.memref_slice %arg4[%add3A_554, %dma_start3A_557] : memref<4096x768xf32, #tpu.memory_space<hbm>> -> memref<64x768xf32, #tpu.memory_space<hbm>>
      tpu.enqueue_dma source(%arg8 : memref<64x768xf32, #tpu.memory_space<vmem>>) target(%dma_start3A_558 : memref<64x768xf32, #tpu.memory_space<hbm>>) target_semaphore(%run_scoped3A : memref<!tpu.dma_semaphore, #tpu.memory_space<semaphore_mem>>)
      %dma_wait3A_559 = arith.constant 0 : i32
      %dma_wait3A_560 = tpu.memref_slice %arg4[%add3A_554, %dma_wait3A_559] : memref<4096x768xf32, #tpu.memory_space<hbm>> -> memref<64x768xf32, #tpu.memory_space<hbm>>
      %dma_wait3A_561 = arith.constant 0 : i32
      %dma_wait3A_562 = tpu.memref_slice %arg4[%add3A_554, %dma_wait3A_561] : memref<4096x768xf32, #tpu.memory_space<hbm>> -> memref<64x768xf32, #tpu.memory_space<hbm>>
      tpu.wait_dma2 semaphore(%run_scoped3A : memref<!tpu.dma_semaphore, #tpu.memory_space<semaphore_mem>>) src(%arg8 : memref<64x768xf32, #tpu.memory_space<vmem>>) dst(%dma_wait3A_562 : memref<64x768xf32, #tpu.memory_space<hbm>>)
      tpu.yield
    }) : () -> ()
    return
  }
}

#map = affine_map<(d0, d1) -> (0)>
#map1 = affine_map<(d0, d1) -> (0, 0)>
module attributes {stable_mosaic.version = 14 : i64} {
  func.func @_dispatch_body(%arg0: i32, %arg1: i32, %arg2: memref<16384xf32, #tpu.memory_space<hbm>>, %arg3: memref<16384xi32, #tpu.memory_space<hbm>>, %arg4: memref<2048x768xf32, #tpu.memory_space<hbm>>, %arg5: memref<8x272xi32, #tpu.memory_space<hbm>>, %arg6: memref<8x272xf32, #tpu.memory_space<hbm>>, %arg7: memref<8x4096xi32, #tpu.memory_space<hbm>>, %arg8: memref<2048x768xf32, #tpu.memory_space<hbm>>, %arg9: memref<16384xf32, #tpu.memory_space<vmem>>, %arg10: memref<16384xi32, #tpu.memory_space<vmem>>, %arg11: memref<272xi32, #tpu.memory_space<vmem>>, %arg12: memref<272xf32, #tpu.memory_space<vmem>>, %arg13: memref<4096xi32, #tpu.memory_space<vmem>>, %arg14: memref<1088xi32, #tpu.memory_space<vmem_shared>>, %arg15: memref<64xi32, #tpu.memory_space<vmem>>, %arg16: memref<64x768xf32, #tpu.memory_space<vmem>>, %arg17: memref<!tpu.dma_semaphore, #tpu.memory_space<semaphore_mem>>) attributes {dimension_semantics = [#tpu.dimension_semantics<core_parallel>, #tpu.dimension_semantics<subcore_parallel>], iteration_bounds = array<i64: 2, 16>, scalar_prefetch = 0 : i64, scratch_operands = 9 : i64, tpu.core_type = #tpu.core_type<sc_vector_subcore>, window_params = [{transform_indices = #map}, {transform_indices = #map}, {transform_indices = #map1}, {transform_indices = #map1}, {transform_indices = #map1}, {transform_indices = #map1}, {transform_indices = #map1}]} {
    %lt3A = arith.constant 4 : i32
    %lt3A_0 = arith.cmpi slt, %arg1, %lt3A : i32
    %convert_element_type3A = arith.extui %lt3A_0 : i1 to i32
    %cond3A = arith.constant 0 : i32
    %cond3A_1 = arith.cmpi ne, %convert_element_type3A, %cond3A : i32
    scf.if %cond3A_1 {
      %mul3A_46 = arith.constant 4 : i32
      %mul3A_47 = arith.muli %arg0, %mul3A_46 : i32
      %add3A_48 = arith.addi %mul3A_47, %arg1 : i32
      %broadcast_in_dim3A = arith.constant 0 : i32
      %broadcast_in_dim3A_49 = vector.broadcast %broadcast_in_dim3A : i32 to vector<16xi32>
      %swap3A = arith.constant 0 : index
      %swap3A_50 = tpu.vector_load %arg11[%swap3A] {strides = array<i32>} : memref<272xi32, #tpu.memory_space<vmem>>, vector<16xi32>,
      tpu.vector_store %arg11[%swap3A], %broadcast_in_dim3A_49 {strides = array<i32>} : memref<272xi32, #tpu.memory_space<vmem>>, vector<16xi32>,
      %broadcast_in_dim3A_51 = arith.constant 0.000000e+00 : f32
      %broadcast_in_dim3A_52 = vector.broadcast %broadcast_in_dim3A_51 : f32 to vector<16xf32>
      %swap3A_53 = arith.constant 0 : index
      %swap3A_54 = tpu.vector_load %arg12[%swap3A_53] {strides = array<i32>} : memref<272xf32, #tpu.memory_space<vmem>>, vector<16xf32>,
      tpu.vector_store %arg12[%swap3A_53], %broadcast_in_dim3A_52 {strides = array<i32>} : memref<272xf32, #tpu.memory_space<vmem>>, vector<16xf32>,
      %broadcast_in_dim3A_55 = arith.constant 0 : i32
      %broadcast_in_dim3A_56 = vector.broadcast %broadcast_in_dim3A_55 : i32 to vector<16xi32>
      %swap3A_57 = arith.constant 16 : index
      %swap3A_58 = tpu.vector_load %arg11[%swap3A_57] {strides = array<i32>} : memref<272xi32, #tpu.memory_space<vmem>>, vector<16xi32>,
      tpu.vector_store %arg11[%swap3A_57], %broadcast_in_dim3A_56 {strides = array<i32>} : memref<272xi32, #tpu.memory_space<vmem>>, vector<16xi32>,
      %broadcast_in_dim3A_59 = arith.constant 0.000000e+00 : f32
      %broadcast_in_dim3A_60 = vector.broadcast %broadcast_in_dim3A_59 : f32 to vector<16xf32>
      %swap3A_61 = arith.constant 16 : index
      %swap3A_62 = tpu.vector_load %arg12[%swap3A_61] {strides = array<i32>} : memref<272xf32, #tpu.memory_space<vmem>>, vector<16xf32>,
      tpu.vector_store %arg12[%swap3A_61], %broadcast_in_dim3A_60 {strides = array<i32>} : memref<272xf32, #tpu.memory_space<vmem>>, vector<16xf32>,
      %broadcast_in_dim3A_63 = arith.constant 0 : i32
      %broadcast_in_dim3A_64 = vector.broadcast %broadcast_in_dim3A_63 : i32 to vector<16xi32>
      %swap3A_65 = arith.constant 32 : index
      %swap3A_66 = tpu.vector_load %arg11[%swap3A_65] {strides = array<i32>} : memref<272xi32, #tpu.memory_space<vmem>>, vector<16xi32>,
      tpu.vector_store %arg11[%swap3A_65], %broadcast_in_dim3A_64 {strides = array<i32>} : memref<272xi32, #tpu.memory_space<vmem>>, vector<16xi32>,
      %broadcast_in_dim3A_67 = arith.constant 0.000000e+00 : f32
      %broadcast_in_dim3A_68 = vector.broadcast %broadcast_in_dim3A_67 : f32 to vector<16xf32>
      %swap3A_69 = arith.constant 32 : index
      %swap3A_70 = tpu.vector_load %arg12[%swap3A_69] {strides = array<i32>} : memref<272xf32, #tpu.memory_space<vmem>>, vector<16xf32>,
      tpu.vector_store %arg12[%swap3A_69], %broadcast_in_dim3A_68 {strides = array<i32>} : memref<272xf32, #tpu.memory_space<vmem>>, vector<16xf32>,
      %broadcast_in_dim3A_71 = arith.constant 0 : i32
      %broadcast_in_dim3A_72 = vector.broadcast %broadcast_in_dim3A_71 : i32 to vector<16xi32>
      %swap3A_73 = arith.constant 48 : index
      %swap3A_74 = tpu.vector_load %arg11[%swap3A_73] {strides = array<i32>} : memref<272xi32, #tpu.memory_space<vmem>>, vector<16xi32>,
      tpu.vector_store %arg11[%swap3A_73], %broadcast_in_dim3A_72 {strides = array<i32>} : memref<272xi32, #tpu.memory_space<vmem>>, vector<16xi32>,
      %broadcast_in_dim3A_75 = arith.constant 0.000000e+00 : f32
      %broadcast_in_dim3A_76 = vector.broadcast %broadcast_in_dim3A_75 : f32 to vector<16xf32>
      %swap3A_77 = arith.constant 48 : index
      %swap3A_78 = tpu.vector_load %arg12[%swap3A_77] {strides = array<i32>} : memref<272xf32, #tpu.memory_space<vmem>>, vector<16xf32>,
      tpu.vector_store %arg12[%swap3A_77], %broadcast_in_dim3A_76 {strides = array<i32>} : memref<272xf32, #tpu.memory_space<vmem>>, vector<16xf32>,
      %broadcast_in_dim3A_79 = arith.constant 0 : i32
      %broadcast_in_dim3A_80 = vector.broadcast %broadcast_in_dim3A_79 : i32 to vector<16xi32>
      %swap3A_81 = arith.constant 64 : index
      %swap3A_82 = tpu.vector_load %arg11[%swap3A_81] {strides = array<i32>} : memref<272xi32, #tpu.memory_space<vmem>>, vector<16xi32>,
      tpu.vector_store %arg11[%swap3A_81], %broadcast_in_dim3A_80 {strides = array<i32>} : memref<272xi32, #tpu.memory_space<vmem>>, vector<16xi32>,
      %broadcast_in_dim3A_83 = arith.constant 0.000000e+00 : f32
      %broadcast_in_dim3A_84 = vector.broadcast %broadcast_in_dim3A_83 : f32 to vector<16xf32>
      %swap3A_85 = arith.constant 64 : index
      %swap3A_86 = tpu.vector_load %arg12[%swap3A_85] {strides = array<i32>} : memref<272xf32, #tpu.memory_space<vmem>>, vector<16xf32>,
      tpu.vector_store %arg12[%swap3A_85], %broadcast_in_dim3A_84 {strides = array<i32>} : memref<272xf32, #tpu.memory_space<vmem>>, vector<16xf32>,
      %broadcast_in_dim3A_87 = arith.constant 0 : i32
      %broadcast_in_dim3A_88 = vector.broadcast %broadcast_in_dim3A_87 : i32 to vector<16xi32>
      %swap3A_89 = arith.constant 80 : index
      %swap3A_90 = tpu.vector_load %arg11[%swap3A_89] {strides = array<i32>} : memref<272xi32, #tpu.memory_space<vmem>>, vector<16xi32>,
      tpu.vector_store %arg11[%swap3A_89], %broadcast_in_dim3A_88 {strides = array<i32>} : memref<272xi32, #tpu.memory_space<vmem>>, vector<16xi32>,
      %broadcast_in_dim3A_91 = arith.constant 0.000000e+00 : f32
      %broadcast_in_dim3A_92 = vector.broadcast %broadcast_in_dim3A_91 : f32 to vector<16xf32>
      %swap3A_93 = arith.constant 80 : index
      %swap3A_94 = tpu.vector_load %arg12[%swap3A_93] {strides = array<i32>} : memref<272xf32, #tpu.memory_space<vmem>>, vector<16xf32>,
      tpu.vector_store %arg12[%swap3A_93], %broadcast_in_dim3A_92 {strides = array<i32>} : memref<272xf32, #tpu.memory_space<vmem>>, vector<16xf32>,
      %broadcast_in_dim3A_95 = arith.constant 0 : i32
      %broadcast_in_dim3A_96 = vector.broadcast %broadcast_in_dim3A_95 : i32 to vector<16xi32>
      %swap3A_97 = arith.constant 96 : index
      %swap3A_98 = tpu.vector_load %arg11[%swap3A_97] {strides = array<i32>} : memref<272xi32, #tpu.memory_space<vmem>>, vector<16xi32>,
      tpu.vector_store %arg11[%swap3A_97], %broadcast_in_dim3A_96 {strides = array<i32>} : memref<272xi32, #tpu.memory_space<vmem>>, vector<16xi32>,
      %broadcast_in_dim3A_99 = arith.constant 0.000000e+00 : f32
      %broadcast_in_dim3A_100 = vector.broadcast %broadcast_in_dim3A_99 : f32 to vector<16xf32>
      %swap3A_101 = arith.constant 96 : index
      %swap3A_102 = tpu.vector_load %arg12[%swap3A_101] {strides = array<i32>} : memref<272xf32, #tpu.memory_space<vmem>>, vector<16xf32>,
      tpu.vector_store %arg12[%swap3A_101], %broadcast_in_dim3A_100 {strides = array<i32>} : memref<272xf32, #tpu.memory_space<vmem>>, vector<16xf32>,
      %broadcast_in_dim3A_103 = arith.constant 0 : i32
      %broadcast_in_dim3A_104 = vector.broadcast %broadcast_in_dim3A_103 : i32 to vector<16xi32>
      %swap3A_105 = arith.constant 112 : index
      %swap3A_106 = tpu.vector_load %arg11[%swap3A_105] {strides = array<i32>} : memref<272xi32, #tpu.memory_space<vmem>>, vector<16xi32>,
      tpu.vector_store %arg11[%swap3A_105], %broadcast_in_dim3A_104 {strides = array<i32>} : memref<272xi32, #tpu.memory_space<vmem>>, vector<16xi32>,
      %broadcast_in_dim3A_107 = arith.constant 0.000000e+00 : f32
      %broadcast_in_dim3A_108 = vector.broadcast %broadcast_in_dim3A_107 : f32 to vector<16xf32>
      %swap3A_109 = arith.constant 112 : index
      %swap3A_110 = tpu.vector_load %arg12[%swap3A_109] {strides = array<i32>} : memref<272xf32, #tpu.memory_space<vmem>>, vector<16xf32>,
      tpu.vector_store %arg12[%swap3A_109], %broadcast_in_dim3A_108 {strides = array<i32>} : memref<272xf32, #tpu.memory_space<vmem>>, vector<16xf32>,
      %broadcast_in_dim3A_111 = arith.constant 0 : i32
      %broadcast_in_dim3A_112 = vector.broadcast %broadcast_in_dim3A_111 : i32 to vector<16xi32>
      %swap3A_113 = arith.constant 128 : index
      %swap3A_114 = tpu.vector_load %arg11[%swap3A_113] {strides = array<i32>} : memref<272xi32, #tpu.memory_space<vmem>>, vector<16xi32>,
      tpu.vector_store %arg11[%swap3A_113], %broadcast_in_dim3A_112 {strides = array<i32>} : memref<272xi32, #tpu.memory_space<vmem>>, vector<16xi32>,
      %broadcast_in_dim3A_115 = arith.constant 0.000000e+00 : f32
      %broadcast_in_dim3A_116 = vector.broadcast %broadcast_in_dim3A_115 : f32 to vector<16xf32>
      %swap3A_117 = arith.constant 128 : index
      %swap3A_118 = tpu.vector_load %arg12[%swap3A_117] {strides = array<i32>} : memref<272xf32, #tpu.memory_space<vmem>>, vector<16xf32>,
      tpu.vector_store %arg12[%swap3A_117], %broadcast_in_dim3A_116 {strides = array<i32>} : memref<272xf32, #tpu.memory_space<vmem>>, vector<16xf32>,
      %broadcast_in_dim3A_119 = arith.constant 0 : i32
      %broadcast_in_dim3A_120 = vector.broadcast %broadcast_in_dim3A_119 : i32 to vector<16xi32>
      %swap3A_121 = arith.constant 144 : index
      %swap3A_122 = tpu.vector_load %arg11[%swap3A_121] {strides = array<i32>} : memref<272xi32, #tpu.memory_space<vmem>>, vector<16xi32>,
      tpu.vector_store %arg11[%swap3A_121], %broadcast_in_dim3A_120 {strides = array<i32>} : memref<272xi32, #tpu.memory_space<vmem>>, vector<16xi32>,
      %broadcast_in_dim3A_123 = arith.constant 0.000000e+00 : f32
      %broadcast_in_dim3A_124 = vector.broadcast %broadcast_in_dim3A_123 : f32 to vector<16xf32>
      %swap3A_125 = arith.constant 144 : index
      %swap3A_126 = tpu.vector_load %arg12[%swap3A_125] {strides = array<i32>} : memref<272xf32, #tpu.memory_space<vmem>>, vector<16xf32>,
      tpu.vector_store %arg12[%swap3A_125], %broadcast_in_dim3A_124 {strides = array<i32>} : memref<272xf32, #tpu.memory_space<vmem>>, vector<16xf32>,
      %broadcast_in_dim3A_127 = arith.constant 0 : i32
      %broadcast_in_dim3A_128 = vector.broadcast %broadcast_in_dim3A_127 : i32 to vector<16xi32>
      %swap3A_129 = arith.constant 160 : index
      %swap3A_130 = tpu.vector_load %arg11[%swap3A_129] {strides = array<i32>} : memref<272xi32, #tpu.memory_space<vmem>>, vector<16xi32>,
      tpu.vector_store %arg11[%swap3A_129], %broadcast_in_dim3A_128 {strides = array<i32>} : memref<272xi32, #tpu.memory_space<vmem>>, vector<16xi32>,
      %broadcast_in_dim3A_131 = arith.constant 0.000000e+00 : f32
      %broadcast_in_dim3A_132 = vector.broadcast %broadcast_in_dim3A_131 : f32 to vector<16xf32>
      %swap3A_133 = arith.constant 160 : index
      %swap3A_134 = tpu.vector_load %arg12[%swap3A_133] {strides = array<i32>} : memref<272xf32, #tpu.memory_space<vmem>>, vector<16xf32>,
      tpu.vector_store %arg12[%swap3A_133], %broadcast_in_dim3A_132 {strides = array<i32>} : memref<272xf32, #tpu.memory_space<vmem>>, vector<16xf32>,
      %broadcast_in_dim3A_135 = arith.constant 0 : i32
      %broadcast_in_dim3A_136 = vector.broadcast %broadcast_in_dim3A_135 : i32 to vector<16xi32>
      %swap3A_137 = arith.constant 176 : index
      %swap3A_138 = tpu.vector_load %arg11[%swap3A_137] {strides = array<i32>} : memref<272xi32, #tpu.memory_space<vmem>>, vector<16xi32>,
      tpu.vector_store %arg11[%swap3A_137], %broadcast_in_dim3A_136 {strides = array<i32>} : memref<272xi32, #tpu.memory_space<vmem>>, vector<16xi32>,
      %broadcast_in_dim3A_139 = arith.constant 0.000000e+00 : f32
      %broadcast_in_dim3A_140 = vector.broadcast %broadcast_in_dim3A_139 : f32 to vector<16xf32>
      %swap3A_141 = arith.constant 176 : index
      %swap3A_142 = tpu.vector_load %arg12[%swap3A_141] {strides = array<i32>} : memref<272xf32, #tpu.memory_space<vmem>>, vector<16xf32>,
      tpu.vector_store %arg12[%swap3A_141], %broadcast_in_dim3A_140 {strides = array<i32>} : memref<272xf32, #tpu.memory_space<vmem>>, vector<16xf32>,
      %broadcast_in_dim3A_143 = arith.constant 0 : i32
      %broadcast_in_dim3A_144 = vector.broadcast %broadcast_in_dim3A_143 : i32 to vector<16xi32>
      %swap3A_145 = arith.constant 192 : index
      %swap3A_146 = tpu.vector_load %arg11[%swap3A_145] {strides = array<i32>} : memref<272xi32, #tpu.memory_space<vmem>>, vector<16xi32>,
      tpu.vector_store %arg11[%swap3A_145], %broadcast_in_dim3A_144 {strides = array<i32>} : memref<272xi32, #tpu.memory_space<vmem>>, vector<16xi32>,
      %broadcast_in_dim3A_147 = arith.constant 0.000000e+00 : f32
      %broadcast_in_dim3A_148 = vector.broadcast %broadcast_in_dim3A_147 : f32 to vector<16xf32>
      %swap3A_149 = arith.constant 192 : index
      %swap3A_150 = tpu.vector_load %arg12[%swap3A_149] {strides = array<i32>} : memref<272xf32, #tpu.memory_space<vmem>>, vector<16xf32>,
      tpu.vector_store %arg12[%swap3A_149], %broadcast_in_dim3A_148 {strides = array<i32>} : memref<272xf32, #tpu.memory_space<vmem>>, vector<16xf32>,
      %broadcast_in_dim3A_151 = arith.constant 0 : i32
      %broadcast_in_dim3A_152 = vector.broadcast %broadcast_in_dim3A_151 : i32 to vector<16xi32>
      %swap3A_153 = arith.constant 208 : index
      %swap3A_154 = tpu.vector_load %arg11[%swap3A_153] {strides = array<i32>} : memref<272xi32, #tpu.memory_space<vmem>>, vector<16xi32>,
      tpu.vector_store %arg11[%swap3A_153], %broadcast_in_dim3A_152 {strides = array<i32>} : memref<272xi32, #tpu.memory_space<vmem>>, vector<16xi32>,
      %broadcast_in_dim3A_155 = arith.constant 0.000000e+00 : f32
      %broadcast_in_dim3A_156 = vector.broadcast %broadcast_in_dim3A_155 : f32 to vector<16xf32>
      %swap3A_157 = arith.constant 208 : index
      %swap3A_158 = tpu.vector_load %arg12[%swap3A_157] {strides = array<i32>} : memref<272xf32, #tpu.memory_space<vmem>>, vector<16xf32>,
      tpu.vector_store %arg12[%swap3A_157], %broadcast_in_dim3A_156 {strides = array<i32>} : memref<272xf32, #tpu.memory_space<vmem>>, vector<16xf32>,
      %broadcast_in_dim3A_159 = arith.constant 0 : i32
      %broadcast_in_dim3A_160 = vector.broadcast %broadcast_in_dim3A_159 : i32 to vector<16xi32>
      %swap3A_161 = arith.constant 224 : index
      %swap3A_162 = tpu.vector_load %arg11[%swap3A_161] {strides = array<i32>} : memref<272xi32, #tpu.memory_space<vmem>>, vector<16xi32>,
      tpu.vector_store %arg11[%swap3A_161], %broadcast_in_dim3A_160 {strides = array<i32>} : memref<272xi32, #tpu.memory_space<vmem>>, vector<16xi32>,
      %broadcast_in_dim3A_163 = arith.constant 0.000000e+00 : f32
      %broadcast_in_dim3A_164 = vector.broadcast %broadcast_in_dim3A_163 : f32 to vector<16xf32>
      %swap3A_165 = arith.constant 224 : index
      %swap3A_166 = tpu.vector_load %arg12[%swap3A_165] {strides = array<i32>} : memref<272xf32, #tpu.memory_space<vmem>>, vector<16xf32>,
      tpu.vector_store %arg12[%swap3A_165], %broadcast_in_dim3A_164 {strides = array<i32>} : memref<272xf32, #tpu.memory_space<vmem>>, vector<16xf32>,
      %broadcast_in_dim3A_167 = arith.constant 0 : i32
      %broadcast_in_dim3A_168 = vector.broadcast %broadcast_in_dim3A_167 : i32 to vector<16xi32>
      %swap3A_169 = arith.constant 240 : index
      %swap3A_170 = tpu.vector_load %arg11[%swap3A_169] {strides = array<i32>} : memref<272xi32, #tpu.memory_space<vmem>>, vector<16xi32>,
      tpu.vector_store %arg11[%swap3A_169], %broadcast_in_dim3A_168 {strides = array<i32>} : memref<272xi32, #tpu.memory_space<vmem>>, vector<16xi32>,
      %broadcast_in_dim3A_171 = arith.constant 0.000000e+00 : f32
      %broadcast_in_dim3A_172 = vector.broadcast %broadcast_in_dim3A_171 : f32 to vector<16xf32>
      %swap3A_173 = arith.constant 240 : index
      %swap3A_174 = tpu.vector_load %arg12[%swap3A_173] {strides = array<i32>} : memref<272xf32, #tpu.memory_space<vmem>>, vector<16xf32>,
      tpu.vector_store %arg12[%swap3A_173], %broadcast_in_dim3A_172 {strides = array<i32>} : memref<272xf32, #tpu.memory_space<vmem>>, vector<16xf32>,
      %broadcast_in_dim3A_175 = arith.constant 0 : i32
      %broadcast_in_dim3A_176 = vector.broadcast %broadcast_in_dim3A_175 : i32 to vector<16xi32>
      %swap3A_177 = arith.constant 256 : index
      %swap3A_178 = tpu.vector_load %arg11[%swap3A_177] {strides = array<i32>} : memref<272xi32, #tpu.memory_space<vmem>>, vector<16xi32>,
      tpu.vector_store %arg11[%swap3A_177], %broadcast_in_dim3A_176 {strides = array<i32>} : memref<272xi32, #tpu.memory_space<vmem>>, vector<16xi32>,
      %broadcast_in_dim3A_179 = arith.constant 0.000000e+00 : f32
      %broadcast_in_dim3A_180 = vector.broadcast %broadcast_in_dim3A_179 : f32 to vector<16xf32>
      %swap3A_181 = arith.constant 256 : index
      %swap3A_182 = tpu.vector_load %arg12[%swap3A_181] {strides = array<i32>} : memref<272xf32, #tpu.memory_space<vmem>>, vector<16xf32>,
      tpu.vector_store %arg12[%swap3A_181], %broadcast_in_dim3A_180 {strides = array<i32>} : memref<272xf32, #tpu.memory_space<vmem>>, vector<16xf32>,
      %scan3A = arith.constant 0 : i32
      %scan3A_183 = arith.constant 0 : i32
      %scan3A_184 = arith.constant 256 : i32
      %scan3A_185 = arith.addi %scan3A_183, %scan3A_184 : i32
      %scan3A_186 = arith.constant 1 : i32
      %scan3A_187 = scf.for %scan3A_198 = %scan3A_183 to %scan3A_185 step %scan3A_186 iter_args(%scan3A_199 = %scan3A) -> (i32)  : i32 {
        %broadcast_in_dim3A_200 = arith.constant 2048 : i32
        %broadcast_in_dim3A_201 = vector.broadcast %broadcast_in_dim3A_200 : i32 to vector<16xi32>
        %mul3A_202 = arith.constant 16 : i32
        %mul3A_203 = arith.muli %scan3A_198, %mul3A_202 : i32
        %swap3A_204 = arith.index_cast %mul3A_203 : i32 to index
        %swap3A_205 = tpu.vector_load %arg13[%swap3A_204] {strides = array<i32>} : memref<4096xi32, #tpu.memory_space<vmem>>, vector<16xi32>,
        tpu.vector_store %arg13[%swap3A_204], %broadcast_in_dim3A_201 {strides = array<i32>} : memref<4096xi32, #tpu.memory_space<vmem>>, vector<16xi32>,
        %scan3A_206 = arith.constant 0 : i32
        scf.yield %scan3A_206 : i32
      }
      %scan3A_188 = arith.constant 256 : i32
      "tpu.region"() ({
        %run_scoped3A = tpu.sem_alloc : memref<!tpu.dma_semaphore, #tpu.memory_space<semaphore_mem>>
        tpu.enqueue_dma source(%arg2 : memref<16384xf32, #tpu.memory_space<hbm>>) target(%arg9 : memref<16384xf32, #tpu.memory_space<vmem>>) target_semaphore(%run_scoped3A : memref<!tpu.dma_semaphore, #tpu.memory_space<semaphore_mem>>)
        tpu.wait_dma2 semaphore(%run_scoped3A : memref<!tpu.dma_semaphore, #tpu.memory_space<semaphore_mem>>) src(%arg2 : memref<16384xf32, #tpu.memory_space<hbm>>) dst(%arg9 : memref<16384xf32, #tpu.memory_space<vmem>>)
        tpu.yield
      }) : () -> ()
      "tpu.region"() ({
        %run_scoped3A = tpu.sem_alloc : memref<!tpu.dma_semaphore, #tpu.memory_space<semaphore_mem>>
        tpu.enqueue_dma source(%arg3 : memref<16384xi32, #tpu.memory_space<hbm>>) target(%arg10 : memref<16384xi32, #tpu.memory_space<vmem>>) target_semaphore(%run_scoped3A : memref<!tpu.dma_semaphore, #tpu.memory_space<semaphore_mem>>)
        tpu.wait_dma2 semaphore(%run_scoped3A : memref<!tpu.dma_semaphore, #tpu.memory_space<semaphore_mem>>) src(%arg3 : memref<16384xi32, #tpu.memory_space<hbm>>) dst(%arg10 : memref<16384xi32, #tpu.memory_space<vmem>>)
        tpu.yield
      }) : () -> ()
      %scan3A_189 = arith.constant 0 : i32
      %scan3A_190 = arith.constant 0 : i32
      %scan3A_191 = arith.constant 128 : i32
      %scan3A_192 = arith.addi %scan3A_190, %scan3A_191 : i32
      %scan3A_193 = arith.constant 1 : i32
      %scan3A_194 = scf.for %scan3A_198 = %scan3A_190 to %scan3A_192 step %scan3A_193 iter_args(%scan3A_199 = %scan3A_189) -> (i32)  : i32 {
        %mul3A_200 = arith.constant 16 : i32
        %mul3A_201 = arith.muli %scan3A_198, %mul3A_200 : i32
        %iota3A = tpu.iota {dimensions = array<i32: 0>} : vector<16xi32>
        %add3A_202 = vector.broadcast %mul3A_201 : i32 to vector<16xi32>
        %add3A_203 = arith.addi %add3A_202, %iota3A : vector<16xi32>
        %mul3A_204 = arith.constant 8 : i32
        %mul3A_205 = vector.broadcast %mul3A_204 : i32 to vector<16xi32>
        %mul3A_206 = arith.muli %add3A_203, %mul3A_205 : vector<16xi32>
        %add3A_207 = vector.broadcast %add3A_48 : i32 to vector<16xi32>
        %add3A_208 = arith.addi %mul3A_206, %add3A_207 : vector<16xi32>
        %gather3A = tpu.vector_load_idx %arg9[%add3A_208] : memref<16384xf32, #tpu.memory_space<vmem>>[vector<16xi32>], vector<16xf32>,
        %mul3A_209 = arith.constant 8 : i32
        %mul3A_210 = vector.broadcast %mul3A_209 : i32 to vector<16xi32>
        %mul3A_211 = arith.muli %add3A_203, %mul3A_210 : vector<16xi32>
        %add3A_212 = vector.broadcast %add3A_48 : i32 to vector<16xi32>
        %add3A_213 = arith.addi %mul3A_211, %add3A_212 : vector<16xi32>
        %gather3A_214 = tpu.vector_load_idx %arg10[%add3A_213] : memref<16384xi32, #tpu.memory_space<vmem>>[vector<16xi32>], vector<16xi32>,
        %ne3A_215 = arith.constant 0.000000e+00 : f32
        %ne3A_216 = vector.broadcast %ne3A_215 : f32 to vector<16xf32>
        %ne3A_217 = arith.cmpf one, %gather3A, %ne3A_216 : vector<16xf32>
        %lt3A_218 = arith.constant 0.000000e+00 : f32
        %lt3A_219 = vector.broadcast %lt3A_218 : f32 to vector<16xf32>
        %lt3A_220 = arith.cmpf olt, %gather3A, %lt3A_219 : vector<16xf32>
        %jit3A_221 = arith.constant 1 : i32
        %jit3A_222 = arith.constant 0 : i32
        %broadcast_in_dim3A_223 = vector.broadcast %jit3A_221 : i32 to vector<16xi32>
        %broadcast_in_dim3A_224 = vector.broadcast %jit3A_222 : i32 to vector<16xi32>
        %select_n3A_225 = arith.select %lt3A_220, %broadcast_in_dim3A_223, %broadcast_in_dim3A_224 : vector<16xi1>, vector<16xi32>
        %lt3A_226 = arith.constant 256 : i32
        %lt3A_227 = vector.broadcast %lt3A_226 : i32 to vector<16xi32>
        %lt3A_228 = arith.cmpi slt, %gather3A_214, %lt3A_227 : vector<16xi32>
        %and3A_229 = arith.andi %ne3A_217, %lt3A_228 : vector<16xi1>
        %jit3A_230 = arith.constant 256 : i32
        %broadcast_in_dim3A_231 = vector.broadcast %jit3A_230 : i32 to vector<16xi32>
        %select_n3A_232 = arith.select %and3A_229, %gather3A_214, %broadcast_in_dim3A_231 : vector<16xi1>, vector<16xi32>
        tpu.vector_store_idx %arg11[%select_n3A_232], %add3A_203 masked %and3A_229 : memref<272xi32, #tpu.memory_space<vmem>>[vector<16xi32>], vector<16xi32>, vector<16xi1>
        %abs3A = math.absf %gather3A : vector<16xf32>
        tpu.vector_store_idx %arg12[%select_n3A_232], %abs3A masked %and3A_229 : memref<272xf32, #tpu.memory_space<vmem>>[vector<16xi32>], vector<16xf32>, vector<16xi1>
        %mul3A_233 = arith.constant 2 : i32
        %mul3A_234 = vector.broadcast %mul3A_233 : i32 to vector<16xi32>
        %mul3A_235 = arith.muli %mul3A_234, %add3A_203 : vector<16xi32>
        %add3A_236 = arith.addi %mul3A_235, %select_n3A_225 : vector<16xi32>
        %mul3A_237 = arith.constant 256 : i32
        %mul3A_238 = arith.muli %add3A_48, %mul3A_237 : i32
        %add3A_239 = vector.broadcast %mul3A_238 : i32 to vector<16xi32>
        %add3A_240 = arith.addi %add3A_239, %select_n3A_232 : vector<16xi32>
        tpu.vector_store_idx %arg13[%add3A_236], %add3A_240 masked %and3A_229 : memref<4096xi32, #tpu.memory_space<vmem>>[vector<16xi32>], vector<16xi32>, vector<16xi1>
        %scan3A_241 = arith.constant 0 : i32
        scf.yield %scan3A_241 : i32
      }
      %scan3A_195 = arith.constant 128 : i32
      "tpu.region"() ({
        %run_scoped3A = tpu.sem_alloc : memref<!tpu.dma_semaphore, #tpu.memory_space<semaphore_mem>>
        %dma_start3A_198 = arith.constant 0 : i32
        %dma_start3A_199 = tpu.memref_slice %arg5[%add3A_48, %dma_start3A_198] : memref<8x272xi32, #tpu.memory_space<hbm>> -> memref<1x272xi32, #tpu.memory_space<hbm>>
        %dma_start3A_200 = tpu.memref_squeeze %dma_start3A_199 : memref<1x272xi32, #tpu.memory_space<hbm>> -> memref<272xi32, #tpu.memory_space<hbm>>
        %dma_start3A_201 = arith.constant 0 : i32
        %dma_start3A_202 = tpu.memref_slice %arg5[%add3A_48, %dma_start3A_201] : memref<8x272xi32, #tpu.memory_space<hbm>> -> memref<1x272xi32, #tpu.memory_space<hbm>>
        %dma_start3A_203 = tpu.memref_squeeze %dma_start3A_202 : memref<1x272xi32, #tpu.memory_space<hbm>> -> memref<272xi32, #tpu.memory_space<hbm>>
        tpu.enqueue_dma source(%arg11 : memref<272xi32, #tpu.memory_space<vmem>>) target(%dma_start3A_203 : memref<272xi32, #tpu.memory_space<hbm>>) target_semaphore(%run_scoped3A : memref<!tpu.dma_semaphore, #tpu.memory_space<semaphore_mem>>)
        %dma_wait3A_204 = arith.constant 0 : i32
        %dma_wait3A_205 = tpu.memref_slice %arg5[%add3A_48, %dma_wait3A_204] : memref<8x272xi32, #tpu.memory_space<hbm>> -> memref<1x272xi32, #tpu.memory_space<hbm>>
        %dma_wait3A_206 = tpu.memref_squeeze %dma_wait3A_205 : memref<1x272xi32, #tpu.memory_space<hbm>> -> memref<272xi32, #tpu.memory_space<hbm>>
        %dma_wait3A_207 = arith.constant 0 : i32
        %dma_wait3A_208 = tpu.memref_slice %arg5[%add3A_48, %dma_wait3A_207] : memref<8x272xi32, #tpu.memory_space<hbm>> -> memref<1x272xi32, #tpu.memory_space<hbm>>
        %dma_wait3A_209 = tpu.memref_squeeze %dma_wait3A_208 : memref<1x272xi32, #tpu.memory_space<hbm>> -> memref<272xi32, #tpu.memory_space<hbm>>
        tpu.wait_dma2 semaphore(%run_scoped3A : memref<!tpu.dma_semaphore, #tpu.memory_space<semaphore_mem>>) src(%arg11 : memref<272xi32, #tpu.memory_space<vmem>>) dst(%dma_wait3A_209 : memref<272xi32, #tpu.memory_space<hbm>>)
        tpu.yield
      }) : () -> ()
      "tpu.region"() ({
        %run_scoped3A = tpu.sem_alloc : memref<!tpu.dma_semaphore, #tpu.memory_space<semaphore_mem>>
        %dma_start3A_198 = arith.constant 0 : i32
        %dma_start3A_199 = tpu.memref_slice %arg6[%add3A_48, %dma_start3A_198] : memref<8x272xf32, #tpu.memory_space<hbm>> -> memref<1x272xf32, #tpu.memory_space<hbm>>
        %dma_start3A_200 = tpu.memref_squeeze %dma_start3A_199 : memref<1x272xf32, #tpu.memory_space<hbm>> -> memref<272xf32, #tpu.memory_space<hbm>>
        %dma_start3A_201 = arith.constant 0 : i32
        %dma_start3A_202 = tpu.memref_slice %arg6[%add3A_48, %dma_start3A_201] : memref<8x272xf32, #tpu.memory_space<hbm>> -> memref<1x272xf32, #tpu.memory_space<hbm>>
        %dma_start3A_203 = tpu.memref_squeeze %dma_start3A_202 : memref<1x272xf32, #tpu.memory_space<hbm>> -> memref<272xf32, #tpu.memory_space<hbm>>
        tpu.enqueue_dma source(%arg12 : memref<272xf32, #tpu.memory_space<vmem>>) target(%dma_start3A_203 : memref<272xf32, #tpu.memory_space<hbm>>) target_semaphore(%run_scoped3A : memref<!tpu.dma_semaphore, #tpu.memory_space<semaphore_mem>>)
        %dma_wait3A_204 = arith.constant 0 : i32
        %dma_wait3A_205 = tpu.memref_slice %arg6[%add3A_48, %dma_wait3A_204] : memref<8x272xf32, #tpu.memory_space<hbm>> -> memref<1x272xf32, #tpu.memory_space<hbm>>
        %dma_wait3A_206 = tpu.memref_squeeze %dma_wait3A_205 : memref<1x272xf32, #tpu.memory_space<hbm>> -> memref<272xf32, #tpu.memory_space<hbm>>
        %dma_wait3A_207 = arith.constant 0 : i32
        %dma_wait3A_208 = tpu.memref_slice %arg6[%add3A_48, %dma_wait3A_207] : memref<8x272xf32, #tpu.memory_space<hbm>> -> memref<1x272xf32, #tpu.memory_space<hbm>>
        %dma_wait3A_209 = tpu.memref_squeeze %dma_wait3A_208 : memref<1x272xf32, #tpu.memory_space<hbm>> -> memref<272xf32, #tpu.memory_space<hbm>>
        tpu.wait_dma2 semaphore(%run_scoped3A : memref<!tpu.dma_semaphore, #tpu.memory_space<semaphore_mem>>) src(%arg12 : memref<272xf32, #tpu.memory_space<vmem>>) dst(%dma_wait3A_209 : memref<272xf32, #tpu.memory_space<hbm>>)
        tpu.yield
      }) : () -> ()
      "tpu.region"() ({
        %run_scoped3A = tpu.sem_alloc : memref<!tpu.dma_semaphore, #tpu.memory_space<semaphore_mem>>
        %dma_start3A_198 = arith.constant 0 : i32
        %dma_start3A_199 = tpu.memref_slice %arg7[%add3A_48, %dma_start3A_198] : memref<8x4096xi32, #tpu.memory_space<hbm>> -> memref<1x4096xi32, #tpu.memory_space<hbm>>
        %dma_start3A_200 = tpu.memref_squeeze %dma_start3A_199 : memref<1x4096xi32, #tpu.memory_space<hbm>> -> memref<4096xi32, #tpu.memory_space<hbm>>
        %dma_start3A_201 = arith.constant 0 : i32
        %dma_start3A_202 = tpu.memref_slice %arg7[%add3A_48, %dma_start3A_201] : memref<8x4096xi32, #tpu.memory_space<hbm>> -> memref<1x4096xi32, #tpu.memory_space<hbm>>
        %dma_start3A_203 = tpu.memref_squeeze %dma_start3A_202 : memref<1x4096xi32, #tpu.memory_space<hbm>> -> memref<4096xi32, #tpu.memory_space<hbm>>
        tpu.enqueue_dma source(%arg13 : memref<4096xi32, #tpu.memory_space<vmem>>) target(%dma_start3A_203 : memref<4096xi32, #tpu.memory_space<hbm>>) target_semaphore(%run_scoped3A : memref<!tpu.dma_semaphore, #tpu.memory_space<semaphore_mem>>)
        %dma_wait3A_204 = arith.constant 0 : i32
        %dma_wait3A_205 = tpu.memref_slice %arg7[%add3A_48, %dma_wait3A_204] : memref<8x4096xi32, #tpu.memory_space<hbm>> -> memref<1x4096xi32, #tpu.memory_space<hbm>>
        %dma_wait3A_206 = tpu.memref_squeeze %dma_wait3A_205 : memref<1x4096xi32, #tpu.memory_space<hbm>> -> memref<4096xi32, #tpu.memory_space<hbm>>
        %dma_wait3A_207 = arith.constant 0 : i32
        %dma_wait3A_208 = tpu.memref_slice %arg7[%add3A_48, %dma_wait3A_207] : memref<8x4096xi32, #tpu.memory_space<hbm>> -> memref<1x4096xi32, #tpu.memory_space<hbm>>
        %dma_wait3A_209 = tpu.memref_squeeze %dma_wait3A_208 : memref<1x4096xi32, #tpu.memory_space<hbm>> -> memref<4096xi32, #tpu.memory_space<hbm>>
        tpu.wait_dma2 semaphore(%run_scoped3A : memref<!tpu.dma_semaphore, #tpu.memory_space<semaphore_mem>>) src(%arg13 : memref<4096xi32, #tpu.memory_space<vmem>>) dst(%dma_wait3A_209 : memref<4096xi32, #tpu.memory_space<hbm>>)
        tpu.yield
      }) : () -> ()
      %mul3A_196 = arith.constant 272 : i32
      %mul3A_197 = arith.muli %arg1, %mul3A_196 : i32
      "tpu.region"() ({
        %run_scoped3A = tpu.sem_alloc : memref<!tpu.dma_semaphore, #tpu.memory_space<semaphore_mem>>
        %dma_start3A_198 = tpu.memref_slice %arg14[%mul3A_197] : memref<1088xi32, #tpu.memory_space<vmem_shared>> -> memref<272xi32, #tpu.memory_space<vmem_shared>>
        %dma_start3A_199 = tpu.memref_slice %arg14[%mul3A_197] : memref<1088xi32, #tpu.memory_space<vmem_shared>> -> memref<272xi32, #tpu.memory_space<vmem_shared>>
        tpu.enqueue_dma source(%arg11 : memref<272xi32, #tpu.memory_space<vmem>>) target(%dma_start3A_199 : memref<272xi32, #tpu.memory_space<vmem_shared>>) target_semaphore(%run_scoped3A : memref<!tpu.dma_semaphore, #tpu.memory_space<semaphore_mem>>)
        %dma_wait3A_200 = tpu.memref_slice %arg14[%mul3A_197] : memref<1088xi32, #tpu.memory_space<vmem_shared>> -> memref<272xi32, #tpu.memory_space<vmem_shared>>
        %dma_wait3A_201 = tpu.memref_slice %arg14[%mul3A_197] : memref<1088xi32, #tpu.memory_space<vmem_shared>> -> memref<272xi32, #tpu.memory_space<vmem_shared>>
        tpu.wait_dma2 semaphore(%run_scoped3A : memref<!tpu.dma_semaphore, #tpu.memory_space<semaphore_mem>>) src(%arg11 : memref<272xi32, #tpu.memory_space<vmem>>) dst(%dma_wait3A_201 : memref<272xi32, #tpu.memory_space<vmem_shared>>)
        tpu.yield
      }) : () -> ()
    } else {
    }
    %barrier3A = arith.constant 0 : index
    tpu.barrier barrier_id(%barrier3A)
    %jit3A = arith.constant 4 : i32
    %div3A = arith.divsi %arg1, %jit3A : i32
    %sign3A = arith.constant 0 : i32
    %sign3A_2 = arith.cmpi sgt, %arg1, %sign3A : i32
    %sign3A_3 = arith.extui %sign3A_2 : i1 to i32
    %sign3A_4 = arith.constant 0 : i32
    %sign3A_5 = arith.cmpi slt, %arg1, %sign3A_4 : i32
    %sign3A_6 = arith.extui %sign3A_5 : i1 to i32
    %sign3A_7 = arith.subi %sign3A_3, %sign3A_6 : i32
    %sign3A_8 = arith.constant 0 : i32
    %sign3A_9 = arith.cmpi sgt, %jit3A, %sign3A_8 : i32
    %sign3A_10 = arith.extui %sign3A_9 : i1 to i32
    %sign3A_11 = arith.constant 0 : i32
    %sign3A_12 = arith.cmpi slt, %jit3A, %sign3A_11 : i32
    %sign3A_13 = arith.extui %sign3A_12 : i1 to i32
    %sign3A_14 = arith.subi %sign3A_10, %sign3A_13 : i32
    %ne3A = arith.cmpi ne, %sign3A_7, %sign3A_14 : i32
    %rem3A = arith.remsi %arg1, %jit3A : i32
    %ne3A_15 = arith.constant 0 : i32
    %ne3A_16 = arith.cmpi ne, %rem3A, %ne3A_15 : i32
    %and3A = arith.andi %ne3A, %ne3A_16 : i1
    %sub3A = arith.constant 1 : i32
    %sub3A_17 = arith.subi %div3A, %sub3A : i32
    %select_n3A = arith.select %and3A, %sub3A_17, %div3A : i32
    %jit3A_18 = arith.constant 4 : i32
    %eq3A = arith.constant 0 : i32
    %eq3A_19 = arith.cmpi eq, %jit3A_18, %eq3A : i32
    %jit3A_20 = arith.constant 1 : i32
    %select_n3A_21 = arith.select %eq3A_19, %jit3A_20, %jit3A_18 : i32
    %rem3A_22 = arith.remsi %arg1, %select_n3A_21 : i32
    %ne3A_23 = arith.constant 0 : i32
    %ne3A_24 = arith.cmpi ne, %rem3A_22, %ne3A_23 : i32
    %lt3A_25 = arith.constant 0 : i32
    %lt3A_26 = arith.cmpi slt, %rem3A_22, %lt3A_25 : i32
    %lt3A_27 = arith.constant 0 : i32
    %lt3A_28 = arith.cmpi slt, %select_n3A_21, %lt3A_27 : i32
    %ne3A_29 = arith.xori %lt3A_26, %lt3A_28 : i1
    %and3A_30 = arith.andi %ne3A_29, %ne3A_24 : i1
    %add3A = arith.addi %rem3A_22, %select_n3A_21 : i32
    %select_n3A_31 = arith.select %and3A_30, %add3A, %rem3A_22 : i32
    %mul3A = arith.constant 64 : i32
    %mul3A_32 = arith.muli %select_n3A_31, %mul3A : i32
    %mul3A_33 = arith.constant 272 : i32
    %mul3A_34 = arith.muli %select_n3A, %mul3A_33 : i32
    %add3A_35 = arith.addi %mul3A_34, %mul3A_32 : i32
    "tpu.region"() ({
      %run_scoped3A = tpu.sem_alloc : memref<!tpu.dma_semaphore, #tpu.memory_space<semaphore_mem>>
      %dma_start3A_46 = tpu.memref_slice %arg14[%add3A_35] : memref<1088xi32, #tpu.memory_space<vmem_shared>> -> memref<64xi32, #tpu.memory_space<vmem_shared>>
      %dma_start3A_47 = tpu.memref_slice %arg14[%add3A_35] : memref<1088xi32, #tpu.memory_space<vmem_shared>> -> memref<64xi32, #tpu.memory_space<vmem_shared>>
      tpu.enqueue_dma source(%dma_start3A_47 : memref<64xi32, #tpu.memory_space<vmem_shared>>) target(%arg15 : memref<64xi32, #tpu.memory_space<vmem>>) target_semaphore(%run_scoped3A : memref<!tpu.dma_semaphore, #tpu.memory_space<semaphore_mem>>)
      %dma_wait3A_48 = tpu.memref_slice %arg14[%add3A_35] : memref<1088xi32, #tpu.memory_space<vmem_shared>> -> memref<64xi32, #tpu.memory_space<vmem_shared>>
      %dma_wait3A_49 = tpu.memref_slice %arg14[%add3A_35] : memref<1088xi32, #tpu.memory_space<vmem_shared>> -> memref<64xi32, #tpu.memory_space<vmem_shared>>
      tpu.wait_dma2 semaphore(%run_scoped3A : memref<!tpu.dma_semaphore, #tpu.memory_space<semaphore_mem>>) src(%dma_wait3A_49 : memref<64xi32, #tpu.memory_space<vmem_shared>>) dst(%arg15 : memref<64xi32, #tpu.memory_space<vmem>>)
      tpu.yield
    }) : () -> ()
    %mul3A_36 = arith.constant 4 : i32
    %mul3A_37 = arith.muli %arg0, %mul3A_36 : i32
    %add3A_38 = arith.addi %mul3A_37, %select_n3A : i32
    %mul3A_39 = arith.constant 256 : i32
    %mul3A_40 = arith.muli %add3A_38, %mul3A_39 : i32
    %add3A_41 = arith.addi %mul3A_40, %mul3A_32 : i32
    %dma_start3A = arith.constant 0 : i32
    %dma_start3A_42 = arith.constant 0 : i32
    %dma_start3A_43 = tpu.memref_slice %arg4[%dma_start3A, %dma_start3A_42] : memref<2048x768xf32, #tpu.memory_space<hbm>> -> memref<2048x768xf32, #tpu.memory_space<hbm>>
    tpu.enqueue_indirect_dma source(%dma_start3A_43 : memref<2048x768xf32, #tpu.memory_space<hbm>>) target(%arg16 : memref<64x768xf32, #tpu.memory_space<vmem>>) offsets(%arg15 : memref<64xi32, #tpu.memory_space<vmem>>) semaphore(%arg17 : memref<!tpu.dma_semaphore, #tpu.memory_space<semaphore_mem>>)
    %dma_wait3A = arith.constant 0 : i32
    %dma_wait3A_44 = arith.constant 0 : i32
    %dma_wait3A_45 = tpu.memref_slice %arg4[%dma_wait3A, %dma_wait3A_44] : memref<2048x768xf32, #tpu.memory_space<hbm>> -> memref<2048x768xf32, #tpu.memory_space<hbm>>
    tpu.wait_indirect_dma semaphore(%arg17 : memref<!tpu.dma_semaphore, #tpu.memory_space<semaphore_mem>>) src(%dma_wait3A_45 : memref<2048x768xf32, #tpu.memory_space<hbm>>) dst(%arg16 : memref<64x768xf32, #tpu.memory_space<vmem>>)
    "tpu.region"() ({
      %run_scoped3A = tpu.sem_alloc : memref<!tpu.dma_semaphore, #tpu.memory_space<semaphore_mem>>
      %dma_start3A_46 = arith.constant 0 : i32
      %dma_start3A_47 = tpu.memref_slice %arg8[%add3A_41, %dma_start3A_46] : memref<2048x768xf32, #tpu.memory_space<hbm>> -> memref<64x768xf32, #tpu.memory_space<hbm>>
      %dma_start3A_48 = arith.constant 0 : i32
      %dma_start3A_49 = tpu.memref_slice %arg8[%add3A_41, %dma_start3A_48] : memref<2048x768xf32, #tpu.memory_space<hbm>> -> memref<64x768xf32, #tpu.memory_space<hbm>>
      tpu.enqueue_dma source(%arg16 : memref<64x768xf32, #tpu.memory_space<vmem>>) target(%dma_start3A_49 : memref<64x768xf32, #tpu.memory_space<hbm>>) target_semaphore(%run_scoped3A : memref<!tpu.dma_semaphore, #tpu.memory_space<semaphore_mem>>)
      %dma_wait3A_50 = arith.constant 0 : i32
      %dma_wait3A_51 = tpu.memref_slice %arg8[%add3A_41, %dma_wait3A_50] : memref<2048x768xf32, #tpu.memory_space<hbm>> -> memref<64x768xf32, #tpu.memory_space<hbm>>
      %dma_wait3A_52 = arith.constant 0 : i32
      %dma_wait3A_53 = tpu.memref_slice %arg8[%add3A_41, %dma_wait3A_52] : memref<2048x768xf32, #tpu.memory_space<hbm>> -> memref<64x768xf32, #tpu.memory_space<hbm>>
      tpu.wait_dma2 semaphore(%run_scoped3A : memref<!tpu.dma_semaphore, #tpu.memory_space<semaphore_mem>>) src(%arg16 : memref<64x768xf32, #tpu.memory_space<vmem>>) dst(%dma_wait3A_53 : memref<64x768xf32, #tpu.memory_space<hbm>>)
      tpu.yield
    }) : () -> ()
    return
  }
}

module attributes {stable_mosaic.version = 14 : i64} {
  func.func @_router_body(%arg0: i32, %arg1: memref<128x768xf32, #tpu.memory_space<vmem>>, %arg2: memref<1x768xf32, #tpu.memory_space<vmem>>, %arg3: memref<768x8xf32, #tpu.memory_space<vmem>>, %arg4: memref<128x8xf32, #tpu.memory_space<vmem>>, %arg5: memref<128x8xi32, #tpu.memory_space<vmem>>, %arg6: memref<1x8xf32, #tpu.memory_space<vmem>>) attributes {dimension_semantics = [#tpu.dimension_semantics<arbitrary>], iteration_bounds = array<i64: 16>, scalar_prefetch = 0 : i64, scratch_operands = 1 : i64, tpu.core_type = #tpu.core_type<tc>, window_params = [{transform_indices = @transform_0, window_bounds = array<i64: 128, 768>}, {pipeline_mode = #tpu.pipeline_mode<synchronous>, transform_indices = @transform_1, window_bounds = array<i64: 1, 768>}, {pipeline_mode = #tpu.pipeline_mode<synchronous>, transform_indices = @transform_2, window_bounds = array<i64: 768, 8>}, {transform_indices = @transform_3, window_bounds = array<i64: 128, 8>}, {transform_indices = @transform_4, window_bounds = array<i64: 128, 8>}]} {
    %get3A = arith.constant 0 : index
    %get3A_0 = arith.constant 0 : index
    %get3A_1 = vector.load %arg1[%get3A, %get3A_0] : memref<128x768xf32, #tpu.memory_space<vmem>>, vector<128x768xf32>
    %get3A_2 = arith.constant 0 : index
    %get3A_3 = arith.constant 0 : index
    %get3A_4 = vector.load %arg2[%get3A_2, %get3A_3] : memref<1x768xf32, #tpu.memory_space<vmem>>, vector<1x768xf32>
    %square3A = arith.mulf %get3A_1, %get3A_1 : vector<128x768xf32>
    %reduce_sum3A = arith.constant dense<0.000000e+00> : vector<128xf32>
    %reduce_sum3A_5 = vector.multi_reduction <add>, %square3A, %reduce_sum3A [1] : vector<128x768xf32> to vector<128xf32>
    %broadcast_in_dim3A = vector.shape_cast %reduce_sum3A_5 : vector<128xf32> to vector<128x1xf32>
    %div3A = arith.constant 7.680000e+02 : f32
    %div3A_6 = vector.broadcast %div3A : f32 to vector<128x1xf32>
    %div3A_7 = arith.divf %broadcast_in_dim3A, %div3A_6 : vector<128x1xf32>
    %add3A = arith.constant 9.99999997E-7 : f32
    %add3A_8 = vector.broadcast %add3A : f32 to vector<128x1xf32>
    %add3A_9 = arith.addf %div3A_7, %add3A_8 : vector<128x1xf32>
    %rsqrt3A = math.rsqrt %add3A_9 : vector<128x1xf32>
    %mul3A = vector.broadcast %rsqrt3A : vector<128x1xf32> to vector<128x768xf32>
    %mul3A_10 = arith.mulf %get3A_1, %mul3A : vector<128x768xf32>
    %mul3A_11 = vector.broadcast %get3A_4 : vector<1x768xf32> to vector<128x768xf32>
    %mul3A_12 = arith.mulf %mul3A_10, %mul3A_11 : vector<128x768xf32>
    %convert_element_type3A = arith.truncf %mul3A_12 : vector<128x768xf32> to vector<128x768xbf16>
    %get3A_13 = arith.constant 0 : index
    %get3A_14 = arith.constant 0 : index
    %get3A_15 = vector.load %arg3[%get3A_13, %get3A_14] : memref<768x8xf32, #tpu.memory_space<vmem>>, vector<768x8xf32>
    %convert_element_type3A_16 = arith.truncf %get3A_15 : vector<768x8xf32> to vector<768x8xbf16>
    %dot_general3A = arith.constant dense<0.000000e+00> : vector<128x8xf32>
    %dot_general3A_17 = tpu.matmul %convert_element_type3A, %convert_element_type3A_16, %dot_general3A {dimension_numbers = #tpu.dot_dimension_numbers<[1], [0], [0], [1], [0, 0, 1, 1], [], []>, transpose_lhs_hint = false} : vector<128x768xbf16>, vector<768x8xbf16>, vector<128x8xf32> -> vector<128x8xf32>
    %reduce_max3A = arith.constant dense<0xFF800000> : vector<128xf32>
    %reduce_max3A_18 = vector.multi_reduction <maximumf>, %dot_general3A_17, %reduce_max3A [1] : vector<128x8xf32> to vector<128xf32>
    %broadcast_in_dim3A_19 = vector.shape_cast %reduce_max3A_18 : vector<128xf32> to vector<128x1xf32>
    %sub3A = vector.broadcast %broadcast_in_dim3A_19 : vector<128x1xf32> to vector<128x8xf32>
    %sub3A_20 = arith.subf %dot_general3A_17, %sub3A : vector<128x8xf32>
    %exp3A = math.exp %sub3A_20 : vector<128x8xf32>
    %reduce_sum3A_21 = arith.constant dense<0.000000e+00> : vector<128xf32>
    %reduce_sum3A_22 = vector.multi_reduction <add>, %exp3A, %reduce_sum3A_21 [1] : vector<128x8xf32> to vector<128xf32>
    %broadcast_in_dim3A_23 = vector.shape_cast %reduce_sum3A_22 : vector<128xf32> to vector<128x1xf32>
    %div3A_24 = vector.broadcast %broadcast_in_dim3A_23 : vector<128x1xf32> to vector<128x8xf32>
    %div3A_25 = arith.divf %exp3A, %div3A_24 : vector<128x8xf32>
    %iota3A = tpu.iota {dimensions = array<i32: 1>} : vector<128x8xi32>
    %eq3A = vector.broadcast %broadcast_in_dim3A_19 : vector<128x1xf32> to vector<128x8xf32>
    %eq3A_26 = arith.cmpf oeq, %dot_general3A_17, %eq3A : vector<128x8xf32>
    %jit3A = arith.constant 8 : i32
    %broadcast_in_dim3A_27 = vector.broadcast %jit3A : i32 to vector<128x8xi32>
    %select_n3A = arith.select %eq3A_26, %iota3A, %broadcast_in_dim3A_27 : vector<128x8xi1>, vector<128x8xi32>
    %reduce_min3A = arith.constant dense<2147483647> : vector<128xi32>
    %reduce_min3A_28 = vector.multi_reduction <minsi>, %select_n3A, %reduce_min3A [1] : vector<128x8xi32> to vector<128xi32>
    %broadcast_in_dim3A_29 = vector.shape_cast %reduce_min3A_28 : vector<128xi32> to vector<128x1xi32>
    %eq3A_30 = vector.broadcast %broadcast_in_dim3A_29 : vector<128x1xi32> to vector<128x8xi32>
    %eq3A_31 = arith.cmpi eq, %iota3A, %eq3A_30 : vector<128x8xi32>
    %jit3A_32 = arith.constant 0xFF800000 : f32
    %broadcast_in_dim3A_33 = vector.broadcast %jit3A_32 : f32 to vector<128x8xf32>
    %select_n3A_34 = arith.select %eq3A_31, %broadcast_in_dim3A_33, %dot_general3A_17 : vector<128x8xi1>, vector<128x8xf32>
    %reduce_max3A_35 = arith.constant dense<0xFF800000> : vector<128xf32>
    %reduce_max3A_36 = vector.multi_reduction <maximumf>, %select_n3A_34, %reduce_max3A_35 [1] : vector<128x8xf32> to vector<128xf32>
    %broadcast_in_dim3A_37 = vector.shape_cast %reduce_max3A_36 : vector<128xf32> to vector<128x1xf32>
    %eq3A_38 = vector.broadcast %broadcast_in_dim3A_37 : vector<128x1xf32> to vector<128x8xf32>
    %eq3A_39 = arith.cmpf oeq, %select_n3A_34, %eq3A_38 : vector<128x8xf32>
    %jit3A_40 = arith.constant 8 : i32
    %broadcast_in_dim3A_41 = vector.broadcast %jit3A_40 : i32 to vector<128x8xi32>
    %select_n3A_42 = arith.select %eq3A_39, %iota3A, %broadcast_in_dim3A_41 : vector<128x8xi1>, vector<128x8xi32>
    %reduce_min3A_43 = arith.constant dense<2147483647> : vector<128xi32>
    %reduce_min3A_44 = vector.multi_reduction <minsi>, %select_n3A_42, %reduce_min3A_43 [1] : vector<128x8xi32> to vector<128xi32>
    %broadcast_in_dim3A_45 = vector.shape_cast %reduce_min3A_44 : vector<128xi32> to vector<128x1xi32>
    %eq3A_46 = vector.broadcast %broadcast_in_dim3A_45 : vector<128x1xi32> to vector<128x8xi32>
    %eq3A_47 = arith.cmpi eq, %iota3A, %eq3A_46 : vector<128x8xi32>
    %jit3A_48 = arith.constant 0.000000e+00 : f32
    %broadcast_in_dim3A_49 = vector.broadcast %jit3A_48 : f32 to vector<128x8xf32>
    %select_n3A_50 = arith.select %eq3A_31, %div3A_25, %broadcast_in_dim3A_49 : vector<128x8xi1>, vector<128x8xf32>
    %reduce_max3A_51 = arith.constant dense<0xFF800000> : vector<128xf32>
    %reduce_max3A_52 = vector.multi_reduction <maximumf>, %select_n3A_50, %reduce_max3A_51 [1] : vector<128x8xf32> to vector<128xf32>
    %broadcast_in_dim3A_53 = vector.shape_cast %reduce_max3A_52 : vector<128xf32> to vector<128x1xf32>
    %jit3A_54 = arith.constant 0.000000e+00 : f32
    %broadcast_in_dim3A_55 = vector.broadcast %jit3A_54 : f32 to vector<128x8xf32>
    %select_n3A_56 = arith.select %eq3A_47, %div3A_25, %broadcast_in_dim3A_55 : vector<128x8xi1>, vector<128x8xf32>
    %reduce_max3A_57 = arith.constant dense<0xFF800000> : vector<128xf32>
    %reduce_max3A_58 = vector.multi_reduction <maximumf>, %select_n3A_56, %reduce_max3A_57 [1] : vector<128x8xf32> to vector<128xf32>
    %broadcast_in_dim3A_59 = vector.shape_cast %reduce_max3A_58 : vector<128xf32> to vector<128x1xf32>
    %jit3A_60 = arith.constant 0.000000e+00 : f32
    %broadcast_in_dim3A_61 = vector.shape_cast %broadcast_in_dim3A_53 : vector<128x1xf32> to vector<128x1xf32>
    %broadcast_in_dim3A_62 = vector.broadcast %broadcast_in_dim3A_61 : vector<128x1xf32> to vector<128x8xf32>
    %broadcast_in_dim3A_63 = vector.broadcast %jit3A_60 : f32 to vector<128x8xf32>
    %select_n3A_64 = arith.select %eq3A_31, %broadcast_in_dim3A_62, %broadcast_in_dim3A_63 : vector<128x8xi1>, vector<128x8xf32>
    %neg3A = arith.constant 0.000000e+00 : f32
    %neg3A_65 = vector.broadcast %neg3A : f32 to vector<128x1xf32>
    %neg3A_66 = arith.subf %neg3A_65, %broadcast_in_dim3A_59 : vector<128x1xf32>
    %jit3A_67 = arith.constant 0.000000e+00 : f32
    %broadcast_in_dim3A_68 = vector.shape_cast %neg3A_66 : vector<128x1xf32> to vector<128x1xf32>
    %broadcast_in_dim3A_69 = vector.broadcast %broadcast_in_dim3A_68 : vector<128x1xf32> to vector<128x8xf32>
    %broadcast_in_dim3A_70 = vector.broadcast %jit3A_67 : f32 to vector<128x8xf32>
    %select_n3A_71 = arith.select %eq3A_47, %broadcast_in_dim3A_69, %broadcast_in_dim3A_70 : vector<128x8xi1>, vector<128x8xf32>
    %add3A_72 = arith.addf %select_n3A_64, %select_n3A_71 : vector<128x8xf32>
    %swap3A = arith.constant 0 : index
    %swap3A_73 = arith.constant 0 : index
    %swap3A_74 = vector.load %arg4[%swap3A, %swap3A_73] : memref<128x8xf32, #tpu.memory_space<vmem>>, vector<128x8xf32>
    tpu.vector_store %arg4[%swap3A, %swap3A_73], %add3A_72 {strides = array<i32>} : memref<128x8xf32, #tpu.memory_space<vmem>>, vector<128x8xf32>,
    %eq3A_75 = arith.constant 0 : i32
    %eq3A_76 = arith.cmpi eq, %arg0, %eq3A_75 : i32
    %convert_element_type3A_77 = arith.extui %eq3A_76 : i1 to i32
    %cond3A = arith.constant 0 : i32
    %cond3A_78 = arith.cmpi ne, %convert_element_type3A_77, %cond3A : i32
    scf.if %cond3A_78 {
      %broadcast_in_dim3A_114 = arith.constant 0.000000e+00 : f32
      %broadcast_in_dim3A_115 = vector.broadcast %broadcast_in_dim3A_114 : f32 to vector<1x8xf32>
      %swap3A_116 = arith.constant 0 : index
      %swap3A_117 = arith.constant 0 : index
      %swap3A_118 = vector.load %arg6[%swap3A_116, %swap3A_117] : memref<1x8xf32, #tpu.memory_space<vmem>>, vector<1x8xf32>
      tpu.vector_store %arg6[%swap3A_116, %swap3A_117], %broadcast_in_dim3A_115 {strides = array<i32>} : memref<1x8xf32, #tpu.memory_space<vmem>>, vector<1x8xf32>,
    } else {
    }
    %or3A = arith.ori %eq3A_31, %eq3A_47 : vector<128x8xi1>
    %jit3A_79 = arith.constant 1.000000e+00 : f32
    %jit3A_80 = arith.constant 0.000000e+00 : f32
    %broadcast_in_dim3A_81 = vector.broadcast %jit3A_79 : f32 to vector<128x8xf32>
    %broadcast_in_dim3A_82 = vector.broadcast %jit3A_80 : f32 to vector<128x8xf32>
    %select_n3A_83 = arith.select %or3A, %broadcast_in_dim3A_81, %broadcast_in_dim3A_82 : vector<128x8xi1>, vector<128x8xf32>
    %iota3A_84 = tpu.iota {dimensions = array<i32: 0>} : vector<128x128xi32>
    %iota3A_85 = tpu.iota {dimensions = array<i32: 1>} : vector<128x128xi32>
    %gt3A = arith.cmpi sgt, %iota3A_84, %iota3A_85 : vector<128x128xi32>
    %jit3A_86 = arith.constant 1.000000e+00 : f32
    %jit3A_87 = arith.constant 0.000000e+00 : f32
    %broadcast_in_dim3A_88 = vector.broadcast %jit3A_86 : f32 to vector<128x128xf32>
    %broadcast_in_dim3A_89 = vector.broadcast %jit3A_87 : f32 to vector<128x128xf32>
    %select_n3A_90 = arith.select %gt3A, %broadcast_in_dim3A_88, %broadcast_in_dim3A_89 : vector<128x128xi1>, vector<128x128xf32>
    %convert_element_type3A_91 = arith.truncf %select_n3A_90 : vector<128x128xf32> to vector<128x128xbf16>
    %convert_element_type3A_92 = arith.truncf %select_n3A_83 : vector<128x8xf32> to vector<128x8xbf16>
    %dot_general3A_93 = arith.constant dense<0.000000e+00> : vector<128x8xf32>
    %dot_general3A_94 = tpu.matmul %convert_element_type3A_91, %convert_element_type3A_92, %dot_general3A_93 {dimension_numbers = #tpu.dot_dimension_numbers<[1], [0], [0], [1], [0, 0, 1, 1], [], []>, transpose_lhs_hint = false} : vector<128x128xbf16>, vector<128x8xbf16>, vector<128x8xf32> -> vector<128x8xf32>
    %get3A_95 = arith.constant 0 : index
    %get3A_96 = arith.constant 0 : index
    %get3A_97 = vector.load %arg6[%get3A_95, %get3A_96] : memref<1x8xf32, #tpu.memory_space<vmem>>, vector<1x8xf32>
    %add3A_98 = vector.broadcast %get3A_97 : vector<1x8xf32> to vector<128x8xf32>
    %add3A_99 = arith.addf %dot_general3A_94, %add3A_98 : vector<128x8xf32>
    %convert_element_type3A_100 = arith.fptosi %add3A_99 : vector<128x8xf32> to vector<128x8xi32>
    %swap3A_101 = arith.constant 0 : index
    %swap3A_102 = arith.constant 0 : index
    %swap3A_103 = vector.load %arg5[%swap3A_101, %swap3A_102] : memref<128x8xi32, #tpu.memory_space<vmem>>, vector<128x8xi32>
    tpu.vector_store %arg5[%swap3A_101, %swap3A_102], %convert_element_type3A_100 {strides = array<i32>} : memref<128x8xi32, #tpu.memory_space<vmem>>, vector<128x8xi32>,
    %get3A_104 = arith.constant 0 : index
    %get3A_105 = arith.constant 0 : index
    %get3A_106 = vector.load %arg6[%get3A_104, %get3A_105] : memref<1x8xf32, #tpu.memory_space<vmem>>, vector<1x8xf32>
    %reduce_sum3A_107 = arith.constant dense<0.000000e+00> : vector<8xf32>
    %reduce_sum3A_108 = vector.multi_reduction <add>, %select_n3A_83, %reduce_sum3A_107 [0] : vector<128x8xf32> to vector<8xf32>
    %broadcast_in_dim3A_109 = vector.shape_cast %reduce_sum3A_108 : vector<8xf32> to vector<1x8xf32>
    %add3A_110 = arith.addf %get3A_106, %broadcast_in_dim3A_109 : vector<1x8xf32>
    %swap3A_111 = arith.constant 0 : index
    %swap3A_112 = arith.constant 0 : index
    %swap3A_113 = vector.load %arg6[%swap3A_111, %swap3A_112] : memref<1x8xf32, #tpu.memory_space<vmem>>, vector<1x8xf32>
    tpu.vector_store %arg6[%swap3A_111, %swap3A_112], %add3A_110 {strides = array<i32>} : memref<1x8xf32, #tpu.memory_space<vmem>>, vector<1x8xf32>,
    return
  }
  func.func @transform_0(%arg0: i32) -> (i32, i32) {
    %c0_i32 = arith.constant 0 : i32
    %c0_i32_0 = arith.constant 0 : i32
    return %arg0, %c0_i32 : i32, i32
  }
  func.func @transform_1(%arg0: i32) -> (i32, i32) {
    %c0_i32 = arith.constant 0 : i32
    %c0_i32_0 = arith.constant 0 : i32
    %c0_i32_1 = arith.constant 0 : i32
    return %c0_i32, %c0_i32_0 : i32, i32
  }
  func.func @transform_2(%arg0: i32) -> (i32, i32) {
    %c0_i32 = arith.constant 0 : i32
    %c0_i32_0 = arith.constant 0 : i32
    %c0_i32_1 = arith.constant 0 : i32
    return %c0_i32, %c0_i32_0 : i32, i32
  }
  func.func @transform_3(%arg0: i32) -> (i32, i32) {
    %c0_i32 = arith.constant 0 : i32
    %c0_i32_0 = arith.constant 0 : i32
    return %arg0, %c0_i32 : i32, i32
  }
  func.func @transform_4(%arg0: i32) -> (i32, i32) {
    %c0_i32 = arith.constant 0 : i32
    %c0_i32_0 = arith.constant 0 : i32
    return %arg0, %c0_i32 : i32, i32
  }
}

module attributes {stable_mosaic.version = 14 : i64} {
  func.func @_expert_body(%arg0: i32, %arg1: memref<256x768xf32, #tpu.memory_space<vmem>>, %arg2: memref<1x768x3072xf32, #tpu.memory_space<vmem>>, %arg3: memref<1x1x768xf32, #tpu.memory_space<vmem>>, %arg4: memref<1x1536x768xf32, #tpu.memory_space<vmem>>, %arg5: memref<1x1x1536xf32, #tpu.memory_space<vmem>>, %arg6: memref<1x256x1xf32, #tpu.memory_space<vmem>>, %arg7: memref<256x768xf32, #tpu.memory_space<vmem>>) attributes {dimension_semantics = [#tpu.dimension_semantics<arbitrary>], iteration_bounds = array<i64: 8>, scalar_prefetch = 0 : i64, scratch_operands = 0 : i64, tpu.core_type = #tpu.core_type<tc>, window_params = [{transform_indices = @transform_0, window_bounds = array<i64: 256, 768>}, {transform_indices = @transform_1, window_bounds = array<i64: 1, 768, 3072>}, {transform_indices = @transform_2, window_bounds = array<i64: 1, 1, 768>}, {transform_indices = @transform_3, window_bounds = array<i64: 1, 1536, 768>}, {transform_indices = @transform_4, window_bounds = array<i64: 1, 1, 1536>}, {transform_indices = @transform_5, window_bounds = array<i64: 1, 256, 1>}, {transform_indices = @transform_6, window_bounds = array<i64: 256, 768>}]} {
    %get3A = arith.constant 0 : index
    %get3A_0 = arith.constant 0 : index
    %get3A_1 = vector.load %arg1[%get3A, %get3A_0] : memref<256x768xf32, #tpu.memory_space<vmem>>, vector<256x768xf32>
    %get3A_2 = arith.constant 0 : index
    %get3A_3 = arith.constant 0 : index
    %get3A_4 = arith.constant 0 : index
    %get3A_5 = vector.load %arg2[%get3A_2, %get3A_3, %get3A_4] : memref<1x768x3072xf32, #tpu.memory_space<vmem>>, vector<1x768x3072xf32>
    %get3A_6 = vector.shape_cast %get3A_5 : vector<1x768x3072xf32> to vector<768x3072xf32>
    %get3A_7 = arith.constant 0 : index
    %get3A_8 = arith.constant 0 : index
    %get3A_9 = arith.constant 0 : index
    %get3A_10 = vector.load %arg3[%get3A_7, %get3A_8, %get3A_9] : memref<1x1x768xf32, #tpu.memory_space<vmem>>, vector<1x1x768xf32>
    %get3A_11 = vector.shape_cast %get3A_10 : vector<1x1x768xf32> to vector<1x768xf32>
    %square3A = arith.mulf %get3A_1, %get3A_1 : vector<256x768xf32>
    %reduce_sum3A = arith.constant dense<0.000000e+00> : vector<256xf32>
    %reduce_sum3A_12 = vector.multi_reduction <add>, %square3A, %reduce_sum3A [1] : vector<256x768xf32> to vector<256xf32>
    %broadcast_in_dim3A = vector.shape_cast %reduce_sum3A_12 : vector<256xf32> to vector<256x1xf32>
    %div3A = arith.constant 7.680000e+02 : f32
    %div3A_13 = vector.broadcast %div3A : f32 to vector<256x1xf32>
    %div3A_14 = arith.divf %broadcast_in_dim3A, %div3A_13 : vector<256x1xf32>
    %add3A = arith.constant 9.99999993E-9 : f32
    %add3A_15 = vector.broadcast %add3A : f32 to vector<256x1xf32>
    %add3A_16 = arith.addf %div3A_14, %add3A_15 : vector<256x1xf32>
    %rsqrt3A = math.rsqrt %add3A_16 : vector<256x1xf32>
    %mul3A = vector.broadcast %rsqrt3A : vector<256x1xf32> to vector<256x768xf32>
    %mul3A_17 = arith.mulf %get3A_1, %mul3A : vector<256x768xf32>
    %mul3A_18 = vector.broadcast %get3A_11 : vector<1x768xf32> to vector<256x768xf32>
    %mul3A_19 = arith.mulf %mul3A_17, %mul3A_18 : vector<256x768xf32>
    %abs3A = math.absf %mul3A_19 : vector<256x768xf32>
    %reduce_max3A = arith.constant dense<0xFF800000> : vector<256xf32>
    %reduce_max3A_20 = vector.multi_reduction <maximumf>, %abs3A, %reduce_max3A [1] : vector<256x768xf32> to vector<256xf32>
    %broadcast_in_dim3A_21 = vector.shape_cast %reduce_max3A_20 : vector<256xf32> to vector<256x1xf32>
    %jit3A = arith.constant 9.99999974E-6 : f32
    %max3A = vector.broadcast %jit3A : f32 to vector<256x1xf32>
    %max3A_22 = arith.maximumf %max3A, %broadcast_in_dim3A_21 : vector<256x1xf32>
    %div3A_23 = arith.constant 1.270000e+02 : f32
    %div3A_24 = vector.broadcast %div3A_23 : f32 to vector<256x1xf32>
    %div3A_25 = arith.divf %div3A_24, %max3A_22 : vector<256x1xf32>
    %mul3A_26 = vector.broadcast %div3A_25 : vector<256x1xf32> to vector<256x768xf32>
    %mul3A_27 = arith.mulf %mul3A_19, %mul3A_26 : vector<256x768xf32>
    %round3A = math.roundeven %mul3A_27 : vector<256x768xf32>
    %jit3A_28 = arith.constant -1.280000e+02 : f32
    %jit3A_29 = arith.constant 1.270000e+02 : f32
    %max3A_30 = vector.broadcast %jit3A_28 : f32 to vector<256x768xf32>
    %max3A_31 = arith.maximumf %max3A_30, %round3A : vector<256x768xf32>
    %min3A = vector.broadcast %jit3A_29 : f32 to vector<256x768xf32>
    %min3A_32 = arith.minimumf %min3A, %max3A_31 : vector<256x768xf32>
    %div3A_33 = vector.broadcast %div3A_25 : vector<256x1xf32> to vector<256x768xf32>
    %div3A_34 = arith.divf %min3A_32, %div3A_33 : vector<256x768xf32>
    %abs3A_35 = math.absf %get3A_6 : vector<768x3072xf32>
    %reduce_sum3A_36 = vector.shape_cast %abs3A_35 : vector<768x3072xf32> to vector<1x768x3072xf32>
    %reduce_sum3A_37 = arith.constant dense<0.000000e+00> : vector<1xf32>
    %reduce_sum3A_38 = vector.multi_reduction <add>, %reduce_sum3A_36, %reduce_sum3A_37 [1, 2] : vector<1x768x3072xf32> to vector<1xf32>
    %reduce_sum3A_39 = vector.shape_cast %reduce_sum3A_38 : vector<1xf32> to vector<1x1x1xf32>
    %reduce_sum3A_40 = vector.extract %reduce_sum3A_39[0, 0, 0] : f32 from vector<1x1x1xf32>
    %div3A_41 = arith.constant 0x4A100000 : f32
    %div3A_42 = arith.divf %reduce_sum3A_40, %div3A_41 : f32
    %jit3A_43 = arith.constant 9.99999974E-6 : f32
    %max3A_44 = arith.maximumf %jit3A_43, %div3A_42 : f32
    %div3A_45 = arith.constant 1.000000e+00 : f32
    %div3A_46 = arith.divf %div3A_45, %max3A_44 : f32
    %mul3A_47 = vector.broadcast %div3A_46 : f32 to vector<768x3072xf32>
    %mul3A_48 = arith.mulf %get3A_6, %mul3A_47 : vector<768x3072xf32>
    %round3A_49 = math.roundeven %mul3A_48 : vector<768x3072xf32>
    %jit3A_50 = arith.constant -1.000000e+00 : f32
    %jit3A_51 = arith.constant 1.000000e+00 : f32
    %max3A_52 = vector.broadcast %jit3A_50 : f32 to vector<768x3072xf32>
    %max3A_53 = arith.maximumf %max3A_52, %round3A_49 : vector<768x3072xf32>
    %min3A_54 = vector.broadcast %jit3A_51 : f32 to vector<768x3072xf32>
    %min3A_55 = arith.minimumf %min3A_54, %max3A_53 : vector<768x3072xf32>
    %div3A_56 = vector.broadcast %div3A_46 : f32 to vector<768x3072xf32>
    %div3A_57 = arith.divf %min3A_55, %div3A_56 : vector<768x3072xf32>
    %convert_element_type3A = arith.truncf %div3A_34 : vector<256x768xf32> to vector<256x768xbf16>
    %convert_element_type3A_58 = arith.truncf %div3A_57 : vector<768x3072xf32> to vector<768x3072xbf16>
    %dot_general3A = arith.constant dense<0.000000e+00> : vector<256x3072xf32>
    %dot_general3A_59 = tpu.matmul %convert_element_type3A, %convert_element_type3A_58, %dot_general3A {dimension_numbers = #tpu.dot_dimension_numbers<[1], [0], [0], [1], [0, 0, 1, 1], [], []>, transpose_lhs_hint = false} : vector<256x768xbf16>, vector<768x3072xbf16>, vector<256x3072xf32> -> vector<256x3072xf32>
    %slice3A = vector.extract_strided_slice %dot_general3A_59 {offsets = [0, 0], sizes = [256, 1536], strides = [1, 1]} : vector<256x3072xf32> to vector<256x1536xf32>
    %slice3A_60 = vector.extract_strided_slice %dot_general3A_59 {offsets = [0, 1536], sizes = [256, 1536], strides = [1, 1]} : vector<256x3072xf32> to vector<256x1536xf32>
    %logistic3A = arith.negf %slice3A : vector<256x1536xf32>
    %logistic3A_61 = math.exp %logistic3A : vector<256x1536xf32>
    %logistic3A_62 = arith.constant 1.000000e+00 : f32
    %logistic3A_63 = vector.broadcast %logistic3A_62 : f32 to vector<256x1536xf32>
    %logistic3A_64 = arith.addf %logistic3A_63, %logistic3A_61 : vector<256x1536xf32>
    %logistic3A_65 = arith.divf %logistic3A_63, %logistic3A_64 : vector<256x1536xf32>
    %mul3A_66 = arith.mulf %slice3A, %logistic3A_65 : vector<256x1536xf32>
    %mul3A_67 = arith.mulf %mul3A_66, %slice3A_60 : vector<256x1536xf32>
    %get3A_68 = arith.constant 0 : index
    %get3A_69 = arith.constant 0 : index
    %get3A_70 = arith.constant 0 : index
    %get3A_71 = vector.load %arg4[%get3A_68, %get3A_69, %get3A_70] : memref<1x1536x768xf32, #tpu.memory_space<vmem>>, vector<1x1536x768xf32>
    %get3A_72 = vector.shape_cast %get3A_71 : vector<1x1536x768xf32> to vector<1536x768xf32>
    %get3A_73 = arith.constant 0 : index
    %get3A_74 = arith.constant 0 : index
    %get3A_75 = arith.constant 0 : index
    %get3A_76 = vector.load %arg5[%get3A_73, %get3A_74, %get3A_75] : memref<1x1x1536xf32, #tpu.memory_space<vmem>>, vector<1x1x1536xf32>
    %get3A_77 = vector.shape_cast %get3A_76 : vector<1x1x1536xf32> to vector<1x1536xf32>
    %square3A_78 = arith.mulf %mul3A_67, %mul3A_67 : vector<256x1536xf32>
    %reduce_sum3A_79 = arith.constant dense<0.000000e+00> : vector<256xf32>
    %reduce_sum3A_80 = vector.multi_reduction <add>, %square3A_78, %reduce_sum3A_79 [1] : vector<256x1536xf32> to vector<256xf32>
    %broadcast_in_dim3A_81 = vector.shape_cast %reduce_sum3A_80 : vector<256xf32> to vector<256x1xf32>
    %div3A_82 = arith.constant 1.536000e+03 : f32
    %div3A_83 = vector.broadcast %div3A_82 : f32 to vector<256x1xf32>
    %div3A_84 = arith.divf %broadcast_in_dim3A_81, %div3A_83 : vector<256x1xf32>
    %add3A_85 = arith.constant 9.99999993E-9 : f32
    %add3A_86 = vector.broadcast %add3A_85 : f32 to vector<256x1xf32>
    %add3A_87 = arith.addf %div3A_84, %add3A_86 : vector<256x1xf32>
    %rsqrt3A_88 = math.rsqrt %add3A_87 : vector<256x1xf32>
    %mul3A_89 = vector.broadcast %rsqrt3A_88 : vector<256x1xf32> to vector<256x1536xf32>
    %mul3A_90 = arith.mulf %mul3A_67, %mul3A_89 : vector<256x1536xf32>
    %mul3A_91 = vector.broadcast %get3A_77 : vector<1x1536xf32> to vector<256x1536xf32>
    %mul3A_92 = arith.mulf %mul3A_90, %mul3A_91 : vector<256x1536xf32>
    %abs3A_93 = math.absf %mul3A_92 : vector<256x1536xf32>
    %reduce_max3A_94 = arith.constant dense<0xFF800000> : vector<256xf32>
    %reduce_max3A_95 = vector.multi_reduction <maximumf>, %abs3A_93, %reduce_max3A_94 [1] : vector<256x1536xf32> to vector<256xf32>
    %broadcast_in_dim3A_96 = vector.shape_cast %reduce_max3A_95 : vector<256xf32> to vector<256x1xf32>
    %jit3A_97 = arith.constant 9.99999974E-6 : f32
    %max3A_98 = vector.broadcast %jit3A_97 : f32 to vector<256x1xf32>
    %max3A_99 = arith.maximumf %max3A_98, %broadcast_in_dim3A_96 : vector<256x1xf32>
    %div3A_100 = arith.constant 1.270000e+02 : f32
    %div3A_101 = vector.broadcast %div3A_100 : f32 to vector<256x1xf32>
    %div3A_102 = arith.divf %div3A_101, %max3A_99 : vector<256x1xf32>
    %mul3A_103 = vector.broadcast %div3A_102 : vector<256x1xf32> to vector<256x1536xf32>
    %mul3A_104 = arith.mulf %mul3A_92, %mul3A_103 : vector<256x1536xf32>
    %round3A_105 = math.roundeven %mul3A_104 : vector<256x1536xf32>
    %jit3A_106 = arith.constant -1.280000e+02 : f32
    %jit3A_107 = arith.constant 1.270000e+02 : f32
    %max3A_108 = vector.broadcast %jit3A_106 : f32 to vector<256x1536xf32>
    %max3A_109 = arith.maximumf %max3A_108, %round3A_105 : vector<256x1536xf32>
    %min3A_110 = vector.broadcast %jit3A_107 : f32 to vector<256x1536xf32>
    %min3A_111 = arith.minimumf %min3A_110, %max3A_109 : vector<256x1536xf32>
    %div3A_112 = vector.broadcast %div3A_102 : vector<256x1xf32> to vector<256x1536xf32>
    %div3A_113 = arith.divf %min3A_111, %div3A_112 : vector<256x1536xf32>
    %abs3A_114 = math.absf %get3A_72 : vector<1536x768xf32>
    %reduce_sum3A_115 = vector.shape_cast %abs3A_114 : vector<1536x768xf32> to vector<1x1536x768xf32>
    %reduce_sum3A_116 = arith.constant dense<0.000000e+00> : vector<1xf32>
    %reduce_sum3A_117 = vector.multi_reduction <add>, %reduce_sum3A_115, %reduce_sum3A_116 [1, 2] : vector<1x1536x768xf32> to vector<1xf32>
    %reduce_sum3A_118 = vector.shape_cast %reduce_sum3A_117 : vector<1xf32> to vector<1x1x1xf32>
    %reduce_sum3A_119 = vector.extract %reduce_sum3A_118[0, 0, 0] : f32 from vector<1x1x1xf32>
    %div3A_120 = arith.constant 0x49900000 : f32
    %div3A_121 = arith.divf %reduce_sum3A_119, %div3A_120 : f32
    %jit3A_122 = arith.constant 9.99999974E-6 : f32
    %max3A_123 = arith.maximumf %jit3A_122, %div3A_121 : f32
    %div3A_124 = arith.constant 1.000000e+00 : f32
    %div3A_125 = arith.divf %div3A_124, %max3A_123 : f32
    %mul3A_126 = vector.broadcast %div3A_125 : f32 to vector<1536x768xf32>
    %mul3A_127 = arith.mulf %get3A_72, %mul3A_126 : vector<1536x768xf32>
    %round3A_128 = math.roundeven %mul3A_127 : vector<1536x768xf32>
    %jit3A_129 = arith.constant -1.000000e+00 : f32
    %jit3A_130 = arith.constant 1.000000e+00 : f32
    %max3A_131 = vector.broadcast %jit3A_129 : f32 to vector<1536x768xf32>
    %max3A_132 = arith.maximumf %max3A_131, %round3A_128 : vector<1536x768xf32>
    %min3A_133 = vector.broadcast %jit3A_130 : f32 to vector<1536x768xf32>
    %min3A_134 = arith.minimumf %min3A_133, %max3A_132 : vector<1536x768xf32>
    %div3A_135 = vector.broadcast %div3A_125 : f32 to vector<1536x768xf32>
    %div3A_136 = arith.divf %min3A_134, %div3A_135 : vector<1536x768xf32>
    %convert_element_type3A_137 = arith.truncf %div3A_113 : vector<256x1536xf32> to vector<256x1536xbf16>
    %convert_element_type3A_138 = arith.truncf %div3A_136 : vector<1536x768xf32> to vector<1536x768xbf16>
    %dot_general3A_139 = arith.constant dense<0.000000e+00> : vector<256x768xf32>
    %dot_general3A_140 = tpu.matmul %convert_element_type3A_137, %convert_element_type3A_138, %dot_general3A_139 {dimension_numbers = #tpu.dot_dimension_numbers<[1], [0], [0], [1], [0, 0, 1, 1], [], []>, transpose_lhs_hint = false} : vector<256x1536xbf16>, vector<1536x768xbf16>, vector<256x768xf32> -> vector<256x768xf32>
    %get3A_141 = arith.constant 0 : index
    %get3A_142 = arith.constant 0 : index
    %get3A_143 = arith.constant 0 : index
    %get3A_144 = vector.load %arg6[%get3A_141, %get3A_142, %get3A_143] : memref<1x256x1xf32, #tpu.memory_space<vmem>>, vector<1x256x1xf32>
    %get3A_145 = vector.shape_cast %get3A_144 : vector<1x256x1xf32> to vector<256x1xf32>
    %mul3A_146 = vector.broadcast %get3A_145 : vector<256x1xf32> to vector<256x768xf32>
    %mul3A_147 = arith.mulf %dot_general3A_140, %mul3A_146 : vector<256x768xf32>
    %swap3A = arith.constant 0 : index
    %swap3A_148 = arith.constant 0 : index
    %swap3A_149 = vector.load %arg7[%swap3A, %swap3A_148] : memref<256x768xf32, #tpu.memory_space<vmem>>, vector<256x768xf32>
    tpu.vector_store %arg7[%swap3A, %swap3A_148], %mul3A_147 {strides = array<i32>} : memref<256x768xf32, #tpu.memory_space<vmem>>, vector<256x768xf32>,
    return
  }
  func.func @transform_0(%arg0: i32) -> (i32, i32) {
    %c0_i32 = arith.constant 0 : i32
    %c0_i32_0 = arith.constant 0 : i32
    return %arg0, %c0_i32 : i32, i32
  }
  func.func @transform_1(%arg0: i32) -> (i32, i32, i32) {
    %c0_i32 = arith.constant 0 : i32
    %c0_i32_0 = arith.constant 0 : i32
    %c0_i32_1 = arith.constant 0 : i32
    return %arg0, %c0_i32, %c0_i32_0 : i32, i32, i32
  }
  func.func @transform_2(%arg0: i32) -> (i32, i32, i32) {
    %c0_i32 = arith.constant 0 : i32
    %c0_i32_0 = arith.constant 0 : i32
    %c0_i32_1 = arith.constant 0 : i32
    return %arg0, %c0_i32, %c0_i32_0 : i32, i32, i32
  }
  func.func @transform_3(%arg0: i32) -> (i32, i32, i32) {
    %c0_i32 = arith.constant 0 : i32
    %c0_i32_0 = arith.constant 0 : i32
    %c0_i32_1 = arith.constant 0 : i32
    return %arg0, %c0_i32, %c0_i32_0 : i32, i32, i32
  }
  func.func @transform_4(%arg0: i32) -> (i32, i32, i32) {
    %c0_i32 = arith.constant 0 : i32
    %c0_i32_0 = arith.constant 0 : i32
    %c0_i32_1 = arith.constant 0 : i32
    return %arg0, %c0_i32, %c0_i32_0 : i32, i32, i32
  }
  func.func @transform_5(%arg0: i32) -> (i32, i32, i32) {
    %c0_i32 = arith.constant 0 : i32
    %c0_i32_0 = arith.constant 0 : i32
    %c0_i32_1 = arith.constant 0 : i32
    return %arg0, %c0_i32, %c0_i32_0 : i32, i32, i32
  }
  func.func @transform_6(%arg0: i32) -> (i32, i32) {
    %c0_i32 = arith.constant 0 : i32
    %c0_i32_0 = arith.constant 0 : i32
    return %arg0, %c0_i32 : i32, i32
  }
}

module attributes {stable_mosaic.version = 14 : i64} {
  func.func @_shared_body(%arg0: i32, %arg1: memref<256x768xf32, #tpu.memory_space<vmem>>, %arg2: memref<768x3072xf32, #tpu.memory_space<vmem>>, %arg3: memref<1x768xf32, #tpu.memory_space<vmem>>, %arg4: memref<1536x768xf32, #tpu.memory_space<vmem>>, %arg5: memref<1x1536xf32, #tpu.memory_space<vmem>>, %arg6: memref<1x768xf32, #tpu.memory_space<vmem>>, %arg7: memref<256x768xf32, #tpu.memory_space<vmem>>) attributes {dimension_semantics = [#tpu.dimension_semantics<arbitrary>], iteration_bounds = array<i64: 8>, scalar_prefetch = 0 : i64, scratch_operands = 0 : i64, tpu.core_type = #tpu.core_type<tc>, window_params = [{transform_indices = @transform_0, window_bounds = array<i64: 256, 768>}, {pipeline_mode = #tpu.pipeline_mode<synchronous>, transform_indices = @transform_1, window_bounds = array<i64: 768, 3072>}, {pipeline_mode = #tpu.pipeline_mode<synchronous>, transform_indices = @transform_2, window_bounds = array<i64: 1, 768>}, {pipeline_mode = #tpu.pipeline_mode<synchronous>, transform_indices = @transform_3, window_bounds = array<i64: 1536, 768>}, {pipeline_mode = #tpu.pipeline_mode<synchronous>, transform_indices = @transform_4, window_bounds = array<i64: 1, 1536>}, {pipeline_mode = #tpu.pipeline_mode<synchronous>, transform_indices = @transform_5, window_bounds = array<i64: 1, 768>}, {transform_indices = @transform_6, window_bounds = array<i64: 256, 768>}]} {
    %get3A = arith.constant 0 : index
    %get3A_0 = arith.constant 0 : index
    %get3A_1 = vector.load %arg1[%get3A, %get3A_0] : memref<256x768xf32, #tpu.memory_space<vmem>>, vector<256x768xf32>
    %get3A_2 = arith.constant 0 : index
    %get3A_3 = arith.constant 0 : index
    %get3A_4 = vector.load %arg2[%get3A_2, %get3A_3] : memref<768x3072xf32, #tpu.memory_space<vmem>>, vector<768x3072xf32>
    %get3A_5 = arith.constant 0 : index
    %get3A_6 = arith.constant 0 : index
    %get3A_7 = vector.load %arg3[%get3A_5, %get3A_6] : memref<1x768xf32, #tpu.memory_space<vmem>>, vector<1x768xf32>
    %square3A = arith.mulf %get3A_1, %get3A_1 : vector<256x768xf32>
    %reduce_sum3A = arith.constant dense<0.000000e+00> : vector<256xf32>
    %reduce_sum3A_8 = vector.multi_reduction <add>, %square3A, %reduce_sum3A [1] : vector<256x768xf32> to vector<256xf32>
    %broadcast_in_dim3A = vector.shape_cast %reduce_sum3A_8 : vector<256xf32> to vector<256x1xf32>
    %div3A = arith.constant 7.680000e+02 : f32
    %div3A_9 = vector.broadcast %div3A : f32 to vector<256x1xf32>
    %div3A_10 = arith.divf %broadcast_in_dim3A, %div3A_9 : vector<256x1xf32>
    %add3A = arith.constant 9.99999993E-9 : f32
    %add3A_11 = vector.broadcast %add3A : f32 to vector<256x1xf32>
    %add3A_12 = arith.addf %div3A_10, %add3A_11 : vector<256x1xf32>
    %rsqrt3A = math.rsqrt %add3A_12 : vector<256x1xf32>
    %mul3A = vector.broadcast %rsqrt3A : vector<256x1xf32> to vector<256x768xf32>
    %mul3A_13 = arith.mulf %get3A_1, %mul3A : vector<256x768xf32>
    %mul3A_14 = vector.broadcast %get3A_7 : vector<1x768xf32> to vector<256x768xf32>
    %mul3A_15 = arith.mulf %mul3A_13, %mul3A_14 : vector<256x768xf32>
    %abs3A = math.absf %mul3A_15 : vector<256x768xf32>
    %reduce_max3A = arith.constant dense<0xFF800000> : vector<256xf32>
    %reduce_max3A_16 = vector.multi_reduction <maximumf>, %abs3A, %reduce_max3A [1] : vector<256x768xf32> to vector<256xf32>
    %broadcast_in_dim3A_17 = vector.shape_cast %reduce_max3A_16 : vector<256xf32> to vector<256x1xf32>
    %jit3A = arith.constant 9.99999974E-6 : f32
    %max3A = vector.broadcast %jit3A : f32 to vector<256x1xf32>
    %max3A_18 = arith.maximumf %max3A, %broadcast_in_dim3A_17 : vector<256x1xf32>
    %div3A_19 = arith.constant 1.270000e+02 : f32
    %div3A_20 = vector.broadcast %div3A_19 : f32 to vector<256x1xf32>
    %div3A_21 = arith.divf %div3A_20, %max3A_18 : vector<256x1xf32>
    %mul3A_22 = vector.broadcast %div3A_21 : vector<256x1xf32> to vector<256x768xf32>
    %mul3A_23 = arith.mulf %mul3A_15, %mul3A_22 : vector<256x768xf32>
    %round3A = math.roundeven %mul3A_23 : vector<256x768xf32>
    %jit3A_24 = arith.constant -1.280000e+02 : f32
    %jit3A_25 = arith.constant 1.270000e+02 : f32
    %max3A_26 = vector.broadcast %jit3A_24 : f32 to vector<256x768xf32>
    %max3A_27 = arith.maximumf %max3A_26, %round3A : vector<256x768xf32>
    %min3A = vector.broadcast %jit3A_25 : f32 to vector<256x768xf32>
    %min3A_28 = arith.minimumf %min3A, %max3A_27 : vector<256x768xf32>
    %div3A_29 = vector.broadcast %div3A_21 : vector<256x1xf32> to vector<256x768xf32>
    %div3A_30 = arith.divf %min3A_28, %div3A_29 : vector<256x768xf32>
    %abs3A_31 = math.absf %get3A_4 : vector<768x3072xf32>
    %reduce_sum3A_32 = vector.shape_cast %abs3A_31 : vector<768x3072xf32> to vector<1x768x3072xf32>
    %reduce_sum3A_33 = arith.constant dense<0.000000e+00> : vector<1xf32>
    %reduce_sum3A_34 = vector.multi_reduction <add>, %reduce_sum3A_32, %reduce_sum3A_33 [1, 2] : vector<1x768x3072xf32> to vector<1xf32>
    %reduce_sum3A_35 = vector.shape_cast %reduce_sum3A_34 : vector<1xf32> to vector<1x1x1xf32>
    %reduce_sum3A_36 = vector.extract %reduce_sum3A_35[0, 0, 0] : f32 from vector<1x1x1xf32>
    %div3A_37 = arith.constant 0x4A100000 : f32
    %div3A_38 = arith.divf %reduce_sum3A_36, %div3A_37 : f32
    %jit3A_39 = arith.constant 9.99999974E-6 : f32
    %max3A_40 = arith.maximumf %jit3A_39, %div3A_38 : f32
    %div3A_41 = arith.constant 1.000000e+00 : f32
    %div3A_42 = arith.divf %div3A_41, %max3A_40 : f32
    %mul3A_43 = vector.broadcast %div3A_42 : f32 to vector<768x3072xf32>
    %mul3A_44 = arith.mulf %get3A_4, %mul3A_43 : vector<768x3072xf32>
    %round3A_45 = math.roundeven %mul3A_44 : vector<768x3072xf32>
    %jit3A_46 = arith.constant -1.000000e+00 : f32
    %jit3A_47 = arith.constant 1.000000e+00 : f32
    %max3A_48 = vector.broadcast %jit3A_46 : f32 to vector<768x3072xf32>
    %max3A_49 = arith.maximumf %max3A_48, %round3A_45 : vector<768x3072xf32>
    %min3A_50 = vector.broadcast %jit3A_47 : f32 to vector<768x3072xf32>
    %min3A_51 = arith.minimumf %min3A_50, %max3A_49 : vector<768x3072xf32>
    %div3A_52 = vector.broadcast %div3A_42 : f32 to vector<768x3072xf32>
    %div3A_53 = arith.divf %min3A_51, %div3A_52 : vector<768x3072xf32>
    %convert_element_type3A = arith.truncf %div3A_30 : vector<256x768xf32> to vector<256x768xbf16>
    %convert_element_type3A_54 = arith.truncf %div3A_53 : vector<768x3072xf32> to vector<768x3072xbf16>
    %dot_general3A = arith.constant dense<0.000000e+00> : vector<256x3072xf32>
    %dot_general3A_55 = tpu.matmul %convert_element_type3A, %convert_element_type3A_54, %dot_general3A {dimension_numbers = #tpu.dot_dimension_numbers<[1], [0], [0], [1], [0, 0, 1, 1], [], []>, transpose_lhs_hint = false} : vector<256x768xbf16>, vector<768x3072xbf16>, vector<256x3072xf32> -> vector<256x3072xf32>
    %slice3A = vector.extract_strided_slice %dot_general3A_55 {offsets = [0, 0], sizes = [256, 1536], strides = [1, 1]} : vector<256x3072xf32> to vector<256x1536xf32>
    %slice3A_56 = vector.extract_strided_slice %dot_general3A_55 {offsets = [0, 1536], sizes = [256, 1536], strides = [1, 1]} : vector<256x3072xf32> to vector<256x1536xf32>
    %logistic3A = arith.negf %slice3A : vector<256x1536xf32>
    %logistic3A_57 = math.exp %logistic3A : vector<256x1536xf32>
    %logistic3A_58 = arith.constant 1.000000e+00 : f32
    %logistic3A_59 = vector.broadcast %logistic3A_58 : f32 to vector<256x1536xf32>
    %logistic3A_60 = arith.addf %logistic3A_59, %logistic3A_57 : vector<256x1536xf32>
    %logistic3A_61 = arith.divf %logistic3A_59, %logistic3A_60 : vector<256x1536xf32>
    %mul3A_62 = arith.mulf %slice3A, %logistic3A_61 : vector<256x1536xf32>
    %mul3A_63 = arith.mulf %mul3A_62, %slice3A_56 : vector<256x1536xf32>
    %get3A_64 = arith.constant 0 : index
    %get3A_65 = arith.constant 0 : index
    %get3A_66 = vector.load %arg4[%get3A_64, %get3A_65] : memref<1536x768xf32, #tpu.memory_space<vmem>>, vector<1536x768xf32>
    %get3A_67 = arith.constant 0 : index
    %get3A_68 = arith.constant 0 : index
    %get3A_69 = vector.load %arg5[%get3A_67, %get3A_68] : memref<1x1536xf32, #tpu.memory_space<vmem>>, vector<1x1536xf32>
    %square3A_70 = arith.mulf %mul3A_63, %mul3A_63 : vector<256x1536xf32>
    %reduce_sum3A_71 = arith.constant dense<0.000000e+00> : vector<256xf32>
    %reduce_sum3A_72 = vector.multi_reduction <add>, %square3A_70, %reduce_sum3A_71 [1] : vector<256x1536xf32> to vector<256xf32>
    %broadcast_in_dim3A_73 = vector.shape_cast %reduce_sum3A_72 : vector<256xf32> to vector<256x1xf32>
    %div3A_74 = arith.constant 1.536000e+03 : f32
    %div3A_75 = vector.broadcast %div3A_74 : f32 to vector<256x1xf32>
    %div3A_76 = arith.divf %broadcast_in_dim3A_73, %div3A_75 : vector<256x1xf32>
    %add3A_77 = arith.constant 9.99999993E-9 : f32
    %add3A_78 = vector.broadcast %add3A_77 : f32 to vector<256x1xf32>
    %add3A_79 = arith.addf %div3A_76, %add3A_78 : vector<256x1xf32>
    %rsqrt3A_80 = math.rsqrt %add3A_79 : vector<256x1xf32>
    %mul3A_81 = vector.broadcast %rsqrt3A_80 : vector<256x1xf32> to vector<256x1536xf32>
    %mul3A_82 = arith.mulf %mul3A_63, %mul3A_81 : vector<256x1536xf32>
    %mul3A_83 = vector.broadcast %get3A_69 : vector<1x1536xf32> to vector<256x1536xf32>
    %mul3A_84 = arith.mulf %mul3A_82, %mul3A_83 : vector<256x1536xf32>
    %abs3A_85 = math.absf %mul3A_84 : vector<256x1536xf32>
    %reduce_max3A_86 = arith.constant dense<0xFF800000> : vector<256xf32>
    %reduce_max3A_87 = vector.multi_reduction <maximumf>, %abs3A_85, %reduce_max3A_86 [1] : vector<256x1536xf32> to vector<256xf32>
    %broadcast_in_dim3A_88 = vector.shape_cast %reduce_max3A_87 : vector<256xf32> to vector<256x1xf32>
    %jit3A_89 = arith.constant 9.99999974E-6 : f32
    %max3A_90 = vector.broadcast %jit3A_89 : f32 to vector<256x1xf32>
    %max3A_91 = arith.maximumf %max3A_90, %broadcast_in_dim3A_88 : vector<256x1xf32>
    %div3A_92 = arith.constant 1.270000e+02 : f32
    %div3A_93 = vector.broadcast %div3A_92 : f32 to vector<256x1xf32>
    %div3A_94 = arith.divf %div3A_93, %max3A_91 : vector<256x1xf32>
    %mul3A_95 = vector.broadcast %div3A_94 : vector<256x1xf32> to vector<256x1536xf32>
    %mul3A_96 = arith.mulf %mul3A_84, %mul3A_95 : vector<256x1536xf32>
    %round3A_97 = math.roundeven %mul3A_96 : vector<256x1536xf32>
    %jit3A_98 = arith.constant -1.280000e+02 : f32
    %jit3A_99 = arith.constant 1.270000e+02 : f32
    %max3A_100 = vector.broadcast %jit3A_98 : f32 to vector<256x1536xf32>
    %max3A_101 = arith.maximumf %max3A_100, %round3A_97 : vector<256x1536xf32>
    %min3A_102 = vector.broadcast %jit3A_99 : f32 to vector<256x1536xf32>
    %min3A_103 = arith.minimumf %min3A_102, %max3A_101 : vector<256x1536xf32>
    %div3A_104 = vector.broadcast %div3A_94 : vector<256x1xf32> to vector<256x1536xf32>
    %div3A_105 = arith.divf %min3A_103, %div3A_104 : vector<256x1536xf32>
    %abs3A_106 = math.absf %get3A_66 : vector<1536x768xf32>
    %reduce_sum3A_107 = vector.shape_cast %abs3A_106 : vector<1536x768xf32> to vector<1x1536x768xf32>
    %reduce_sum3A_108 = arith.constant dense<0.000000e+00> : vector<1xf32>
    %reduce_sum3A_109 = vector.multi_reduction <add>, %reduce_sum3A_107, %reduce_sum3A_108 [1, 2] : vector<1x1536x768xf32> to vector<1xf32>
    %reduce_sum3A_110 = vector.shape_cast %reduce_sum3A_109 : vector<1xf32> to vector<1x1x1xf32>
    %reduce_sum3A_111 = vector.extract %reduce_sum3A_110[0, 0, 0] : f32 from vector<1x1x1xf32>
    %div3A_112 = arith.constant 0x49900000 : f32
    %div3A_113 = arith.divf %reduce_sum3A_111, %div3A_112 : f32
    %jit3A_114 = arith.constant 9.99999974E-6 : f32
    %max3A_115 = arith.maximumf %jit3A_114, %div3A_113 : f32
    %div3A_116 = arith.constant 1.000000e+00 : f32
    %div3A_117 = arith.divf %div3A_116, %max3A_115 : f32
    %mul3A_118 = vector.broadcast %div3A_117 : f32 to vector<1536x768xf32>
    %mul3A_119 = arith.mulf %get3A_66, %mul3A_118 : vector<1536x768xf32>
    %round3A_120 = math.roundeven %mul3A_119 : vector<1536x768xf32>
    %jit3A_121 = arith.constant -1.000000e+00 : f32
    %jit3A_122 = arith.constant 1.000000e+00 : f32
    %max3A_123 = vector.broadcast %jit3A_121 : f32 to vector<1536x768xf32>
    %max3A_124 = arith.maximumf %max3A_123, %round3A_120 : vector<1536x768xf32>
    %min3A_125 = vector.broadcast %jit3A_122 : f32 to vector<1536x768xf32>
    %min3A_126 = arith.minimumf %min3A_125, %max3A_124 : vector<1536x768xf32>
    %div3A_127 = vector.broadcast %div3A_117 : f32 to vector<1536x768xf32>
    %div3A_128 = arith.divf %min3A_126, %div3A_127 : vector<1536x768xf32>
    %convert_element_type3A_129 = arith.truncf %div3A_105 : vector<256x1536xf32> to vector<256x1536xbf16>
    %convert_element_type3A_130 = arith.truncf %div3A_128 : vector<1536x768xf32> to vector<1536x768xbf16>
    %dot_general3A_131 = arith.constant dense<0.000000e+00> : vector<256x768xf32>
    %dot_general3A_132 = tpu.matmul %convert_element_type3A_129, %convert_element_type3A_130, %dot_general3A_131 {dimension_numbers = #tpu.dot_dimension_numbers<[1], [0], [0], [1], [0, 0, 1, 1], [], []>, transpose_lhs_hint = false} : vector<256x1536xbf16>, vector<1536x768xbf16>, vector<256x768xf32> -> vector<256x768xf32>
    %get3A_133 = arith.constant 0 : index
    %get3A_134 = arith.constant 0 : index
    %get3A_135 = vector.load %arg6[%get3A_133, %get3A_134] : memref<1x768xf32, #tpu.memory_space<vmem>>, vector<1x768xf32>
    %mul3A_136 = vector.broadcast %get3A_135 : vector<1x768xf32> to vector<256x768xf32>
    %mul3A_137 = arith.mulf %get3A_1, %mul3A_136 : vector<256x768xf32>
    %reduce_sum3A_138 = arith.constant dense<0.000000e+00> : vector<256xf32>
    %reduce_sum3A_139 = vector.multi_reduction <add>, %mul3A_137, %reduce_sum3A_138 [1] : vector<256x768xf32> to vector<256xf32>
    %broadcast_in_dim3A_140 = vector.shape_cast %reduce_sum3A_139 : vector<256xf32> to vector<256x1xf32>
    %logistic3A_141 = arith.negf %broadcast_in_dim3A_140 : vector<256x1xf32>
    %logistic3A_142 = math.exp %logistic3A_141 : vector<256x1xf32>
    %logistic3A_143 = arith.constant 1.000000e+00 : f32
    %logistic3A_144 = vector.broadcast %logistic3A_143 : f32 to vector<256x1xf32>
    %logistic3A_145 = arith.addf %logistic3A_144, %logistic3A_142 : vector<256x1xf32>
    %logistic3A_146 = arith.divf %logistic3A_144, %logistic3A_145 : vector<256x1xf32>
    %mul3A_147 = vector.broadcast %logistic3A_146 : vector<256x1xf32> to vector<256x768xf32>
    %mul3A_148 = arith.mulf %dot_general3A_132, %mul3A_147 : vector<256x768xf32>
    %swap3A = arith.constant 0 : index
    %swap3A_149 = arith.constant 0 : index
    %swap3A_150 = vector.load %arg7[%swap3A, %swap3A_149] : memref<256x768xf32, #tpu.memory_space<vmem>>, vector<256x768xf32>
    tpu.vector_store %arg7[%swap3A, %swap3A_149], %mul3A_148 {strides = array<i32>} : memref<256x768xf32, #tpu.memory_space<vmem>>, vector<256x768xf32>,
    return
  }
  func.func @transform_0(%arg0: i32) -> (i32, i32) {
    %c0_i32 = arith.constant 0 : i32
    %c0_i32_0 = arith.constant 0 : i32
    return %arg0, %c0_i32 : i32, i32
  }
  func.func @transform_1(%arg0: i32) -> (i32, i32) {
    %c0_i32 = arith.constant 0 : i32
    %c0_i32_0 = arith.constant 0 : i32
    %c0_i32_1 = arith.constant 0 : i32
    return %c0_i32, %c0_i32_0 : i32, i32
  }
  func.func @transform_2(%arg0: i32) -> (i32, i32) {
    %c0_i32 = arith.constant 0 : i32
    %c0_i32_0 = arith.constant 0 : i32
    %c0_i32_1 = arith.constant 0 : i32
    return %c0_i32, %c0_i32_0 : i32, i32
  }
  func.func @transform_3(%arg0: i32) -> (i32, i32) {
    %c0_i32 = arith.constant 0 : i32
    %c0_i32_0 = arith.constant 0 : i32
    %c0_i32_1 = arith.constant 0 : i32
    return %c0_i32, %c0_i32_0 : i32, i32
  }
  func.func @transform_4(%arg0: i32) -> (i32, i32) {
    %c0_i32 = arith.constant 0 : i32
    %c0_i32_0 = arith.constant 0 : i32
    %c0_i32_1 = arith.constant 0 : i32
    return %c0_i32, %c0_i32_0 : i32, i32
  }
  func.func @transform_5(%arg0: i32) -> (i32, i32) {
    %c0_i32 = arith.constant 0 : i32
    %c0_i32_0 = arith.constant 0 : i32
    %c0_i32_1 = arith.constant 0 : i32
    return %c0_i32, %c0_i32_0 : i32, i32
  }
  func.func @transform_6(%arg0: i32) -> (i32, i32) {
    %c0_i32 = arith.constant 0 : i32
    %c0_i32_0 = arith.constant 0 : i32
    return %arg0, %c0_i32 : i32, i32
  }
}

module attributes {stable_mosaic.version = 14 : i64} {
  func.func @_final_body(%arg0: i32, %arg1: memref<256x768xf32, #tpu.memory_space<vmem>>, %arg2: memref<256x2x768xf32, #tpu.memory_space<vmem>>, %arg3: memref<256x768xf32, #tpu.memory_space<vmem>>) attributes {dimension_semantics = [#tpu.dimension_semantics<arbitrary>], iteration_bounds = array<i64: 8>, scalar_prefetch = 0 : i64, scratch_operands = 0 : i64, tpu.core_type = #tpu.core_type<tc>, window_params = [{transform_indices = @transform_0, window_bounds = array<i64: 256, 768>}, {transform_indices = @transform_1, window_bounds = array<i64: 256, 2, 768>}, {transform_indices = @transform_2, window_bounds = array<i64: 256, 768>}]} {
    %get3A = arith.constant 0 : index
    %get3A_0 = arith.constant 0 : index
    %get3A_1 = vector.load %arg1[%get3A, %get3A_0] : memref<256x768xf32, #tpu.memory_space<vmem>>, vector<256x768xf32>
    %get3A_2 = arith.constant 0 : index
    %get3A_3 = arith.constant 0 : index
    %get3A_4 = arith.constant 0 : index
    %get3A_5 = vector.load %arg2[%get3A_2, %get3A_3, %get3A_4] : memref<256x2x768xf32, #tpu.memory_space<vmem>>, vector<256x1x768xf32>
    %get3A_6 = vector.shape_cast %get3A_5 : vector<256x1x768xf32> to vector<256x768xf32>
    %add3A = arith.addf %get3A_1, %get3A_6 : vector<256x768xf32>
    %get3A_7 = arith.constant 0 : index
    %get3A_8 = arith.constant 1 : index
    %get3A_9 = arith.constant 0 : index
    %get3A_10 = vector.load %arg2[%get3A_7, %get3A_8, %get3A_9] : memref<256x2x768xf32, #tpu.memory_space<vmem>>, vector<256x1x768xf32>
    %get3A_11 = vector.shape_cast %get3A_10 : vector<256x1x768xf32> to vector<256x768xf32>
    %add3A_12 = arith.addf %add3A, %get3A_11 : vector<256x768xf32>
    %swap3A = arith.constant 0 : index
    %swap3A_13 = arith.constant 0 : index
    %swap3A_14 = vector.load %arg3[%swap3A, %swap3A_13] : memref<256x768xf32, #tpu.memory_space<vmem>>, vector<256x768xf32>
    tpu.vector_store %arg3[%swap3A, %swap3A_13], %add3A_12 {strides = array<i32>} : memref<256x768xf32, #tpu.memory_space<vmem>>, vector<256x768xf32>,
    return
  }
  func.func @transform_0(%arg0: i32) -> (i32, i32) {
    %c0_i32 = arith.constant 0 : i32
    %c0_i32_0 = arith.constant 0 : i32
    return %arg0, %c0_i32 : i32, i32
  }
  func.func @transform_1(%arg0: i32) -> (i32, i32, i32) {
    %c0_i32 = arith.constant 0 : i32
    %c0_i32_0 = arith.constant 0 : i32
    %c0_i32_1 = arith.constant 0 : i32
    return %arg0, %c0_i32, %c0_i32_0 : i32, i32, i32
  }
  func.func @transform_2(%arg0: i32) -> (i32, i32) {
    %c0_i32 = arith.constant 0 : i32
    %c0_i32_0 = arith.constant 0 : i32
    return %arg0, %c0_i32 : i32, i32
  }
}

</mosaic_0001>

<sc_bundles>
// kernel: _impl.11.cloned.1.call-start
scs
__scs_entry_jumppad:
0x0: {  	(pc) =	sbr.rel $0x88, $3  }
0x1: {  	(tag) =	ssettag $0x0;
	lr =	simm.s32 $0x1  }
0x2: {  	[smem:$0x3F95] =	sst lr;
	_ =	strace $0xD0000000  }
0x3: {  	_ = 	snop  }
0x4: {  	_ = 	snop  }
0x5: {  	_ = 	snop  }
0x6: {  	_ = 	snop  }
0x7: {  	_ = 	snop  }
__scs_overlays_trampoline_lowered:
0x8: {  	[smem:$0x3FA4] =	sst s0  }
0x9: {  	[smem:$0x3FA5] =	sst s1  }
0xa: {  	[smem:$0x3FA6] =	sst s2  }
0xb: {  	[smem:$0x3FA7] =	sst s3  }
0xc: {  	[smem:$0x3FA8] =	sst s4  }
0xd: {  	[smem:$0x3FA9] =	sst s5  }
0xe: {  	[smem:$0x3FAA] =	sst s6  }
0xf: {  	[smem:$0x3FAB] =	sst s7  }
0x10: {  	[smem:$0x3FAC] =	sst s8  }
0x11: {  	[smem:$0x3FAD] =	sst s9;
	s0 =	simm.s32 @!p0 $0x0  }
0x12: {  	s1 =	sld [smem:$0x3F93];
	s0 =	simm.s32 @p0 $0x1  }
0x13: {  	[smem:$0x3FAE] =	sst s0;
	s0 =	simm.s32 @!p1 $0x0  }
0x14: {  	s2 =	sld [smem:$0x3F92];
	s0 =	simm.s32 @p1 $0x1  }
0x15: {  	[smem:$0x3FAF] =	sst s0;
	s0 =	simm.s32 @!p2 $0x0  }
0x16: {  	s3 =	sld [smem:$0x3FDB];
	s0 =	simm.s32 @p2 $0x1  }
0x17: {  	s4 =	simm.s32 $0x1BF5;
	[smem:$0x3FB1] =	sst s0  }
0x18: {  	s0 =	sld [smem:$0x3F94];
	_ =	swait.ge [sflag:s4], $0x0  }
0x19: {  	s7 =	sld [smem:$0x3F95]  }
0x1a: {  	s8 =	sadd.s32 $0xFFFFE003, lr  }
0x1b: {  	s9 =	sadd.s32 $0xFFFFFEF7, lr;
	s5 =	simm.s32 $0xFFFFFFFF;
	p2 =	slt.u32 s8, $0xFFFFF086  }
0x1c: {  	p1 =	slt.u32 s9, $0xF7A;
	s5 =	simm.s32 @!p2 $0x0  }
0x1d: {  	s5 =	simm.s32 @p1 $0x1;
	p0 =	seq.s32 s7, s2  }
0x1e: {  	s7 =	smul.u32 @!p0 $0xF7A, s2;
	p2 =	seq.s32 @!p0 s5, $0x0  }
0x1f: {  	s9 =	smul.u32 $0xF7A, s1;
	s8 =	simm.s32 @!p0 $0x1BF5;
	p2 =	por !p2, p0  }
0x20: {  	[sflag:s8] =	ssyncset.s32 @!p0 $0xFFFFF086;
	s6 =	sadd.s32 @!p0 s3, s7;
	s7 =	simm.s32 @!p0 $0x108  }
0x21: {  	s3 =	sadd.s32 s3, s9;
	s6 =	sadd.s32 @!p0 $0x88, s6;
	s7 =	simm.s32 @p2 $0x1082  }
0x22: {  	[simem:s7], [sflag:s8] =	dma.local @!p0 [hbm:s6], $0xF7A  }
0x23: {  	s9 =	sor.u32 $0xD0000000, s2;
	s6 =	simm.s32 $0x108;
	_ =	swait.ge @!p0 [sflag:s8], $0x0  }
0x24: {  	s3 =	sadd.s32 $0x88, s3;
	s6 =	simm.s32 @!p1 $0x1082;
	[sflag:s4] =	ssyncset.s32 $0xFFFFF086  }
0x25: {  	[simem:s6], [sflag:s4] =	dma.local [hbm:s3], $0xF7A  }
0x26: {  	[smem:$0x3F95] =	sst s1;
	(tag) =	ssettag s2;
	_ =	strace s9  }
0x27: {  	s1 =	sld [smem:$0x3FA5]  }
0x28: {  	s2 =	sld [smem:$0x3FA6]  }
0x29: {  	s4 =	sld [smem:$0x3FA8]  }
0x2a: {  	p0 =	seq.s32 s5, $0x0;
	s5 =	sld [smem:$0x3FA9]  }
0x2b: {  	s6 =	sld [smem:$0x3FAA]  }
0x2c: {  	s7 =	sld [smem:$0x3FAB]  }
0x2d: {  	s3 =	simm.s32 $0x108;
	s8 =	sld [smem:$0x3FAC]  }
0x2e: {  	s3 =	simm.s32 @!p0 $0x1082;
	s9 =	sld [smem:$0x3FAD]  }
0x2f: {  	lr =	sadd.s32 s0, s3;
	s0 =	sld [smem:$0x3FA4]  }
0x30: {  	s3 =	sld [smem:$0x3FA7]  }
0x31: {  	[smem:$0x3FB0] =	sst s10  }
0x32: {  	s10 =	sld [smem:$0x3FAE];
	_ =	sdelay $0x3  }
0x33: {  	p0 =	seq.s32 s10, $0x1;
	s10 =	sld [smem:$0x3FB0];
	_ =	sdelay $0x3  }
0x34: {  	[smem:$0x3FB0] =	sst s10  }
0x35: {  	s10 =	sld [smem:$0x3FAF];
	_ =	sdelay $0x3  }
0x36: {  	p1 =	seq.s32 s10, $0x1;
	s10 =	sld [smem:$0x3FB0];
	_ =	sdelay $0x3  }
0x37: {  	[smem:$0x3FB0] =	sst s10  }
0x38: {  	s10 =	sld [smem:$0x3FB1]  }
0x39: {  	_ = 	snop;
	(pc) =	sbr.ind lr, $3  }
0x3a: {  	_ = 	snop  }
0x3b: {  	_ = 	snop  }
0x3c: {  	p2 =	seq.s32 s10, $0x1;
	s10 =	sld [smem:$0x3FB0]  }
0x3d: {  	_ =	shalt  }
0x3e: {  	_ =	shalt  }
0x3f: {  	_ =	shalt  }
0x40: {  	_ =	shalt  }
0x41: {  	_ =	shalt  }
0x42: {  	_ =	shalt  }
0x43: {  	_ =	shalt  }
0x44: {  	_ =	shalt  }
0x45: {  	_ =	shalt  }
0x46: {  	_ =	shalt  }
0x47: {  	_ =	shalt  }
0x48: {  	_ =	shalt  }
0x49: {  	_ =	shalt  }
0x4a: {  	_ =	shalt  }
0x4b: {  	_ =	shalt  }
0x4c: {  	_ =	shalt  }
0x4d: {  	_ =	shalt  }
0x4e: {  	_ =	shalt  }
0x4f: {  	_ =	shalt  }
0x50: {  	_ =	shalt  }
0x51: {  	_ =	shalt  }
0x52: {  	_ =	shalt  }
0x53: {  	_ =	shalt  }
0x54: {  	_ =	shalt  }
0x55: {  	_ =	shalt  }
0x56: {  	_ =	shalt  }
0x57: {  	_ =	shalt  }
0x58: {  	_ =	shalt  }
0x59: {  	_ =	shalt  }
0x5a: {  	_ =	shalt  }
0x5b: {  	_ =	shalt  }
0x5c: {  	_ =	shalt  }
0x5d: {  	_ =	shalt  }
0x5e: {  	_ =	shalt  }
0x5f: {  	_ =	shalt  }
0x60: {  	_ =	shalt  }
0x61: {  	_ =	shalt  }
0x62: {  	_ =	shalt  }
0x63: {  	_ =	shalt  }
0x64: {  	_ =	shalt  }
0x65: {  	_ =	shalt  }
0x66: {  	_ =	shalt  }
0x67: {  	_ =	shalt  }
0x68: {  	_ =	shalt  }
0x69: {  	_ =	shalt  }
0x6a: {  	_ =	shalt  }
0x6b: {  	_ =	shalt  }
0x6c: {  	_ =	shalt  }
0x6d: {  	_ =	shalt  }
0x6e: {  	_ =	shalt  }
0x6f: {  	_ =	shalt  }
0x70: {  	_ =	shalt  }
0x71: {  	_ =	shalt  }
0x72: {  	_ =	shalt  }
0x73: {  	_ =	shalt  }
0x74: {  	_ =	shalt  }
0x75: {  	_ =	shalt  }
0x76: {  	_ =	shalt  }
0x77: {  	_ =	shalt  }
0x78: {  	_ =	shalt  }
0x79: {  	_ =	shalt  }
0x7a: {  	_ =	shalt  }
0x7b: {  	_ =	shalt  }
0x7c: {  	_ =	shalt  }
0x7d: {  	_ =	shalt  }
0x7e: {  	_ =	shalt  }
0x7f: {  	_ =	shalt  }
0x80: {  	_ =	shalt  }
0x81: {  	_ =	shalt  }
0x82: {  	_ =	shalt  }
0x83: {  	_ =	shalt  }
0x84: {  	_ =	shalt  }
0x85: {  	_ =	shalt  }
0x86: {  	_ =	shalt  }
0x87: {  	_ =	shalt  }
.Lfunc_end0:
.L_simem_size_0:
called_computation.1_lowered:
.L_overlay_start_0:
0x88: {  	s2 =	sld [smem:$0x3FD9]  }
0x89: {  	s3 =	sld [smem:$0x3FFE];
	_ =	sdelay $0x1  }
0x8a: {  	s1 =	srdreg.scid  }
0x8b: {  	s0 =	sand.u32 $0x1, s1  }
0x8c: {  	s16 =	sshll.u32 s0, $0xA;
	s2 =	sadd.s32 s3, s2  }
0x8d: {  	s2 =	sadd.s32 s2, s16  }
0x8e: {  	[smem:$0x3FBC] =	sst s2  }
0x8f: {  	_ = 	snop  }
0x90: {  	(tm) =	ssettm $0x1  }
0x91: {  	s17 =	sld [smem:$0x3FFB];
	_ =	sdelay $0x3  }
0x92: {  	_ =	strace s17  }
0x93: {  	s2 =	sld [smem:$0x3FFC];
	_ =	sdelay $0x3  }
0x94: {  	_ =	strace s2  }
0x95: {  	s2 =	sld [smem:$0x3FFD];
	_ =	sdelay $0x3  }
0x96: {  	_ =	strace s2  }
0x97: {  	_ =	strace $0x8FFFFFFF  }
0x98: {  	s18 =	sld [smem:$0x3FDB];
	_ =	sdelay $0x1  }
0x99: {  	s19 =	simm.s32 $_scs_section_size  }
0x9a: {  	s4 =	simm.s32 $_size__tile_overlayer_lowered;
	s5 =	simm.s32 $_tile_overlayer_lowered  }
0x9b: {  	s22 =	simm.s32 $0x1BFF;
	s21 =	sshll.u32 s5, $0x1;
	s2 =	sadd.s32 s19, s18  }
0x9c: {  	s6 =	simm.s32 $0x0;
	s20 =	sshll.u32 s4, $0x1;
	s4 =	sadd.s32 s21, s2  }
0x9d: {  	[timem:s6], [sflag:s22] =	dma.local [hbm:s4], s20  }
0x9e: {  	_ =	swait.ge [sflag:s22], s20  }
0x9f: {  	s3 =	ssub.s32 $0x0, s20;
	[sflag:s22] =	ssyncset.done $0x0  }
0xa0: {  	[sflag:s22] =	ssyncadd.s32 s3;
	_ =	sdelay $0x1  }
0xa1: {  	s23 =	simm.s32 $0x1B8B  }
0xa2: {  	_ =	swait.ge [sflag:s23], $0x1  }
0xa3: {  	[sflag:s23] =	ssyncset.done $0x0  }
0xa4: {  	s25 =	simm.s32 $0x1B8E;
	s24 =	sld [smem:$0x3FFE];
	[sflag:s23] =	ssyncadd.s32 $0xFFFFFFFF  }
0xa5: {  	s26 =	simm.s32 $execute0_lowered;
	[smem:$0x3FD2] =	sst s25  }
0xa6: {  	s4 =	sshll.u32 s26, $0x1;
	_ =	strace $0x80000049;
	[dreg:$0x1] =	wrdreg $0xFFFFFFFF  }
0xa7: {  	s28 =	simm.s32 $_size_execute0_lowered;
	s2 =	sadd.s32 s2, s4;
	[dreg:$0x0] =	wrdreg $0x0  }
0xa8: {  	s4 =	sshll.u32 s28, $0x1;
	[dreg:$0x2] =	wrdreg s2  }
0xa9: {  	[dreg:$0x3] =	wrdreg s4  }
0xaa: {  	[dreg:$0x4] =	wrdreg $0xC0  }
0xab: {  	_ =	task [dreg:s6], $0x5FFFF  }
0xac: {  	[dreg:$0x1] =	wrdreg $0xFFFFFFFF  }
0xad: {  	[dreg:$0x0] =	wrdreg $0x60  }
0xae: {  	[dreg:$0x2] =	wrdreg s24  }
0xaf: {  	[dreg:$0x3] =	wrdreg $0x9  }
0xb0: {  	_ =	task.clear_ibuf [dreg:s6], $0x4FFFF;
	_ =	strace $0x90000049  }
0xb1: {  	s29 =	simm.s32 $0x9;
	_ =	strace $0x8000004B  }
0xb2: {  	_ =	swait.ge [sflag:s29], $0x1  }
0xb3: {  	[sflag:s29] =	ssyncadd.s32 $0xFFFFFFFF  }
0xb4: {  	_ =	strace $0x9000004B  }
0xb5: {  	_ =	sfence  }
0xb6: {  	s30 =	sld [smem:$0x0];
	_ =	sdelay $0x2  }
0xb7: {  	s31 =	sshll.u32 s1, $0xD;
	s1 =	sshrl.u32 s1, $0x2  }
0xb8: {  	s3 =	sand.u32 $0x4000, s31;
	s1 =	sadd.s32 s1, s30  }
0xb9: {  	s0 =	sor.u32 s3, s0;
	s1 =	sshll.u32 s1, $0x11  }
0xba: {  	s0 =	sor.u32 s1, s0  }
0xbb: {  	s0 =	sadd.s32 $0x8F2B, s0  }
0xbc: {  	[sflag:s0] =	ssyncadd.remote.s32 $0x1  }
0xbd: {  	_ =	sfence.sel $0xFFFF  }
0xbe: {  	[dreg:$0x0] =	wrdreg $0xFFFFFFFF;
	(pc) =	sbr.abs _section_cstart, $3  }
0xbf: {  	[dreg:$0x1] =	wrdreg $0xFFFFFFFF  }
0xc0: {  	_ =	task.clear_ibuf [dreg:s6], $0x2FFFF;
	_ =	strace $0x9FFFFFFF  }
0xc1: {  	(tm) =	ssettm $0x7FFFFFFF  }
tec
execute0_lowered:
.L_overlay_start_1:
0x0: {  	(tag) =	ssettag $0x1  }
0x1: {  	s0 =	srdreg.scid  }
0x2: {  	s2 =	simm.s32 $0x0;
	s4 =	sand.u32 $0x1, s0;
	s0 =	rddreg [dreg:$0x0]  }
0x3: {  	s23 =	simm.s32 $0xC80;
	[smem:$0x7FF] =	sst s2  }
0x4: {  	s24 =	simm.s32 $0x1480;
	_ =	strace $0x8000004A;
	[dreg:$0x5] =	wrdreg s23  }
0x5: {  	s25 =	simm.s32 $0x1C80;
	[dreg:$0x6] =	wrdreg s24  }
0x6: {  	s26 =	simm.s32 $0x2480;
	[dreg:$0x7] =	wrdreg s25  }
0x7: {  	s8 =	simm.s32 $0x4C80;
	[dreg:$0x8] =	wrdreg s26  }
0x8: {  	s9 =	simm.s32 $0x5480;
	[dreg:$0xd] =	wrdreg s8  }
0x9: {  	s10 =	simm.s32 $0x5C80;
	[dreg:$0xe] =	wrdreg s9  }
0xa: {  	s11 =	simm.s32 $0x6480;
	[dreg:$0xf] =	wrdreg s10  }
0xb: {  	s1 =	stileid.u32;
	s12 =	simm.s32 $0x6C80;
	[dreg:$0x10] =	wrdreg s11  }
0xc: {  	s13 =	simm.s32 $0x7480;
	s14 =	simm.s32 $0x7C80;
	[dreg:$0x11] =	wrdreg s12  }
0xd: {  	s15 =	simm.s32 $0x8480;
	s16 =	simm.s32 $0x8C80;
	[dreg:$0x12] =	wrdreg s13  }
0xe: {  	s17 =	simm.s32 $0x9480;
	s18 =	simm.s32 $0x9C80;
	[dreg:$0x13] =	wrdreg s14  }
0xf: {  	v0 =	vlaneseq.u32;
	s20 =	simm.s32 $0xA480;
	s28 =	simm.s32 $0x16C80;
	[dreg:$0x14] =	wrdreg s15  }
0x10: {  	s29 =	simm.s32 $0x17480;
	s30 =	simm.s32 $0x17C80;
	v1 =	vmul.u32 $0x8, v0;
	[dreg:$0x15] =	wrdreg s16  }
0x11: {  	s31 =	simm.s32 $0x1;
	s3 =	sshll.u32 s4, $0x4;
	[dreg:$0x16] =	wrdreg s17  }
0x12: {  	vm0 =	vmmov $0xffff;
	s7 =	sadd.s32 $0x34200, s0;
	s4 =	ssub.s32 $0x2, s4;
	[dreg:$0x17] =	wrdreg s18;
	v2 =	vor.u32 $0x1, v1;
	v10 =	vor.u32 $0x81, v1  }
0x13: {  	[dreg:$0x18] =	wrdreg s20;
	s23 =	simm.s32 $0xBC80;
	s24 =	simm.s32 $0xCC80;
	v11 =	vor.u32 $0x82, v1;
	v12 =	vor.u32 $0x83, v1;
	v13 =	vor.u32 $0x84, v1  }
0x14: {  	s25 =	simm.s32 $0xD480;
	s8 =	simm.s32 $0x480;
	s26 =	simm.s32 $0xDC80;
	v14 =	vor.u32 $0x85, v1;
	v15 =	vor.u32 $0x86, v1;
	v16 =	vor.u32 $0x87, v1  }
0x15: {  	s9 =	simm.s32 $0xC480;
	s11 =	simm.s32 $0xEC80;
	s12 =	simm.s32 $0xF480;
	v17 =	vor.u32 $0x100, v1;
	v18 =	vor.u32 $0x101, v1;
	v19 =	vor.u32 $0x102, v1  }
0x16: {  	s13 =	simm.s32 $0xFC80;
	s14 =	simm.s32 $0x10480;
	s15 =	simm.s32 $0x10C80;
	v20 =	vor.u32 $0x103, v1;
	v21 =	vor.u32 $0x104, v1;
	v22 =	vor.u32 $0x105, v1  }
0x17: {  	s16 =	simm.s32 $0x11480;
	s17 =	simm.s32 $0x11C80;
	v23 =	vor.u32 $0x106, v1;
	v24 =	vor.u32 $0x107, v1;
	v25 =	vor.u32 $0x180, v1;
	[dreg:$0x1b] =	wrdreg s23  }
0x18: {  	s18 =	simm.s32 $0x12480;
	s20 =	simm.s32 $0x13480;
	v26 =	vor.u32 $0x181, v1;
	v27 =	vor.u32 $0x182, v1;
	v28 =	vor.u32 $0x183, v1;
	[dreg:$0x1c] =	wrdreg s24  }
0x19: {  	s3 =	sor.u32 s1, s3;
	s1 =	simm.s32 $0x2C80;
	v29 =	vor.u32 $0x184, v1;
	v30 =	vor.u32 $0x185, v1;
	v31 =	vor.u32 $0x186, v1;
	[dreg:$0x1d] =	wrdreg s25  }
0x1a: {  	s19 =	sshrl.u32 s4, $0x1;
	v32 =	vor.u32 $0x187, v1;
	v33 =	vor.u32 $0x200, v1;
	v34 =	vor.u32 $0x201, v1;
	[dreg:$0x1e] =	wrdreg s26;
	s23 =	simm.s32 $0x14C80  }
0x1b: {  	v35 =	vor.u32 $0x202, v1;
	v36 =	vor.u32 $0x203, v1;
	v37 =	vor.u32 $0x204, v1;
	s24 =	simm.s32 $0x15480;
	s5 =	sshll.u32 s3, $0x7;
	s6 =	smul.u32 $0x18000, s3  }
0x1c: {  	v38 =	vor.u32 $0x205, v1;
	v39 =	vor.u32 $0x206, v1;
	v40 =	vor.u32 $0x207, v1;
	s25 =	simm.s32 $0x15C80;
	s3 =	smul.u32 $0x3000, s3;
	s5 =	sadd.s32 s5, s0  }
0x1d: {  	v41 =	vor.u32 $0x280, v1;
	v42 =	vor.u32 $0x281, v1;
	v43 =	vor.u32 $0x282, v1;
	s26 =	simm.s32 $0x16480;
	[dreg:$0x9] =	wrdreg s1;
	s5 =	sadd.s32 $0x2C00, s5  }
0x1e: {  	v44 =	vor.u32 $0x283, v1;
	v45 =	vor.u32 $0x284, v1;
	v46 =	vor.u32 $0x285, v1;
	s6 =	sshrl.u32 s6, $0x3;
	s3 =	sadd.s32 s7, s3;
	[dreg:$0x2] =	wrdreg s5  }
0x1f: {  	v47 =	vor.u32 $0x286, v1;
	v48 =	vor.u32 $0x287, v1;
	[tilespmem:$0x1FF80] =	vst v2;
	v2 =	vor.u32 $0x2, v1;
	s21 =	sadd.s32 s7, s6;
	[dreg:$0x3] =	wrdreg s3;
	s5 =	simm.s32 $0x3480  }
0x20: {  	v49 =	vor.u32 $0x300, v1;
	v50 =	vor.u32 $0x301, v1;
	[tilespmem:$0x1FF90] =	vst v2;
	v2 =	vor.u32 $0x3, v1;
	s6 =	simm.s32 $0x3C80;
	s7 =	simm.s32 $0x4480;
	[dreg:$0xa] =	wrdreg s5  }
0x21: {  	v51 =	vor.u32 $0x302, v1;
	v52 =	vor.u32 $0x303, v1;
	[tilespmem:$0x1FFA0] =	vst v2;
	v2 =	vor.u32 $0x4, v1;
	s3 =	sadd.s32 $0x3C00, s0;
	s22 =	sadd.s32 $0x1800, s21;
	[dreg:$0xb] =	wrdreg s6  }
0x22: {  	v53 =	vor.u32 $0x304, v1;
	v54 =	vor.u32 $0x305, v1;
	[tilespmem:$0x1FFB0] =	vst v2;
	v2 =	vor.u32 $0x5, v1;
	[dreg:$0xc] =	wrdreg s7;
	s6 =	ssub.s32 s4, s19;
	s21 =	simm.s32 $0xAC80  }
0x23: {  	v55 =	vor.u32 $0x306, v1;
	v56 =	vor.u32 $0x307, v1;
	[tilespmem:$0x1FFC0] =	vst v2;
	v2 =	vor.u32 $0x6, v1;
	s4 =	sadd.s32 $0x3D00, s0;
	s5 =	sadd.s32 $0x3E00, s0;
	s7 =	simm.s32 $0x3  }
0x24: {  	v57 =	vor.u32 $0x380, v1;
	v58 =	vor.u32 $0x381, v1;
	s19 =	simm.s32 $0x12C80;
	s0 =	simm.s32 $0x2;
	[dreg:$0x4] =	wrdreg s22;
	[tilespmem:$0x1FFD0] =	vst v2;
	v2 =	vor.u32 $0x7, v1  }
0x25: {  	v59 =	vor.u32 $0x382, v1;
	v60 =	vor.u32 $0x383, v1;
	[dreg:$0x19] =	wrdreg s21;
	s22 =	simm.s32 $0xB480;
	s6 =	smax.u32 s6, $0x1;
	[tilespmem:$0x1FFE0] =	vst v2;
	v2 =	vor.u32 $0x80, v1  }
0x26: {  	v61 =	vor.u32 $0x384, v1;
	v62 =	vor.u32 $0x385, v1;
	v63 =	vor.u32 $0x386, v1;
	s21 =	simm.s32 $0x13C80;
	[dreg:$0x1a] =	wrdreg s22;
	s22 =	simm.s32 $0x14480;
	[tilespmem:$0x1FFF0] =	vst v2  }
.LBB2_1:
0x27: {  	s1 =	rddreg [dreg:$0x2]  }
0x28: {  	[tilespmem:s2], [sflag:$0x3] =	stream.linear.gather [hbm4b:s1+s2], $0x400, $0x38;
	[tilespmem:$0x18480] =	vst v63  }
0x29: {  	_ =	swait.ge [sflag:s7], $0x400  }
0x2a: {  	v3 =	vld [tilespmem:$0x1FF80];
	_ =	sdelay $0x4  }
0x2b: {  	[sflag:s7] =	ssyncset.done $0x0  }
0x2c: {  	[sflag:s7] =	ssyncadd.s32 $0xFFFFFC00  }
0x2d: {  	v2 =	vld.idx.msk [tilespmem:v1+s2+$0x0], $0xffff  }
0x2e: {  	v3 =	vld.idx.msk [tilespmem:v3+s2+$0x0], $0xffff;
	_ =	sdelay $0x1  }
0x2f: {  	v4 =	vld [tilespmem:$0x1FF90];
	_ =	sdelay $0x1  }
0x30: {  	v5 =	vld [tilespmem:$0x1FFA0]  }
0x31: {  	vm1 =	vlt.s32 v2, v3  }
0x32: {  	v2 =	vsel vm1, v2, v3;
	v3 =	vld [tilespmem:$0x1FFB0];
	_ =	sdelay $0x3  }
0x33: {  	v4 =	vld.idx.msk [tilespmem:v4+s2+$0x0], $0xffff;
	_ =	sdelay $0x1  }
0x34: {  	v5 =	vld.idx.msk [tilespmem:v5+s2+$0x0], $0xffff;
	_ =	sdelay $0x1  }
0x35: {  	v3 =	vld.idx.msk [tilespmem:v3+s2+$0x0], $0xffff  }
0x36: {  	vm1 =	vlt.s32 v2, v4  }
0x37: {  	v2 =	vsel vm1, v2, v4;
	v4 =	vld [tilespmem:$0x1FFC0]  }
0x38: {  	vm1 =	vlt.s32 v2, v5  }
0x39: {  	v2 =	vsel vm1, v2, v5;
	v5 =	vld [tilespmem:$0x1FFD0]  }
0x3a: {  	vm1 =	vlt.s32 v2, v3  }
0x3b: {  	v2 =	vsel vm1, v2, v3;
	v3 =	vld [tilespmem:$0x1FFE0];
	_ =	sdelay $0x3  }
0x3c: {  	v4 =	vld.idx.msk [tilespmem:v4+s2+$0x0], $0xffff;
	_ =	sdelay $0x1  }
0x3d: {  	v5 =	vld.idx.msk [tilespmem:v5+s2+$0x0], $0xffff;
	_ =	sdelay $0x1  }
0x3e: {  	v3 =	vld.idx.msk [tilespmem:v3+s2+$0x0], $0xffff  }
0x3f: {  	vm1 =	vlt.s32 v2, v4  }
0x40: {  	v2 =	vsel vm1, v2, v4  }
0x41: {  	vm1 =	vlt.s32 v2, v5  }
0x42: {  	v2 =	vsel vm1, v2, v5  }
0x43: {  	vm1 =	vlt.s32 v2, v3  }
0x44: {  	v2 =	vsel vm1, v2, v3;
	v3 =	vld [tilespmem:$0x1FFF0];
	_ =	sdelay $0x5  }
0x45: {  	[tilespmem:$0x400] =	vst v2  }
0x46: {  	v4 =	vld.idx.msk [tilespmem:v10+s2+$0x0], $0xffff  }
0x47: {  	v3 =	vld.idx.msk [tilespmem:v3+s2+$0x0], $0xffff;
	_ =	sdelay $0x1  }
0x48: {  	v5 =	vld.idx.msk [tilespmem:v11+s2+$0x0], $0xffff;
	_ =	sdelay $0x1  }
0x49: {  	v6 =	vld.idx.msk [tilespmem:v12+s2+$0x0], $0xffff  }
0x4a: {  	vm1 =	vlt.s32 v3, v4  }
0x4b: {  	v3 =	vsel vm1, v3, v4;
	v4 =	vld.idx.msk [tilespmem:v13+s2+$0x0], $0xffff  }
0x4c: {  	vm1 =	vlt.s32 v3, v5  }
0x4d: {  	v3 =	vsel vm1, v3, v5;
	v5 =	vld.idx.msk [tilespmem:v14+s2+$0x0], $0xffff  }
0x4e: {  	vm1 =	vlt.s32 v3, v6  }
0x4f: {  	v3 =	vsel vm1, v3, v6;
	v6 =	vld.idx.msk [tilespmem:v15+s2+$0x0], $0xffff  }
0x50: {  	vm1 =	vlt.s32 v3, v4  }
0x51: {  	v3 =	vsel vm1, v3, v4;
	v4 =	vld.idx.msk [tilespmem:v16+s2+$0x0], $0xffff  }
0x52: {  	vm1 =	vlt.s32 v3, v5  }
0x53: {  	v3 =	vsel vm1, v3, v5  }
0x54: {  	vm1 =	vlt.s32 v3, v6  }
0x55: {  	v3 =	vsel vm1, v3, v6  }
0x56: {  	vm1 =	vlt.s32 v3, v4  }
0x57: {  	v3 =	vsel vm1, v3, v4  }
0x58: {  	[tilespmem:$0x410] =	vst v3  }
0x59: {  	v3 =	vld.idx.msk [tilespmem:v17+s2+$0x0], $0xffff  }
0x5a: {  	v4 =	vld.idx.msk [tilespmem:v18+s2+$0x0], $0xffff;
	_ =	sdelay $0x1  }
0x5b: {  	v5 =	vld.idx.msk [tilespmem:v19+s2+$0x0], $0xffff;
	_ =	sdelay $0x1  }
0x5c: {  	v6 =	vld.idx.msk [tilespmem:v20+s2+$0x0], $0xffff  }
0x5d: {  	vm1 =	vlt.s32 v3, v4  }
0x5e: {  	v3 =	vsel vm1, v3, v4;
	v4 =	vld.idx.msk [tilespmem:v21+s2+$0x0], $0xffff  }
0x5f: {  	vm1 =	vlt.s32 v3, v5  }
0x60: {  	v3 =	vsel vm1, v3, v5;
	v5 =	vld.idx.msk [tilespmem:v22+s2+$0x0], $0xffff  }
0x61: {  	vm1 =	vlt.s32 v3, v6  }
0x62: {  	v3 =	vsel vm1, v3, v6;
	v6 =	vld.idx.msk [tilespmem:v23+s2+$0x0], $0xffff  }
0x63: {  	vm1 =	vlt.s32 v3, v4  }
0x64: {  	v3 =	vsel vm1, v3, v4;
	v4 =	vld.idx.msk [tilespmem:v24+s2+$0x0], $0xffff  }
0x65: {  	vm1 =	vlt.s32 v3, v5  }
0x66: {  	v3 =	vsel vm1, v3, v5  }
0x67: {  	vm1 =	vlt.s32 v3, v6  }
0x68: {  	v3 =	vsel vm1, v3, v6  }
0x69: {  	vm1 =	vlt.s32 v3, v4  }
0x6a: {  	v3 =	vsel vm1, v3, v4  }
0x6b: {  	[tilespmem:$0x420] =	vst v3  }
0x6c: {  	v3 =	vld.idx.msk [tilespmem:v25+s2+$0x0], $0xffff  }
0x6d: {  	v4 =	vld.idx.msk [tilespmem:v26+s2+$0x0], $0xffff;
	_ =	sdelay $0x1  }
0x6e: {  	v5 =	vld.idx.msk [tilespmem:v27+s2+$0x0], $0xffff;
	_ =	sdelay $0x1  }
0x6f: {  	v6 =	vld.idx.msk [tilespmem:v28+s2+$0x0], $0xffff  }
0x70: {  	vm1 =	vlt.s32 v3, v4  }
0x71: {  	v3 =	vsel vm1, v3, v4;
	v4 =	vld.idx.msk [tilespmem:v29+s2+$0x0], $0xffff  }
0x72: {  	vm1 =	vlt.s32 v3, v5  }
0x73: {  	v3 =	vsel vm1, v3, v5;
	v5 =	vld.idx.msk [tilespmem:v30+s2+$0x0], $0xffff  }
0x74: {  	vm1 =	vlt.s32 v3, v6  }
0x75: {  	v3 =	vsel vm1, v3, v6;
	v6 =	vld.idx.msk [tilespmem:v31+s2+$0x0], $0xffff  }
0x76: {  	vm1 =	vlt.s32 v3, v4  }
0x77: {  	v3 =	vsel vm1, v3, v4;
	v4 =	vld.idx.msk [tilespmem:v32+s2+$0x0], $0xffff  }
0x78: {  	vm1 =	vlt.s32 v3, v5  }
0x79: {  	v3 =	vsel vm1, v3, v5  }
0x7a: {  	vm1 =	vlt.s32 v3, v6  }
0x7b: {  	v3 =	vsel vm1, v3, v6  }
0x7c: {  	vm1 =	vlt.s32 v3, v4  }
0x7d: {  	v3 =	vsel vm1, v3, v4  }
0x7e: {  	[tilespmem:$0x430] =	vst v3  }
0x7f: {  	v3 =	vld.idx.msk [tilespmem:v33+s2+$0x0], $0xffff  }
0x80: {  	v4 =	vld.idx.msk [tilespmem:v34+s2+$0x0], $0xffff;
	_ =	sdelay $0x1  }
0x81: {  	v5 =	vld.idx.msk [tilespmem:v35+s2+$0x0], $0xffff;
	_ =	sdelay $0x1  }
0x82: {  	v6 =	vld.idx.msk [tilespmem:v36+s2+$0x0], $0xffff  }
0x83: {  	vm1 =	vlt.s32 v3, v4  }
0x84: {  	v3 =	vsel vm1, v3, v4;
	v4 =	vld.idx.msk [tilespmem:v37+s2+$0x0], $0xffff  }
0x85: {  	vm1 =	vlt.s32 v3, v5  }
0x86: {  	v3 =	vsel vm1, v3, v5;
	v5 =	vld.idx.msk [tilespmem:v38+s2+$0x0], $0xffff  }
0x87: {  	vm1 =	vlt.s32 v3, v6  }
0x88: {  	v3 =	vsel vm1, v3, v6;
	v6 =	vld.idx.msk [tilespmem:v39+s2+$0x0], $0xffff  }
0x89: {  	vm1 =	vlt.s32 v3, v4  }
0x8a: {  	v3 =	vsel vm1, v3, v4;
	v4 =	vld.idx.msk [tilespmem:v40+s2+$0x0], $0xffff  }
0x8b: {  	vm1 =	vlt.s32 v3, v5  }
0x8c: {  	v3 =	vsel vm1, v3, v5  }
0x8d: {  	vm1 =	vlt.s32 v3, v6  }
0x8e: {  	v3 =	vsel vm1, v3, v6  }
0x8f: {  	vm1 =	vlt.s32 v3, v4  }
0x90: {  	v3 =	vsel vm1, v3, v4  }
0x91: {  	[tilespmem:$0x440] =	vst v3  }
0x92: {  	v3 =	vld.idx.msk [tilespmem:v41+s2+$0x0], $0xffff  }
0x93: {  	v4 =	vld.idx.msk [tilespmem:v42+s2+$0x0], $0xffff;
	_ =	sdelay $0x1  }
0x94: {  	v5 =	vld.idx.msk [tilespmem:v43+s2+$0x0], $0xffff;
	_ =	sdelay $0x1  }
0x95: {  	v6 =	vld.idx.msk [tilespmem:v44+s2+$0x0], $0xffff  }
0x96: {  	vm1 =	vlt.s32 v3, v4  }
0x97: {  	v3 =	vsel vm1, v3, v4;
	v4 =	vld.idx.msk [tilespmem:v45+s2+$0x0], $0xffff  }
0x98: {  	vm1 =	vlt.s32 v3, v5  }
0x99: {  	v3 =	vsel vm1, v3, v5;
	v5 =	vld.idx.msk [tilespmem:v46+s2+$0x0], $0xffff  }
0x9a: {  	vm1 =	vlt.s32 v3, v6  }
0x9b: {  	v3 =	vsel vm1, v3, v6;
	v6 =	vld.idx.msk [tilespmem:v47+s2+$0x0], $0xffff  }
0x9c: {  	vm1 =	vlt.s32 v3, v4  }
0x9d: {  	v3 =	vsel vm1, v3, v4;
	v4 =	vld.idx.msk [tilespmem:v48+s2+$0x0], $0xffff  }
0x9e: {  	vm1 =	vlt.s32 v3, v5  }
0x9f: {  	v3 =	vsel vm1, v3, v5  }
0xa0: {  	vm1 =	vlt.s32 v3, v6  }
0xa1: {  	v3 =	vsel vm1, v3, v6  }
0xa2: {  	vm1 =	vlt.s32 v3, v4  }
0xa3: {  	v3 =	vsel vm1, v3, v4  }
0xa4: {  	[tilespmem:$0x450] =	vst v3  }
0xa5: {  	v3 =	vld.idx.msk [tilespmem:v49+s2+$0x0], $0xffff  }
0xa6: {  	v4 =	vld.idx.msk [tilespmem:v50+s2+$0x0], $0xffff;
	_ =	sdelay $0x1  }
0xa7: {  	v5 =	vld.idx.msk [tilespmem:v51+s2+$0x0], $0xffff;
	_ =	sdelay $0x1  }
0xa8: {  	v6 =	vld.idx.msk [tilespmem:v52+s2+$0x0], $0xffff  }
0xa9: {  	vm1 =	vlt.s32 v3, v4  }
0xaa: {  	v3 =	vsel vm1, v3, v4;
	v4 =	vld.idx.msk [tilespmem:v53+s2+$0x0], $0xffff  }
0xab: {  	vm1 =	vlt.s32 v3, v5  }
0xac: {  	v3 =	vsel vm1, v3, v5;
	v5 =	vld.idx.msk [tilespmem:v54+s2+$0x0], $0xffff  }
0xad: {  	vm1 =	vlt.s32 v3, v6  }
0xae: {  	v3 =	vsel vm1, v3, v6;
	v6 =	vld.idx.msk [tilespmem:v55+s2+$0x0], $0xffff  }
0xaf: {  	vm1 =	vlt.s32 v3, v4  }
0xb0: {  	v3 =	vsel vm1, v3, v4;
	v4 =	vld.idx.msk [tilespmem:v56+s2+$0x0], $0xffff  }
0xb1: {  	vm1 =	vlt.s32 v3, v5  }
0xb2: {  	v3 =	vsel vm1, v3, v5  }
0xb3: {  	vm1 =	vlt.s32 v3, v6  }
0xb4: {  	v3 =	vsel vm1, v3, v6  }
0xb5: {  	vm1 =	vlt.s32 v3, v4  }
0xb6: {  	v3 =	vsel vm1, v3, v4  }
0xb7: {  	[tilespmem:$0x460] =	vst v3  }
0xb8: {  	v3 =	vld.idx.msk [tilespmem:v57+s2+$0x0], $0xffff  }
0xb9: {  	v4 =	vld.idx.msk [tilespmem:v58+s2+$0x0], $0xffff;
	_ =	sdelay $0x1  }
0xba: {  	v5 =	vld.idx.msk [tilespmem:v59+s2+$0x0], $0xffff;
	_ =	sdelay $0x1  }
0xbb: {  	v6 =	vld.idx.msk [tilespmem:v60+s2+$0x0], $0xffff  }
0xbc: {  	vm1 =	vlt.s32 v3, v4  }
0xbd: {  	v3 =	vsel vm1, v3, v4;
	v4 =	vld.idx.msk [tilespmem:v61+s2+$0x0], $0xffff  }
0xbe: {  	vm1 =	vlt.s32 v3, v5  }
0xbf: {  	v3 =	vsel vm1, v3, v5;
	v5 =	vor.u32 $0x387, v1  }
0xc0: {  	v7 =	vld.idx.msk [tilespmem:v62+s2+$0x0], $0xffff;
	vm1 =	vlt.s32 v3, v6  }
0xc1: {  	v3 =	vsel vm1, v3, v6;
	v6 =	vshrl.u32 v2, $0x3  }
0xc2: {  	v8 =	vld.idx.msk [tilespmem:v63+s2+$0x0], $0xffff;
	vm1 =	vlt.s32 v3, v4;
	v6 =	vmul.u32 $0x30, v6  }
0xc3: {  	v2 =	vand.u32 $0x7, v2;
	v4 =	vsel vm1, v3, v4  }
0xc4: {  	v3 =	vshrl.u32 v0, $0x3;
	v5 =	vld.idx.msk [tilespmem:v5+s2+$0x0], $0xffff;
	v6 =	vor.u32 v2, v6;
	v2 =	vand.u32 $0x7, v0  }
0xc5: {  	vm1 =	vlt.s32 v4, v7;
	v3 =	vmul.u32 $0x8, v3;
	v9 =	vperm.xlane v6, v2  }
0xc6: {  	v4 =	vsel vm1, v4, v7  }
0xc7: {  	vm1 =	vlt.s32 v4, v8;
	v7 =	vadd.s32 v3, v9  }
0xc8: {  	v4 =	vsel vm1, v4, v8  }
0xc9: {  	vm1 =	vlt.s32 v4, v5  }
0xca: {  	v5 =	vsel vm1, v4, v5;
	v4 =	vor.u32 $0x8, v0  }
0xcb: {  	[tilespmem:$0x470] =	vst v5;
	v5 =	vperm.xlane v6, v4  }
0xcc: {  	[tilespmem:s8], [sflag:$0x1] =	stream.indirect_vreg.gather [hbm4b:s3+s2], $0x80, v7, vm0, $0xb8;
	[tilespmem:$0x18480] =	vst v63  }
0xcd: {  	s1 =	rddreg [dreg:$0x5];
	v5 =	vadd.s32 v3, v5  }
0xce: {  	[tilespmem:s1], [sflag:$0x1] =	stream.indirect_vreg.gather [hbm4b:s4+s2], $0x80, v7, vm0, $0xb8;
	[tilespmem:$0x18480] =	vst v63  }
0xcf: {  	s10 =	rddreg [dreg:$0x6]  }
0xd0: {  	[tilespmem:s10], [sflag:$0x1] =	stream.indirect_vreg.gather [hbm4b:s5+s2], $0x80, v7, vm0, $0xb8;
	[tilespmem:$0x18480] =	vst v63  }
0xd1: {  	s1 =	rddreg [dreg:$0x7]  }
0xd2: {  	[tilespmem:s1], [sflag:$0x1] =	stream.indirect_vreg.gather [hbm4b:s3+s2], $0x80, v5, vm0, $0xb8;
	[tilespmem:$0x18480] =	vst v63  }
0xd3: {  	s10 =	rddreg [dreg:$0x8]  }
0xd4: {  	[tilespmem:s10], [sflag:$0x1] =	stream.indirect_vreg.gather [hbm4b:s4+s2], $0x80, v5, vm0, $0xb8;
	[tilespmem:$0x18480] =	vst v63  }
0xd5: {  	s1 =	rddreg [dreg:$0x9]  }
0xd6: {  	[tilespmem:s1], [sflag:$0x1] =	stream.indirect_vreg.gather [hbm4b:s5+s2], $0x80, v5, vm0, $0xb8;
	[tilespmem:$0x18480] =	vst v63  }
0xd7: {  	v5 =	vld [tilespmem:$0x410];
	_ =	sdelay $0x4  }
0xd8: {  	v6 =	vshrl.u32 v5, $0x3  }
0xd9: {  	v6 =	vmul.u32 $0x30, v6  }
0xda: {  	v5 =	vand.u32 $0x7, v5  }
0xdb: {  	v5 =	vor.u32 v5, v6  }
0xdc: {  	v6 =	vperm.xlane v5, v2;
	_ =	sdelay $0x1  }
0xdd: {  	v6 =	vadd.s32 v3, v6;
	_ =	sdelay $0x3  }
0xde: {  	s1 =	rddreg [dreg:$0xa];
	v5 =	vperm.xlane v5, v4  }
0xdf: {  	[tilespmem:s1], [sflag:$0x1] =	stream.indirect_vreg.gather [hbm4b:s3+s2], $0x80, v6, vm0, $0xb8;
	[tilespmem:$0x18480] =	vst v63  }
0xe0: {  	s10 =	rddreg [dreg:$0xb];
	v5 =	vadd.s32 v3, v5  }
0xe1: {  	[tilespmem:s10], [sflag:$0x1] =	stream.indirect_vreg.gather [hbm4b:s4+s2], $0x80, v6, vm0, $0xb8;
	[tilespmem:$0x18480] =	vst v63  }
0xe2: {  	s1 =	rddreg [dreg:$0xc]  }
0xe3: {  	[tilespmem:s1], [sflag:$0x1] =	stream.indirect_vreg.gather [hbm4b:s5+s2], $0x80, v6, vm0, $0xb8;
	[tilespmem:$0x18480] =	vst v63  }
0xe4: {  	s10 =	rddreg [dreg:$0xd]  }
0xe5: {  	[tilespmem:s10], [sflag:$0x1] =	stream.indirect_vreg.gather [hbm4b:s3+s2], $0x80, v5, vm0, $0xb8;
	[tilespmem:$0x18480] =	vst v63  }
0xe6: {  	s1 =	rddreg [dreg:$0xe]  }
0xe7: {  	[tilespmem:s1], [sflag:$0x1] =	stream.indirect_vreg.gather [hbm4b:s4+s2], $0x80, v5, vm0, $0xb8;
	[tilespmem:$0x18480] =	vst v63  }
0xe8: {  	s10 =	rddreg [dreg:$0xf]  }
0xe9: {  	[tilespmem:s10], [sflag:$0x1] =	stream.indirect_vreg.gather [hbm4b:s5+s2], $0x80, v5, vm0, $0xb8;
	[tilespmem:$0x18480] =	vst v63  }
0xea: {  	v5 =	vld [tilespmem:$0x420];
	_ =	sdelay $0x4  }
0xeb: {  	v6 =	vshrl.u32 v5, $0x3  }
0xec: {  	v6 =	vmul.u32 $0x30, v6  }
0xed: {  	v5 =	vand.u32 $0x7, v5  }
0xee: {  	v5 =	vor.u32 v5, v6  }
0xef: {  	v6 =	vperm.xlane v5, v2;
	_ =	sdelay $0x1  }
0xf0: {  	v6 =	vadd.s32 v3, v6;
	_ =	sdelay $0x3  }
0xf1: {  	s1 =	rddreg [dreg:$0x10];
	v5 =	vperm.xlane v5, v4  }
0xf2: {  	[tilespmem:s1], [sflag:$0x1] =	stream.indirect_vreg.gather [hbm4b:s3+s2], $0x80, v6, vm0, $0xb8;
	[tilespmem:$0x18480] =	vst v63  }
0xf3: {  	s10 =	rddreg [dreg:$0x11];
	v5 =	vadd.s32 v3, v5  }
0xf4: {  	[tilespmem:s10], [sflag:$0x1] =	stream.indirect_vreg.gather [hbm4b:s4+s2], $0x80, v6, vm0, $0xb8;
	[tilespmem:$0x18480] =	vst v63  }
0xf5: {  	s1 =	rddreg [dreg:$0x12]  }
0xf6: {  	[tilespmem:s1], [sflag:$0x1] =	stream.indirect_vreg.gather [hbm4b:s5+s2], $0x80, v6, vm0, $0xb8;
	[tilespmem:$0x18480] =	vst v63  }
0xf7: {  	s10 =	rddreg [dreg:$0x13]  }
0xf8: {  	[tilespmem:s10], [sflag:$0x1] =	stream.indirect_vreg.gather [hbm4b:s3+s2], $0x80, v5, vm0, $0xb8;
	[tilespmem:$0x18480] =	vst v63  }
0xf9: {  	s1 =	rddreg [dreg:$0x14]  }
0xfa: {  	[tilespmem:s1], [sflag:$0x1] =	stream.indirect_vreg.gather [hbm4b:s4+s2], $0x80, v5, vm0, $0xb8;
	[tilespmem:$0x18480] =	vst v63  }
0xfb: {  	s10 =	rddreg [dreg:$0x15]  }
0xfc: {  	[tilespmem:s10], [sflag:$0x1] =	stream.indirect_vreg.gather [hbm4b:s5+s2], $0x80, v5, vm0, $0xb8;
	[tilespmem:$0x18480] =	vst v63  }
0xfd: {  	v5 =	vld [tilespmem:$0x430];
	_ =	sdelay $0x4  }
0xfe: {  	v6 =	vshrl.u32 v5, $0x3  }
0xff: {  	v6 =	vmul.u32 $0x30, v6  }
0x100: {  	v5 =	vand.u32 $0x7, v5  }
0x101: {  	v5 =	vor.u32 v5, v6  }
0x102: {  	v6 =	vperm.xlane v5, v2;
	_ =	sdelay $0x1  }
0x103: {  	v6 =	vadd.s32 v3, v6;
	_ =	sdelay $0x3  }
0x104: {  	s1 =	rddreg [dreg:$0x16];
	v5 =	vperm.xlane v5, v4  }
0x105: {  	[tilespmem:s1], [sflag:$0x1] =	stream.indirect_vreg.gather [hbm4b:s3+s2], $0x80, v6, vm0, $0xb8;
	[tilespmem:$0x18480] =	vst v63  }
0x106: {  	s10 =	rddreg [dreg:$0x17];
	v5 =	vadd.s32 v3, v5  }
0x107: {  	[tilespmem:s10], [sflag:$0x1] =	stream.indirect_vreg.gather [hbm4b:s4+s2], $0x80, v6, vm0, $0xb8;
	[tilespmem:$0x18480] =	vst v63  }
0x108: {  	s1 =	rddreg [dreg:$0x18]  }
0x109: {  	[tilespmem:s1], [sflag:$0x1] =	stream.indirect_vreg.gather [hbm4b:s5+s2], $0x80, v6, vm0, $0xb8;
	[tilespmem:$0x18480] =	vst v63  }
0x10a: {  	s10 =	rddreg [dreg:$0x19]  }
0x10b: {  	[tilespmem:s10], [sflag:$0x1] =	stream.indirect_vreg.gather [hbm4b:s3+s2], $0x80, v5, vm0, $0xb8;
	[tilespmem:$0x18480] =	vst v63  }
0x10c: {  	s1 =	rddreg [dreg:$0x1a]  }
0x10d: {  	[tilespmem:s1], [sflag:$0x1] =	stream.indirect_vreg.gather [hbm4b:s4+s2], $0x80, v5, vm0, $0xb8;
	[tilespmem:$0x18480] =	vst v63  }
0x10e: {  	s10 =	rddreg [dreg:$0x1b]  }
0x10f: {  	[tilespmem:s10], [sflag:$0x1] =	stream.indirect_vreg.gather [hbm4b:s5+s2], $0x80, v5, vm0, $0xb8;
	[tilespmem:$0x18480] =	vst v63  }
0x110: {  	v5 =	vld [tilespmem:$0x440];
	_ =	sdelay $0x4  }
0x111: {  	v6 =	vshrl.u32 v5, $0x3  }
0x112: {  	v6 =	vmul.u32 $0x30, v6  }
0x113: {  	v5 =	vand.u32 $0x7, v5  }
0x114: {  	v5 =	vor.u32 v5, v6  }
0x115: {  	v6 =	vperm.xlane v5, v2;
	_ =	sdelay $0x1  }
0x116: {  	v6 =	vadd.s32 v3, v6;
	_ =	sdelay $0x3  }
0x117: {  	v5 =	vperm.xlane v5, v4  }
0x118: {  	[tilespmem:s9], [sflag:$0x2] =	stream.indirect_vreg.gather [hbm4b:s3+s2], $0x80, v6, vm0, $0xb8;
	[tilespmem:$0x18480] =	vst v63  }
0x119: {  	s1 =	rddreg [dreg:$0x1c];
	v5 =	vadd.s32 v3, v5  }
0x11a: {  	[tilespmem:s1], [sflag:$0x2] =	stream.indirect_vreg.gather [hbm4b:s4+s2], $0x80, v6, vm0, $0xb8;
	[tilespmem:$0x18480] =	vst v63  }
0x11b: {  	s10 =	rddreg [dreg:$0x1d]  }
0x11c: {  	[tilespmem:s10], [sflag:$0x2] =	stream.indirect_vreg.gather [hbm4b:s5+s2], $0x80, v6, vm0, $0xb8;
	[tilespmem:$0x18480] =	vst v63  }
0x11d: {  	s1 =	rddreg [dreg:$0x1e]  }
0x11e: {  	[tilespmem:s1], [sflag:$0x2] =	stream.indirect_vreg.gather [hbm4b:s3+s2], $0x80, v5, vm0, $0xb8;
	[tilespmem:$0x18480] =	vst v63  }
0x11f: {  	s10 =	simm.s32 $0xE480  }
0x120: {  	[tilespmem:s10], [sflag:$0x2] =	stream.indirect_vreg.gather [hbm4b:s4+s2], $0x80, v5, vm0, $0xb8;
	[tilespmem:$0x18480] =	vst v63  }
0x121: {  	_ = 	snop  }
0x122: {  	[tilespmem:s11], [sflag:$0x2] =	stream.indirect_vreg.gather [hbm4b:s5+s2], $0x80, v5, vm0, $0xb8;
	[tilespmem:$0x18480] =	vst v63  }
0x123: {  	v5 =	vld [tilespmem:$0x450];
	_ =	sdelay $0x4  }
0x124: {  	v6 =	vshrl.u32 v5, $0x3  }
0x125: {  	v6 =	vmul.u32 $0x30, v6  }
0x126: {  	v5 =	vand.u32 $0x7, v5  }
0x127: {  	v5 =	vor.u32 v5, v6  }
0x128: {  	v6 =	vperm.xlane v5, v2;
	_ =	sdelay $0x1  }
0x129: {  	v6 =	vadd.s32 v3, v6;
	_ =	sdelay $0x3  }
0x12a: {  	v5 =	vperm.xlane v5, v4  }
0x12b: {  	[tilespmem:s12], [sflag:$0x2] =	stream.indirect_vreg.gather [hbm4b:s3+s2], $0x80, v6, vm0, $0xb8;
	[tilespmem:$0x18480] =	vst v63  }
0x12c: {  	v5 =	vadd.s32 v3, v5  }
0x12d: {  	[tilespmem:s13], [sflag:$0x2] =	stream.indirect_vreg.gather [hbm4b:s4+s2], $0x80, v6, vm0, $0xb8;
	[tilespmem:$0x18480] =	vst v63  }
0x12e: {  	_ = 	snop  }
0x12f: {  	[tilespmem:s14], [sflag:$0x2] =	stream.indirect_vreg.gather [hbm4b:s5+s2], $0x80, v6, vm0, $0xb8;
	[tilespmem:$0x18480] =	vst v63  }
0x130: {  	_ = 	snop  }
0x131: {  	[tilespmem:s15], [sflag:$0x2] =	stream.indirect_vreg.gather [hbm4b:s3+s2], $0x80, v5, vm0, $0xb8;
	[tilespmem:$0x18480] =	vst v63  }
0x132: {  	_ = 	snop  }
0x133: {  	[tilespmem:s16], [sflag:$0x2] =	stream.indirect_vreg.gather [hbm4b:s4+s2], $0x80, v5, vm0, $0xb8;
	[tilespmem:$0x18480] =	vst v63  }
0x134: {  	_ = 	snop  }
0x135: {  	[tilespmem:s17], [sflag:$0x2] =	stream.indirect_vreg.gather [hbm4b:s5+s2], $0x80, v5, vm0, $0xb8;
	[tilespmem:$0x18480] =	vst v63  }
0x136: {  	v5 =	vld [tilespmem:$0x460];
	_ =	sdelay $0x4  }
0x137: {  	v6 =	vshrl.u32 v5, $0x3  }
0x138: {  	v6 =	vmul.u32 $0x30, v6  }
0x139: {  	v5 =	vand.u32 $0x7, v5  }
0x13a: {  	v5 =	vor.u32 v5, v6  }
0x13b: {  	v6 =	vperm.xlane v5, v2;
	_ =	sdelay $0x1  }
0x13c: {  	v6 =	vadd.s32 v3, v6;
	_ =	sdelay $0x3  }
0x13d: {  	v5 =	vperm.xlane v5, v4  }
0x13e: {  	[tilespmem:s18], [sflag:$0x2] =	stream.indirect_vreg.gather [hbm4b:s3+s2], $0x80, v6, vm0, $0xb8;
	[tilespmem:$0x18480] =	vst v63  }
0x13f: {  	v5 =	vadd.s32 v3, v5  }
0x140: {  	[tilespmem:s19], [sflag:$0x2] =	stream.indirect_vreg.gather [hbm4b:s4+s2], $0x80, v6, vm0, $0xb8;
	[tilespmem:$0x18480] =	vst v63  }
0x141: {  	_ = 	snop  }
0x142: {  	[tilespmem:s20], [sflag:$0x2] =	stream.indirect_vreg.gather [hbm4b:s5+s2], $0x80, v6, vm0, $0xb8;
	[tilespmem:$0x18480] =	vst v63  }
0x143: {  	_ = 	snop  }
0x144: {  	[tilespmem:s21], [sflag:$0x2] =	stream.indirect_vreg.gather [hbm4b:s3+s2], $0x80, v5, vm0, $0xb8;
	[tilespmem:$0x18480] =	vst v63  }
0x145: {  	_ = 	snop  }
0x146: {  	[tilespmem:s22], [sflag:$0x2] =	stream.indirect_vreg.gather [hbm4b:s4+s2], $0x80, v5, vm0, $0xb8;
	[tilespmem:$0x18480] =	vst v63  }
0x147: {  	_ = 	snop  }
0x148: {  	[tilespmem:s23], [sflag:$0x2] =	stream.indirect_vreg.gather [hbm4b:s5+s2], $0x80, v5, vm0, $0xb8;
	[tilespmem:$0x18480] =	vst v63  }
0x149: {  	v5 =	vld [tilespmem:$0x470];
	_ =	sdelay $0x4  }
0x14a: {  	v6 =	vshrl.u32 v5, $0x3  }
0x14b: {  	v6 =	vmul.u32 $0x30, v6  }
0x14c: {  	v5 =	vand.u32 $0x7, v5  }
0x14d: {  	v5 =	vor.u32 v5, v6  }
0x14e: {  	v2 =	vperm.xlane v5, v2;
	_ =	sdelay $0x1  }
0x14f: {  	v2 =	vadd.s32 v3, v2;
	_ =	sdelay $0x3  }
0x150: {  	v4 =	vperm.xlane v5, v4  }
0x151: {  	[tilespmem:s24], [sflag:$0x2] =	stream.indirect_vreg.gather [hbm4b:s3+s2], $0x80, v2, vm0, $0xb8;
	[tilespmem:$0x18480] =	vst v63  }
0x152: {  	v3 =	vadd.s32 v3, v4  }
0x153: {  	[tilespmem:s25], [sflag:$0x2] =	stream.indirect_vreg.gather [hbm4b:s4+s2], $0x80, v2, vm0, $0xb8;
	[tilespmem:$0x18480] =	vst v63  }
0x154: {  	_ = 	snop  }
0x155: {  	[tilespmem:s26], [sflag:$0x2] =	stream.indirect_vreg.gather [hbm4b:s5+s2], $0x80, v2, vm0, $0xb8;
	[tilespmem:$0x18480] =	vst v63  }
0x156: {  	_ = 	snop  }
0x157: {  	[tilespmem:s28], [sflag:$0x2] =	stream.indirect_vreg.gather [hbm4b:s3+s2], $0x80, v3, vm0, $0xb8;
	[tilespmem:$0x18480] =	vst v63  }
0x158: {  	_ = 	snop  }
0x159: {  	[tilespmem:s29], [sflag:$0x2] =	stream.indirect_vreg.gather [hbm4b:s4+s2], $0x80, v3, vm0, $0xb8;
	[tilespmem:$0x18480] =	vst v63  }
0x15a: {  	_ = 	snop  }
0x15b: {  	[tilespmem:s30], [sflag:$0x2] =	stream.indirect_vreg.gather [hbm4b:s5+s2], $0x80, v3, vm0, $0xb8;
	[tilespmem:$0x18480] =	vst v63  }
0x15c: {  	_ =	swait.ge [sflag:s31], $0xC000  }
0x15d: {  	[sflag:s31] =	ssyncset.done $0x0  }
0x15e: {  	s10 =	rddreg [dreg:$0x3];
	[sflag:s31] =	ssyncadd.s32 $0xFFFF4000  }
0x15f: {  	[hbm4b:s10+s2] =	stream.linear.scatter [tilespmem:s8], [sflag:$0x3], $0xC000, $0x38;
	[tilespmem:$0x18480] =	vst v63  }
0x160: {  	_ =	swait.ge [sflag:s7], $0xC000  }
0x161: {  	[sflag:s7] =	ssyncset.done $0x0  }
0x162: {  	[sflag:s7] =	ssyncadd.s32 $0xFFFF4000  }
0x163: {  	_ =	swait.ge [sflag:s0], $0xC000  }
0x164: {  	p0 =	sne.s32 s6, $0x1;
	[sflag:s0] =	ssyncset.done $0x0  }
.Ltmp0:
0x165: {  	s10 =	rddreg [dreg:$0x4];
	[sflag:s0] =	ssyncadd.s32 $0xFFFF4000;
	(pc) =	sbr.rel @p0 .LBB2_1-.Ltmp0, $4  }
0x166: {  	[hbm4b:s10+s2] =	stream.linear.scatter [tilespmem:s9], [sflag:$0x3], $0xC000, $0x38;
	[tilespmem:$0x18480] =	vst v63  }
0x167: {  	_ =	swait.ge [sflag:s7], $0xC000  }
0x168: {  	[sflag:s7] =	ssyncset.done $0x0  }
0x169: {  	s6 =	sadd.s32 $0xFFFFFFFF, s6;
	[sflag:s7] =	ssyncadd.s32 $0xFFFF4000  }
0x16a: {  	_ =	sfence.sel $0x180000  }
0x16b: {  	[bflag:$0x0] =	sbarrier.arrive $0xFFFF  }
0x16c: {  	_ =	strace $0x9000004A  }
0x16d: {  	s0 =	stileid.u32;
	[bflag:$0x2] =	sbarrier.arrive $0xFFFF  }
0x16e: {  	p0 =	sne.s32 s0, $0x0;
	s0 =	rddreg [dreg:$0x1]  }
0x16f: {  	s0 =	sadd.s32 @!p0 $0x100000, s0  }
0x170: {  	[sflag:s0] =	ssyncadd.tile.s32 @!p0 $0x1;
	_ =	shalt  }
.Lfunc_end2:
_tile_overlayer_lowered:
.L_overlay_start_2:
0x171: {  	(tag) =	ssettag $0x2  }
0x172: {  	s0 =	rddreg [dreg:$0x0];
	s2 =	stileid.u32  }
0x173: {  	s1 =	rddreg [dreg:$0x1];
	p0 =	sne.s32 s2, $0x0  }
0x174: {  	s3 =	rddreg [dreg:$0x2];
	[bflag:$0x3] =	sbarrier.arrive $0xFFFF;
	s2 =	simm.s32 @!p0 $0x1C03  }
0x175: {  	[timem:s3], [sflag:s2] =	dma.local @!p0 [hbm:s0], s1  }
0x176: {  	s0 =	simm.s32 @!p0 $0x3  }
0x177: {  	_ =	swait.ge @!p0 [sflag:s0], s1  }
0x178: {  	s1 =	ssub.s32 @!p0 $0x0, s1;
	[sflag:s0] =	ssyncset.done @!p0 $0x0  }
0x179: {  	[sflag:s0] =	ssyncadd.s32 @!p0 s1  }
0x17a: {  	[bflag:$0x3] =	sbarrier.arrive $0xFFFF  }
0x17b: {  	_ =	shalt  }

// kernel: _impl.8.cloned.1.call-start
scs
__scs_entry_jumppad:
0x0: {  	(pc) =	sbr.rel $0x88, $3  }
0x1: {  	(tag) =	ssettag $0x0;
	lr =	simm.s32 $0x1  }
0x2: {  	[smem:$0x3F95] =	sst lr;
	_ =	strace $0xD0000000  }
0x3: {  	_ = 	snop  }
0x4: {  	_ = 	snop  }
0x5: {  	_ = 	snop  }
0x6: {  	_ = 	snop  }
0x7: {  	_ = 	snop  }
__scs_overlays_trampoline_lowered:
0x8: {  	[smem:$0x3FA4] =	sst s0  }
0x9: {  	[smem:$0x3FA5] =	sst s1  }
0xa: {  	[smem:$0x3FA6] =	sst s2  }
0xb: {  	[smem:$0x3FA7] =	sst s3  }
0xc: {  	[smem:$0x3FA8] =	sst s4  }
0xd: {  	[smem:$0x3FA9] =	sst s5  }
0xe: {  	[smem:$0x3FAA] =	sst s6  }
0xf: {  	[smem:$0x3FAB] =	sst s7  }
0x10: {  	[smem:$0x3FAC] =	sst s8  }
0x11: {  	[smem:$0x3FAD] =	sst s9;
	s0 =	simm.s32 @!p0 $0x0  }
0x12: {  	s1 =	sld [smem:$0x3F93];
	s0 =	simm.s32 @p0 $0x1  }
0x13: {  	[smem:$0x3FAE] =	sst s0;
	s0 =	simm.s32 @!p1 $0x0  }
0x14: {  	s2 =	sld [smem:$0x3F92];
	s0 =	simm.s32 @p1 $0x1  }
0x15: {  	[smem:$0x3FAF] =	sst s0;
	s0 =	simm.s32 @!p2 $0x0  }
0x16: {  	s3 =	sld [smem:$0x3FDB];
	s0 =	simm.s32 @p2 $0x1  }
0x17: {  	s4 =	simm.s32 $0x1BF5;
	[smem:$0x3FB1] =	sst s0  }
0x18: {  	s0 =	sld [smem:$0x3F94];
	_ =	swait.ge [sflag:s4], $0x0  }
0x19: {  	s7 =	sld [smem:$0x3F95]  }
0x1a: {  	s8 =	sadd.s32 $0xFFFFE003, lr  }
0x1b: {  	s9 =	sadd.s32 $0xFFFFFEF7, lr;
	s5 =	simm.s32 $0xFFFFFFFF;
	p2 =	slt.u32 s8, $0xFFFFF086  }
0x1c: {  	p1 =	slt.u32 s9, $0xF7A;
	s5 =	simm.s32 @!p2 $0x0  }
0x1d: {  	s5 =	simm.s32 @p1 $0x1;
	p0 =	seq.s32 s7, s2  }
0x1e: {  	s7 =	smul.u32 @!p0 $0xF7A, s2;
	p2 =	seq.s32 @!p0 s5, $0x0  }
0x1f: {  	s9 =	smul.u32 $0xF7A, s1;
	s8 =	simm.s32 @!p0 $0x1BF5;
	p2 =	por !p2, p0  }
0x20: {  	[sflag:s8] =	ssyncset.s32 @!p0 $0xFFFFF086;
	s6 =	sadd.s32 @!p0 s3, s7;
	s7 =	simm.s32 @!p0 $0x108  }
0x21: {  	s3 =	sadd.s32 s3, s9;
	s6 =	sadd.s32 @!p0 $0x88, s6;
	s7 =	simm.s32 @p2 $0x1082  }
0x22: {  	[simem:s7], [sflag:s8] =	dma.local @!p0 [hbm:s6], $0xF7A  }
0x23: {  	s9 =	sor.u32 $0xD0000000, s2;
	s6 =	simm.s32 $0x108;
	_ =	swait.ge @!p0 [sflag:s8], $0x0  }
0x24: {  	s3 =	sadd.s32 $0x88, s3;
	s6 =	simm.s32 @!p1 $0x1082;
	[sflag:s4] =	ssyncset.s32 $0xFFFFF086  }
0x25: {  	[simem:s6], [sflag:s4] =	dma.local [hbm:s3], $0xF7A  }
0x26: {  	[smem:$0x3F95] =	sst s1;
	(tag) =	ssettag s2;
	_ =	strace s9  }
0x27: {  	s1 =	sld [smem:$0x3FA5]  }
0x28: {  	s2 =	sld [smem:$0x3FA6]  }
0x29: {  	s4 =	sld [smem:$0x3FA8]  }
0x2a: {  	p0 =	seq.s32 s5, $0x0;
	s5 =	sld [smem:$0x3FA9]  }
0x2b: {  	s6 =	sld [smem:$0x3FAA]  }
0x2c: {  	s7 =	sld [smem:$0x3FAB]  }
0x2d: {  	s3 =	simm.s32 $0x108;
	s8 =	sld [smem:$0x3FAC]  }
0x2e: {  	s3 =	simm.s32 @!p0 $0x1082;
	s9 =	sld [smem:$0x3FAD]  }
0x2f: {  	lr =	sadd.s32 s0, s3;
	s0 =	sld [smem:$0x3FA4]  }
0x30: {  	s3 =	sld [smem:$0x3FA7]  }
0x31: {  	[smem:$0x3FB0] =	sst s10  }
0x32: {  	s10 =	sld [smem:$0x3FAE];
	_ =	sdelay $0x3  }
0x33: {  	p0 =	seq.s32 s10, $0x1;
	s10 =	sld [smem:$0x3FB0];
	_ =	sdelay $0x3  }
0x34: {  	[smem:$0x3FB0] =	sst s10  }
0x35: {  	s10 =	sld [smem:$0x3FAF];
	_ =	sdelay $0x3  }
0x36: {  	p1 =	seq.s32 s10, $0x1;
	s10 =	sld [smem:$0x3FB0];
	_ =	sdelay $0x3  }
0x37: {  	[smem:$0x3FB0] =	sst s10  }
0x38: {  	s10 =	sld [smem:$0x3FB1]  }
0x39: {  	_ = 	snop;
	(pc) =	sbr.ind lr, $3  }
0x3a: {  	_ = 	snop  }
0x3b: {  	_ = 	snop  }
0x3c: {  	p2 =	seq.s32 s10, $0x1;
	s10 =	sld [smem:$0x3FB0]  }
0x3d: {  	_ =	shalt  }
0x3e: {  	_ =	shalt  }
0x3f: {  	_ =	shalt  }
0x40: {  	_ =	shalt  }
0x41: {  	_ =	shalt  }
0x42: {  	_ =	shalt  }
0x43: {  	_ =	shalt  }
0x44: {  	_ =	shalt  }
0x45: {  	_ =	shalt  }
0x46: {  	_ =	shalt  }
0x47: {  	_ =	shalt  }
0x48: {  	_ =	shalt  }
0x49: {  	_ =	shalt  }
0x4a: {  	_ =	shalt  }
0x4b: {  	_ =	shalt  }
0x4c: {  	_ =	shalt  }
0x4d: {  	_ =	shalt  }
0x4e: {  	_ =	shalt  }
0x4f: {  	_ =	shalt  }
0x50: {  	_ =	shalt  }
0x51: {  	_ =	shalt  }
0x52: {  	_ =	shalt  }
0x53: {  	_ =	shalt  }
0x54: {  	_ =	shalt  }
0x55: {  	_ =	shalt  }
0x56: {  	_ =	shalt  }
0x57: {  	_ =	shalt  }
0x58: {  	_ =	shalt  }
0x59: {  	_ =	shalt  }
0x5a: {  	_ =	shalt  }
0x5b: {  	_ =	shalt  }
0x5c: {  	_ =	shalt  }
0x5d: {  	_ =	shalt  }
0x5e: {  	_ =	shalt  }
0x5f: {  	_ =	shalt  }
0x60: {  	_ =	shalt  }
0x61: {  	_ =	shalt  }
0x62: {  	_ =	shalt  }
0x63: {  	_ =	shalt  }
0x64: {  	_ =	shalt  }
0x65: {  	_ =	shalt  }
0x66: {  	_ =	shalt  }
0x67: {  	_ =	shalt  }
0x68: {  	_ =	shalt  }
0x69: {  	_ =	shalt  }
0x6a: {  	_ =	shalt  }
0x6b: {  	_ =	shalt  }
0x6c: {  	_ =	shalt  }
0x6d: {  	_ =	shalt  }
0x6e: {  	_ =	shalt  }
0x6f: {  	_ =	shalt  }
0x70: {  	_ =	shalt  }
0x71: {  	_ =	shalt  }
0x72: {  	_ =	shalt  }
0x73: {  	_ =	shalt  }
0x74: {  	_ =	shalt  }
0x75: {  	_ =	shalt  }
0x76: {  	_ =	shalt  }
0x77: {  	_ =	shalt  }
0x78: {  	_ =	shalt  }
0x79: {  	_ =	shalt  }
0x7a: {  	_ =	shalt  }
0x7b: {  	_ =	shalt  }
0x7c: {  	_ =	shalt  }
0x7d: {  	_ =	shalt  }
0x7e: {  	_ =	shalt  }
0x7f: {  	_ =	shalt  }
0x80: {  	_ =	shalt  }
0x81: {  	_ =	shalt  }
0x82: {  	_ =	shalt  }
0x83: {  	_ =	shalt  }
0x84: {  	_ =	shalt  }
0x85: {  	_ =	shalt  }
0x86: {  	_ =	shalt  }
0x87: {  	_ =	shalt  }
.Lfunc_end0:
.L_simem_size_0:
called_computation_lowered:
.L_overlay_start_0:
0x88: {  	s2 =	sld [smem:$0x3FD9]  }
0x89: {  	s3 =	sld [smem:$0x3FFE];
	_ =	sdelay $0x1  }
0x8a: {  	s1 =	srdreg.scid  }
0x8b: {  	s0 =	sand.u32 $0x1, s1  }
0x8c: {  	s17 =	sshll.u32 s0, $0xA;
	s2 =	sadd.s32 s3, s2  }
0x8d: {  	s2 =	sadd.s32 s2, s17  }
0x8e: {  	[smem:$0x3FBC] =	sst s2  }
0x8f: {  	_ = 	snop  }
0x90: {  	s2 =	sld [smem:$0x3FC9]  }
0x91: {  	s18 =	sld [smem:$0x3FD0];
	(tm) =	ssettm $0x1  }
0x92: {  	s4 =	sld [smem:$0x3FFB];
	_ =	sdelay $0x3  }
0x93: {  	_ =	strace s4  }
0x94: {  	s4 =	sld [smem:$0x3FFC];
	_ =	sdelay $0x3  }
0x95: {  	_ =	strace s4  }
0x96: {  	s4 =	sld [smem:$0x3FFD];
	_ =	sdelay $0x3  }
0x97: {  	_ =	strace s4  }
0x98: {  	_ =	strace $0x8FFFFFFF  }
0x99: {  	s19 =	sld [smem:$0x3FDB];
	_ =	sdelay $0x1  }
0x9a: {  	s5 =	simm.s32 $_scs_section_size  }
0x9b: {  	s6 =	simm.s32 $_size__tile_overlayer_lowered;
	s7 =	simm.s32 $_tile_overlayer_lowered  }
0x9c: {  	s22 =	simm.s32 $0x1BFF;
	s21 =	sshll.u32 s7, $0x1;
	s4 =	sadd.s32 s5, s19  }
0x9d: {  	s8 =	simm.s32 $0x0;
	s20 =	sshll.u32 s6, $0x1;
	s6 =	sadd.s32 s21, s4  }
0x9e: {  	[timem:s8], [sflag:s22] =	dma.local [hbm:s6], s20  }
0x9f: {  	_ =	swait.ge [sflag:s22], s20  }
0xa0: {  	s5 =	ssub.s32 $0x0, s20;
	[sflag:s22] =	ssyncset.done $0x0  }
0xa1: {  	[sflag:s22] =	ssyncadd.s32 s5;
	_ =	sdelay $0x1  }
0xa2: {  	s23 =	simm.s32 $0x1B8B  }
0xa3: {  	_ =	swait.ge [sflag:s23], $0x1  }
0xa4: {  	[sflag:s23] =	ssyncset.done $0x0  }
0xa5: {  	s25 =	simm.s32 $0x1B8E;
	s24 =	sld [smem:$0x3FFE];
	[sflag:s23] =	ssyncadd.s32 $0xFFFFFFFF  }
0xa6: {  	s26 =	simm.s32 $execute0_lowered;
	[smem:$0x3FD2] =	sst s25  }
0xa7: {  	s6 =	sshll.u32 s26, $0x1;
	_ =	strace $0x80000046;
	[dreg:$0x1] =	wrdreg $0xFFFFFFFF  }
0xa8: {  	s28 =	simm.s32 $_size_execute0_lowered;
	s4 =	sadd.s32 s4, s6;
	[dreg:$0x0] =	wrdreg $0x0  }
0xa9: {  	s6 =	sshll.u32 s28, $0x1;
	[dreg:$0x2] =	wrdreg s4  }
0xaa: {  	[dreg:$0x3] =	wrdreg s6  }
0xab: {  	[dreg:$0x4] =	wrdreg $0xC0  }
0xac: {  	_ =	task [dreg:s8], $0x5FFFF  }
0xad: {  	[dreg:$0x1] =	wrdreg $0xFFFFFFFF  }
0xae: {  	[dreg:$0x0] =	wrdreg $0x60  }
0xaf: {  	[dreg:$0x2] =	wrdreg s24  }
0xb0: {  	[dreg:$0x3] =	wrdreg s2  }
0xb1: {  	[dreg:$0x4] =	wrdreg s18  }
0xb2: {  	[dreg:$0x5] =	wrdreg $0x93000  }
0xb3: {  	[dreg:$0x6] =	wrdreg $0x9  }
0xb4: {  	_ =	task.clear_ibuf [dreg:s8], $0x7FFFF;
	_ =	strace $0x90000046  }
0xb5: {  	s29 =	simm.s32 $0x9;
	_ =	strace $0x80000048  }
0xb6: {  	_ =	swait.ge [sflag:s29], $0x1  }
0xb7: {  	[sflag:s29] =	ssyncadd.s32 $0xFFFFFFFF  }
0xb8: {  	_ =	strace $0x90000048  }
0xb9: {  	_ =	sfence  }
0xba: {  	s30 =	sld [smem:$0x0];
	_ =	sdelay $0x2  }
0xbb: {  	s31 =	sshll.u32 s1, $0xD;
	s1 =	sshrl.u32 s1, $0x2  }
0xbc: {  	s3 =	sand.u32 $0x4000, s31;
	s1 =	sadd.s32 s1, s30  }
0xbd: {  	s0 =	sor.u32 s3, s0;
	s1 =	sshll.u32 s1, $0x11  }
0xbe: {  	s0 =	sor.u32 s1, s0  }
0xbf: {  	s0 =	sadd.s32 $0x8F2B, s0  }
0xc0: {  	[sflag:s0] =	ssyncadd.remote.s32 $0x1  }
0xc1: {  	_ =	sfence.sel $0xFFFF  }
0xc2: {  	[dreg:$0x0] =	wrdreg $0xFFFFFFFF;
	(pc) =	sbr.abs _section_cstart, $3  }
0xc3: {  	[dreg:$0x1] =	wrdreg $0xFFFFFFFF  }
0xc4: {  	_ =	task.clear_ibuf [dreg:s8], $0x2FFFF;
	_ =	strace $0x9FFFFFFF  }
0xc5: {  	(tm) =	ssettm $0x7FFFFFFF  }
tec
execute0_lowered:
.L_overlay_start_1:
0x0: {  	(tag) =	ssettag $0x1  }
0x1: {  	s0 =	rddreg [dreg:$0x0]  }
0x2: {  	s1 =	rddreg [dreg:$0x1]  }
0x3: {  	s2 =	rddreg [dreg:$0x2]  }
0x4: {  	s4 =	rddreg [dreg:$0x3];
	s5 =	srdreg.scid  }
0x5: {  	s3 =	simm.s32 $0x0;
	s15 =	stileid.u32;
	s16 =	simm.s32 $0x4000  }
0x6: {  	s17 =	simm.s32 $0x8000;
	s18 =	simm.s32 $0x8180;
	s28 =	simm.s32 $0x133C8  }
0x7: {  	s29 =	simm.s32 $0x13BC8;
	s30 =	simm.s32 $0x143C8;
	s31 =	simm.s32 $0x14BC8  }
0x8: {  	s5 =	sand.u32 $0x1, s5;
	[smem:$0x7FF] =	sst s3;
	s19 =	sadd.s32 $0x2C00, s0  }
0x9: {  	s9 =	sadd.s32 $0x3400, s0;
	s23 =	sshrl.u32 s15, $0x2;
	s10 =	sshll.u32 s15, $0x6  }
0xa: {  	s25 =	smul.u32 $0x440, s15;
	p0 =	sgt.u32 s15, $0x3;
	s6 =	sshll.u32 s5, $0x2  }
0xb: {  	_ =	strace $0x80000047;
	[dreg:$0x5] =	wrdreg s19;
	s7 =	ssub.s32 $0x2, s5  }
0xc: {  	[dreg:$0x6] =	wrdreg s9;
	s5 =	sshll.u32 s5, $0xA;
	s11 =	sshll.u32 s23, $0x8  }
0xd: {  	s10 =	sand.u32 $0xC0, s10;
	s19 =	simm.s32 $0x8300;
	s9 =	simm.s32 $0x10BC8  }
0xe: {  	s8 =	sadd.s32 s15, s6;
	s21 =	sshrl.u32 s7, $0x1;
	s5 =	sor.u32 s5, s11  }
0xf: {  	s11 =	sshrl.u32 s25, $0x2;
	s15 =	simm.s32 $0x2;
	s25 =	simm.s32 $0x123C8  }
0x10: {  	s20 =	sshll.u32 s8, $0x4;
	s6 =	ssub.s32 s7, s21;
	s22 =	sshll.u32 s8, $0x8  }
0x11: {  	s7 =	smul.u32 $0x440, s23;
	s5 =	sor.u32 s10, s5;
	s26 =	sadd.s32 s11, s4  }
0x12: {  	s11 =	sadd.s32 $0x100, s1;
	s21 =	simm.s32 $0x400;
	s23 =	simm.s32 $0x93C8  }
0x13: {  	v0 =	vmov s8;
	s8 =	simm.s32 $0x103C8;
	s0 =	sadd.s32 s20, s0;
	s5 =	sshrl.u32 s5, $0x3  }
0x14: {  	[dreg:$0xa] =	wrdreg s26;
	s14 =	smax.u32 s6, $0x1;
	s20 =	simm.s32 $0x80  }
0x15: {  	v1 =	vmov s22;
	s22 =	simm.s32 $0x113C8;
	s26 =	simm.s32 $0x12BC8;
	s24 =	sadd.s32 $0x3C00, s0  }
0x16: {  	s12 =	sadd.s32 $0x3E00, s0;
	s7 =	sshrl.u32 s7, $0x2;
	[dreg:$0x7] =	wrdreg s24  }
.Ltmp0:
0x17: {  	s0 =	sadd.s32 $0x4000, s0;
	[dreg:$0x8] =	wrdreg s12;
	(pc) =	sbr.rel .LBB2_1-.Ltmp0, $4  }
0x18: {  	s5 =	smul.u32 $0x300, s5;
	s7 =	sadd.s32 s7, s4;
	[dreg:$0x9] =	wrdreg s0  }
0x19: {  	v2 =	vimm.s32 $0x0;
	v3 =	vimm.f32 $0.0e+00;
	v4 =	vlaneseq.u32;
	s12 =	sadd.s32 $0x200, s1;
	s4 =	simm.s32 $0x9348;
	s24 =	simm.s32 $0x11BC8  }
0x1a: {  	v5 =	vimm.s32 $0x800;
	vm0 =	vmmov $0xffff;
	v7 =	vshrl.u32 v4, $0x3;
	s0 =	simm.s32 $0x1;
	s10 =	sadd.s32 s10, s7;
	s13 =	sadd.s32 s2, s5  }
0x1b: {  	v6 =	vand.u32 $0x7, v4;
	v8 =	vor.u32 $0x8, v4;
	v7 =	vmul.u32 $0x8, v7;
	s5 =	simm.s32 $0x9BC8;
	s7 =	simm.s32 $0xFBC8;
	s2 =	simm.s32 $0x0  }
.LBB2_6:
0x1c: {  	_ =	sdelay $0x4  }
0x1d: {  	[tilespmem:v11+s19+$0x0] =	vst.idx.msk vm1, v12  }
0x1e: {  	v11 =	vld.idx.msk [tilespmem:v10+s3+$0x0], $0xffff  }
0x1f: {  	v10 =	vld.idx.msk [tilespmem:v10+s16+$0x0], $0xffff;
	_ =	sdelay $0x3  }
0x20: {  	vm1 =	vgt.f32 v11, $0.0e+00;
	vm2 =	vlt.f32 v11, $0.0e+00  }
0x21: {  	vm3 =	vlt.s32 v10, $0x100;
	vm1 =	vmor vm1, vm2  }
0x22: {  	vm1 =	vmand vm1, vm3  }
0x23: {  	v10 =	vnsel vm1, $0x100, v10  }
0x24: {  	v13 =	vshll.u32 v9, $0x1;
	v63 =	vsel vm2, $0x1, v2  }
0x25: {  	v12 =	vor.u32 v63, v13;
	_ =	sdelay $0x2  }
0x26: {  	[tilespmem:v10+s17+$0x0] =	vst.idx.msk vm1, v9;
	v9 =	vand.u32 $0x7FFFFFFF, v11  }
0x27: {  	[tilespmem:v10+s18+$0x0] =	vst.idx.msk vm1, v9;
	v9 =	vadd.s32 v1, v10  }
0x28: {  	s4 =	rddreg [dreg:$0x7];
	[tilespmem:v12+s19+$0x0] =	vst.idx.msk vm1, v9  }
0x29: {  	[hbm4b:s4+s20] =	stream.strided.scatter [tilespmem:s17], [sflag:$0x2], $0x180, s21, s20, $0x38;
	[tilespmem:$0x153C8] =	vst v63  }
0x2a: {  	_ =	swait.ge [sflag:s15], $0x180  }
0x2b: {  	[sflag:s15] =	ssyncset.done $0x0  }
0x2c: {  	s6 =	rddreg [dreg:$0x8];
	[sflag:s15] =	ssyncadd.s32 $0xFFFFFE80  }
0x2d: {  	[hbm4b:s6+s20] =	stream.strided.scatter [tilespmem:s18], [sflag:$0x2], $0x180, s21, s20, $0x38;
	[tilespmem:$0x153C8] =	vst v63  }
0x2e: {  	_ =	swait.ge [sflag:s15], $0x180  }
0x2f: {  	[sflag:s15] =	ssyncset.done $0x0  }
0x30: {  	s5 =	rddreg [dreg:$0x9];
	[sflag:s15] =	ssyncadd.s32 $0xFFFFFE80  }
0x31: {  	[hbm4b:s5+s20] =	stream.strided.scatter [tilespmem:s19], [sflag:$0x2], $0x1000, s21, s20, $0x38;
	[tilespmem:$0x153C8] =	vst v63  }
0x32: {  	_ =	swait.ge [sflag:s15], $0x1000  }
0x33: {  	[sflag:s15] =	ssyncset.done $0x0  }
0x34: {  	s6 =	rddreg [dreg:$0xa];
	[sflag:s15] =	ssyncadd.s32 $0xFFFFF000  }
0x35: {  	[spmem:s6] =	stream.linear.scatter [tilespmem:s17], [sflag:$0x2], $0x110, $0x38;
	[tilespmem:$0x153C8] =	vst v63  }
0x36: {  	_ =	swait.ge [sflag:s15], $0x110  }
0x37: {  	[sflag:s15] =	ssyncset.done $0x0  }
0x38: {  	s4 =	simm.s32 $0x9348;
	s5 =	simm.s32 $0x9BC8;
	[sflag:s15] =	ssyncadd.s32 $0xFFFFFEF0  }
.LBB2_7:
0x39: {  	[bflag:$0x0] =	sbarrier.arrive $0xFFFF  }
0x3a: {  	[tilespmem:s4], [sflag:$0x2] =	stream.linear.gather [spmem:s10], $0x40, $0x38;
	[tilespmem:$0x153C8] =	vst v63  }
0x3b: {  	_ =	swait.ge [sflag:s15], $0x40  }
0x3c: {  	[sflag:s15] =	ssyncset.done $0x0  }
0x3d: {  	[sflag:s15] =	ssyncadd.s32 $0xFFFFFFC0  }
0x3e: {  	v9 =	vld [tilespmem:$0x9348];
	_ =	sdelay $0x4  }
0x3f: {  	v10 =	vshrl.u32 v9, $0x3  }
0x40: {  	v10 =	vmul.u32 $0x30, v10  }
0x41: {  	v9 =	vand.u32 $0x7, v9  }
0x42: {  	v9 =	vor.u32 v9, v10  }
0x43: {  	v10 =	vperm.xlane v9, v6;
	_ =	sdelay $0x1  }
0x44: {  	v10 =	vadd.s32 v7, v10;
	_ =	sdelay $0x3  }
0x45: {  	v9 =	vperm.xlane v9, v8  }
0x46: {  	[tilespmem:s23], [sflag:$0x1] =	stream.indirect_vreg.gather [hbm4b:s1+s3], $0x80, v10, vm0, $0xb8;
	[tilespmem:$0x153C8] =	vst v63  }
0x47: {  	v9 =	vadd.s32 v7, v9  }
0x48: {  	[tilespmem:s5], [sflag:$0x1] =	stream.indirect_vreg.gather [hbm4b:s11+s3], $0x80, v10, vm0, $0xb8;
	[tilespmem:$0x153C8] =	vst v63  }
0x49: {  	s6 =	simm.s32 $0xA3C8  }
0x4a: {  	[tilespmem:s6], [sflag:$0x1] =	stream.indirect_vreg.gather [hbm4b:s12+s3], $0x80, v10, vm0, $0xb8;
	[tilespmem:$0x153C8] =	vst v63  }
0x4b: {  	s6 =	simm.s32 $0xABC8  }
0x4c: {  	[tilespmem:s6], [sflag:$0x1] =	stream.indirect_vreg.gather [hbm4b:s1+s3], $0x80, v9, vm0, $0xb8;
	[tilespmem:$0x153C8] =	vst v63  }
0x4d: {  	s6 =	simm.s32 $0xB3C8  }
0x4e: {  	[tilespmem:s6], [sflag:$0x1] =	stream.indirect_vreg.gather [hbm4b:s11+s3], $0x80, v9, vm0, $0xb8;
	[tilespmem:$0x153C8] =	vst v63  }
0x4f: {  	s6 =	simm.s32 $0xBBC8  }
0x50: {  	[tilespmem:s6], [sflag:$0x1] =	stream.indirect_vreg.gather [hbm4b:s12+s3], $0x80, v9, vm0, $0xb8;
	[tilespmem:$0x153C8] =	vst v63  }
0x51: {  	v9 =	vld [tilespmem:$0x9358];
	_ =	sdelay $0x4  }
0x52: {  	v10 =	vshrl.u32 v9, $0x3  }
0x53: {  	v10 =	vmul.u32 $0x30, v10  }
0x54: {  	v9 =	vand.u32 $0x7, v9  }
0x55: {  	v9 =	vor.u32 v9, v10  }
0x56: {  	v10 =	vperm.xlane v9, v6;
	_ =	sdelay $0x1  }
0x57: {  	v10 =	vadd.s32 v7, v10;
	_ =	sdelay $0x3  }
0x58: {  	s6 =	simm.s32 $0xC3C8;
	v9 =	vperm.xlane v9, v8  }
0x59: {  	[tilespmem:s6], [sflag:$0x1] =	stream.indirect_vreg.gather [hbm4b:s1+s3], $0x80, v10, vm0, $0xb8;
	[tilespmem:$0x153C8] =	vst v63  }
0x5a: {  	v9 =	vadd.s32 v7, v9;
	s6 =	simm.s32 $0xCBC8  }
0x5b: {  	[tilespmem:s6], [sflag:$0x1] =	stream.indirect_vreg.gather [hbm4b:s11+s3], $0x80, v10, vm0, $0xb8;
	[tilespmem:$0x153C8] =	vst v63  }
0x5c: {  	s6 =	simm.s32 $0xD3C8  }
0x5d: {  	[tilespmem:s6], [sflag:$0x1] =	stream.indirect_vreg.gather [hbm4b:s12+s3], $0x80, v10, vm0, $0xb8;
	[tilespmem:$0x153C8] =	vst v63  }
0x5e: {  	s6 =	simm.s32 $0xDBC8  }
0x5f: {  	[tilespmem:s6], [sflag:$0x1] =	stream.indirect_vreg.gather [hbm4b:s1+s3], $0x80, v9, vm0, $0xb8;
	[tilespmem:$0x153C8] =	vst v63  }
0x60: {  	s6 =	simm.s32 $0xE3C8  }
0x61: {  	[tilespmem:s6], [sflag:$0x1] =	stream.indirect_vreg.gather [hbm4b:s11+s3], $0x80, v9, vm0, $0xb8;
	[tilespmem:$0x153C8] =	vst v63  }
0x62: {  	s6 =	simm.s32 $0xEBC8  }
0x63: {  	[tilespmem:s6], [sflag:$0x1] =	stream.indirect_vreg.gather [hbm4b:s12+s3], $0x80, v9, vm0, $0xb8;
	[tilespmem:$0x153C8] =	vst v63  }
0x64: {  	v9 =	vld [tilespmem:$0x9368];
	_ =	sdelay $0x4  }
0x65: {  	v10 =	vshrl.u32 v9, $0x3  }
0x66: {  	v10 =	vmul.u32 $0x30, v10  }
0x67: {  	v9 =	vand.u32 $0x7, v9  }
0x68: {  	v9 =	vor.u32 v9, v10  }
0x69: {  	v10 =	vperm.xlane v9, v6;
	_ =	sdelay $0x1  }
0x6a: {  	v10 =	vadd.s32 v7, v10;
	_ =	sdelay $0x3  }
0x6b: {  	s6 =	simm.s32 $0xF3C8;
	v9 =	vperm.xlane v9, v8  }
0x6c: {  	[tilespmem:s6], [sflag:$0x1] =	stream.indirect_vreg.gather [hbm4b:s1+s3], $0x80, v10, vm0, $0xb8;
	[tilespmem:$0x153C8] =	vst v63  }
0x6d: {  	v9 =	vadd.s32 v7, v9  }
0x6e: {  	[tilespmem:s7], [sflag:$0x1] =	stream.indirect_vreg.gather [hbm4b:s11+s3], $0x80, v10, vm0, $0xb8;
	[tilespmem:$0x153C8] =	vst v63  }
0x6f: {  	_ = 	snop  }
0x70: {  	[tilespmem:s8], [sflag:$0x1] =	stream.indirect_vreg.gather [hbm4b:s12+s3], $0x80, v10, vm0, $0xb8;
	[tilespmem:$0x153C8] =	vst v63  }
0x71: {  	_ = 	snop  }
0x72: {  	[tilespmem:s9], [sflag:$0x1] =	stream.indirect_vreg.gather [hbm4b:s1+s3], $0x80, v9, vm0, $0xb8;
	[tilespmem:$0x153C8] =	vst v63  }
0x73: {  	_ = 	snop  }
0x74: {  	[tilespmem:s22], [sflag:$0x1] =	stream.indirect_vreg.gather [hbm4b:s11+s3], $0x80, v9, vm0, $0xb8;
	[tilespmem:$0x153C8] =	vst v63  }
0x75: {  	_ = 	snop  }
0x76: {  	[tilespmem:s24], [sflag:$0x1] =	stream.indirect_vreg.gather [hbm4b:s12+s3], $0x80, v9, vm0, $0xb8;
	[tilespmem:$0x153C8] =	vst v63  }
0x77: {  	v9 =	vld [tilespmem:$0x9378];
	_ =	sdelay $0x4  }
0x78: {  	v10 =	vshrl.u32 v9, $0x3  }
0x79: {  	v10 =	vmul.u32 $0x30, v10  }
0x7a: {  	v9 =	vand.u32 $0x7, v9  }
0x7b: {  	v9 =	vor.u32 v9, v10  }
0x7c: {  	v10 =	vperm.xlane v9, v6;
	_ =	sdelay $0x1  }
0x7d: {  	v10 =	vadd.s32 v7, v10;
	_ =	sdelay $0x3  }
0x7e: {  	v9 =	vperm.xlane v9, v8  }
0x7f: {  	[tilespmem:s25], [sflag:$0x1] =	stream.indirect_vreg.gather [hbm4b:s1+s3], $0x80, v10, vm0, $0xb8;
	[tilespmem:$0x153C8] =	vst v63  }
0x80: {  	v9 =	vadd.s32 v7, v9  }
0x81: {  	[tilespmem:s26], [sflag:$0x1] =	stream.indirect_vreg.gather [hbm4b:s11+s3], $0x80, v10, vm0, $0xb8;
	[tilespmem:$0x153C8] =	vst v63  }
0x82: {  	_ = 	snop  }
0x83: {  	[tilespmem:s28], [sflag:$0x1] =	stream.indirect_vreg.gather [hbm4b:s12+s3], $0x80, v10, vm0, $0xb8;
	[tilespmem:$0x153C8] =	vst v63  }
0x84: {  	_ = 	snop  }
0x85: {  	[tilespmem:s29], [sflag:$0x1] =	stream.indirect_vreg.gather [hbm4b:s1+s3], $0x80, v9, vm0, $0xb8;
	[tilespmem:$0x153C8] =	vst v63  }
0x86: {  	_ = 	snop  }
0x87: {  	[tilespmem:s30], [sflag:$0x1] =	stream.indirect_vreg.gather [hbm4b:s11+s3], $0x80, v9, vm0, $0xb8;
	[tilespmem:$0x153C8] =	vst v63  }
0x88: {  	_ = 	snop  }
0x89: {  	[tilespmem:s31], [sflag:$0x1] =	stream.indirect_vreg.gather [hbm4b:s12+s3], $0x80, v9, vm0, $0xb8;
	[tilespmem:$0x153C8] =	vst v63  }
0x8a: {  	s2 =	sadd.s32 $0x1, s2;
	_ =	swait.ge [sflag:s0], $0xC000  }
0x8b: {  	p1 =	sne.s32 s2, s14;
	[sflag:s0] =	ssyncset.done $0x0  }
.Ltmp1:
0x8c: {  	[sflag:s0] =	ssyncadd.s32 $0xFFFF4000;
	(pc) =	sbr.rel @!p1 .LBB2_8-.Ltmp1, $4  }
0x8d: {  	[hbm4b:s13+s3] =	stream.linear.scatter [tilespmem:s23], [sflag:$0x2], $0xC000, $0x38;
	[tilespmem:$0x153C8] =	vst v63  }
0x8e: {  	_ =	swait.ge [sflag:s15], $0xC000  }
0x8f: {  	[sflag:s15] =	ssyncset.done $0x0  }
0x90: {  	[sflag:s15] =	ssyncadd.s32 $0xFFFF4000  }
.LBB2_1:
.Ltmp2:
0x91: {  	(pc) =	sbr.rel @p0 .LBB2_7-.Ltmp2, $1  }
0x92: {  	_ =	sdelay $0x3  }
0x93: {  	[tilespmem:$0x8000] =	vst v2  }
0x94: {  	[tilespmem:$0x8180] =	vst v3  }
0x95: {  	[tilespmem:$0x8010] =	vst v2  }
0x96: {  	[tilespmem:$0x8190] =	vst v3  }
0x97: {  	[tilespmem:$0x8020] =	vst v2  }
0x98: {  	[tilespmem:$0x81A0] =	vst v3  }
0x99: {  	[tilespmem:$0x8030] =	vst v2  }
0x9a: {  	[tilespmem:$0x81B0] =	vst v3  }
0x9b: {  	[tilespmem:$0x8040] =	vst v2  }
0x9c: {  	[tilespmem:$0x81C0] =	vst v3  }
0x9d: {  	[tilespmem:$0x8050] =	vst v2  }
0x9e: {  	[tilespmem:$0x81D0] =	vst v3  }
0x9f: {  	[tilespmem:$0x8060] =	vst v2  }
0xa0: {  	[tilespmem:$0x81E0] =	vst v3  }
0xa1: {  	[tilespmem:$0x8070] =	vst v2  }
0xa2: {  	[tilespmem:$0x81F0] =	vst v3  }
0xa3: {  	[tilespmem:$0x8080] =	vst v2  }
0xa4: {  	[tilespmem:$0x8200] =	vst v3  }
0xa5: {  	[tilespmem:$0x8090] =	vst v2  }
0xa6: {  	[tilespmem:$0x8210] =	vst v3  }
0xa7: {  	[tilespmem:$0x80A0] =	vst v2  }
0xa8: {  	[tilespmem:$0x8220] =	vst v3  }
0xa9: {  	[tilespmem:$0x80B0] =	vst v2  }
0xaa: {  	[tilespmem:$0x8230] =	vst v3  }
0xab: {  	[tilespmem:$0x80C0] =	vst v2  }
0xac: {  	[tilespmem:$0x8240] =	vst v3  }
0xad: {  	[tilespmem:$0x80D0] =	vst v2  }
0xae: {  	[tilespmem:$0x8250] =	vst v3  }
0xaf: {  	[tilespmem:$0x80E0] =	vst v2  }
0xb0: {  	[tilespmem:$0x8260] =	vst v3  }
0xb1: {  	[tilespmem:$0x80F0] =	vst v2  }
0xb2: {  	[tilespmem:$0x8270] =	vst v3  }
0xb3: {  	[tilespmem:$0x8100] =	vst v2  }
0xb4: {  	[tilespmem:$0x8280] =	vst v3;
	s4 =	simm.s32 $0x40;
	s5 =	simm.s32 $0x0  }
.LBB2_3:
0xb5: {  	p1 =	sne.s32 s4, $0x3FC0;
	[tilespmem:s5+$0x8300] =	vst v5;
	s5 =	smov.u32 s4;
	s4 =	sadd.s32 $0x40, s4  }
.Ltmp3:
0xb6: {  	(pc) =	sbr.rel @p1 .LBB2_3-.Ltmp3, $2  }
0xb7: {  	_ =	sdelay $0x2  }
0xb8: {  	s5 =	sshra.s32 s5, $0x2  }
0xb9: {  	[tilespmem:s5+$0x8300] =	vst v5;
	s4 =	simm.s32 $0x0;
	s6 =	rddreg [dreg:$0x5]  }
0xba: {  	[tilespmem:s4], [sflag:$0x2] =	stream.linear.gather [hbm4b:s6+s4], $0x4000, $0x38;
	[tilespmem:$0x153C8] =	vst v63  }
0xbb: {  	v10 =	vor.u32 s4, v4;
	_ =	swait.ge [sflag:s15], $0x4000  }
0xbc: {  	v9 =	vshll.u32 v10, $0x3;
	[sflag:s15] =	ssyncset.done $0x0  }
0xbd: {  	v9 =	vor.u32 v0, v9;
	s6 =	rddreg [dreg:$0x6];
	[sflag:s15] =	ssyncadd.s32 $0xFFFFC000  }
0xbe: {  	[tilespmem:s16], [sflag:$0x2] =	stream.linear.gather [hbm4b:s6+s4], $0x4000, $0x38;
	[tilespmem:$0x153C8] =	vst v63  }
0xbf: {  	_ =	swait.ge [sflag:s15], $0x4000  }
0xc0: {  	[sflag:s15] =	ssyncset.done $0x0  }
0xc1: {  	[sflag:s15] =	ssyncadd.s32 $0xFFFFC000  }
0xc2: {  	v12 =	vld.idx.msk [tilespmem:v9+s3+$0x0], $0xffff  }
0xc3: {  	v9 =	vld.idx.msk [tilespmem:v9+s16+$0x0], $0xffff;
	_ =	sdelay $0x3  }
0xc4: {  	vm1 =	vgt.f32 v12, $0.0e+00;
	vm2 =	vlt.f32 v12, $0.0e+00  }
0xc5: {  	vm3 =	vlt.s32 v9, $0x100;
	vm1 =	vmor vm1, vm2  }
0xc6: {  	vm1 =	vmand vm1, vm3  }
0xc7: {  	v13 =	vnsel vm1, $0x100, v9;
	_ =	sdelay $0x1  }
0xc8: {  	s6 =	simm.s32 $0x10  }
0xc9: {  	v14 =	vshll.u32 v10, $0x1;
	v11 =	vsel vm2, $0x1, v2;
	v9 =	vor.u32 s6, v4  }
0xca: {  	v11 =	vor.u32 v11, v14;
	v15 =	vshll.u32 v9, $0x3  }
0xcb: {  	[tilespmem:v13+s17+$0x0] =	vst.idx.msk vm1, v10;
	v10 =	vor.u32 v0, v15;
	_ =	sdelay $0x1  }
0xcc: {  	v12 =	vand.u32 $0x7FFFFFFF, v12  }
0xcd: {  	s4 =	simm.s32 $0x20;
	[tilespmem:v13+s18+$0x0] =	vst.idx.msk vm1, v12;
	v12 =	vadd.s32 v1, v13  }
.LBB2_5:
0xce: {  	p1 =	sne.s32 s4, $0x7F0;
	[tilespmem:v11+s19+$0x0] =	vst.idx.msk vm1, v12;
	s5 =	smov.u32 s4;
	s4 =	sadd.s32 $0x10, s4  }
0xcf: {  	v12 =	vld.idx.msk [tilespmem:v10+s3+$0x0], $0xffff  }
0xd0: {  	v10 =	vld.idx.msk [tilespmem:v10+s16+$0x0], $0xffff;
	_ =	sdelay $0x4  }
0xd1: {  	vm1 =	vgt.f32 v12, $0.0e+00;
	vm2 =	vlt.f32 v12, $0.0e+00  }
0xd2: {  	vm1 =	vmor vm1, vm2;
	v11 =	vsel vm2, $0x1, v2;
	vm2 =	vlt.s32 v10, $0x100  }
0xd3: {  	vm1 =	vmand vm1, vm2  }
0xd4: {  	v13 =	vnsel vm1, $0x100, v10  }
0xd5: {  	v14 =	vor.u32 s5, v4;
	v10 =	vshll.u32 v9, $0x1  }
.Ltmp4:
0xd6: {  	v15 =	vshll.u32 v14, $0x3;
	v11 =	vor.u32 v11, v10;
	(pc) =	sbr.rel @p1 .LBB2_5-.Ltmp4, $3  }
0xd7: {  	v10 =	vor.u32 v0, v15;
	_ =	sdelay $0x1  }
0xd8: {  	v12 =	vand.u32 $0x7FFFFFFF, v12;
	[tilespmem:v13+s17+$0x0] =	vst.idx.msk vm1, v9;
	v9 =	vmov v14  }
0xd9: {  	[tilespmem:v13+s18+$0x0] =	vst.idx.msk vm1, v12;
	v12 =	vadd.s32 v1, v13  }
.Ltmp5:
0xda: {  	_ = 	snop;
	(pc) =	sbr.rel .LBB2_6-.Ltmp5, $1  }
0xdb: {  	_ =	sdelay $0x3  }
.LBB2_8:
0xdc: {  	_ =	sfence.sel $0x180000  }
0xdd: {  	[bflag:$0x0] =	sbarrier.arrive $0xFFFF  }
0xde: {  	_ =	strace $0x90000047  }
0xdf: {  	s0 =	stileid.u32;
	[bflag:$0x2] =	sbarrier.arrive $0xFFFF  }
0xe0: {  	p0 =	sne.s32 s0, $0x0;
	s0 =	rddreg [dreg:$0x4]  }
0xe1: {  	s0 =	sadd.s32 @!p0 $0x100000, s0  }
0xe2: {  	[sflag:s0] =	ssyncadd.tile.s32 @!p0 $0x1;
	_ =	shalt  }
.Lfunc_end2:
_tile_overlayer_lowered:
.L_overlay_start_2:
0xe3: {  	(tag) =	ssettag $0x2  }
0xe4: {  	s0 =	rddreg [dreg:$0x0];
	s2 =	stileid.u32  }
0xe5: {  	s1 =	rddreg [dreg:$0x1];
	p0 =	sne.s32 s2, $0x0  }
0xe6: {  	s3 =	rddreg [dreg:$0x2];
	[bflag:$0x3] =	sbarrier.arrive $0xFFFF;
	s2 =	simm.s32 @!p0 $0x1C02  }
0xe7: {  	[timem:s3], [sflag:s2] =	dma.local @!p0 [hbm:s0], s1  }
0xe8: {  	s0 =	simm.s32 @!p0 $0x2  }
0xe9: {  	_ =	swait.ge @!p0 [sflag:s0], s1  }
0xea: {  	s1 =	ssub.s32 @!p0 $0x0, s1;
	[sflag:s0] =	ssyncset.done @!p0 $0x0  }
0xeb: {  	[sflag:s0] =	ssyncadd.s32 @!p0 s1  }
0xec: {  	[bflag:$0x3] =	sbarrier.arrive $0xFFFF  }
0xed: {  	_ =	shalt  }

</sc_bundles>
